<compile_context>
chip_gen: v7x
topology: tpu7x:2x2x1
jax: 0.10.2.dev20260603
libtpu: 0.0.44.dev20260713+nightly
codegen_flags: <defaults>
</compile_context>

<pallas_src>
import jax
import jax.numpy as jnp
from jax import lax
from jax.experimental import pallas as pl
from jax.experimental.pallas import tpu as pltpu
from jax.experimental.pallas import tpu_sc as plsc

N_NODES = 10000
N_EDGES = 320000
D = 128
DH = D // 2
NC = 2
NS = 16
NW = NC * NS

CH = 80
NLOC = N_EDGES // (NS * CH)
NBUF = 5
NROUNDS = NLOC // NBUF

CCH = 80
CNLOC = N_EDGES // (NW * CCH)

ROWS_PER_TILE = N_NODES // NS
ZROWS = 125
CW = 16

_SC_PARAMS = pltpu.CompilerParams(use_tc_tiling_on_sc=False)


def _mesh():
    return plsc.VectorSubcoreMesh(core_axis_name="c", subcore_axis_name="s")


def _sc_agg_body(h_hbm, src_hbm, dst_hbm, out_hbm, idxs, idxd, rows, zbuf,
                 acc_sh, isem, *sems):
    gsem = sems[:NBUF]
    ssem = sems[NBUF:]
    c = lax.axis_index("c")
    s = lax.axis_index("s")

    idx_g = pltpu.async_copy(src_hbm.at[s], idxs, isem)
    idx_d = pltpu.async_copy(dst_hbm.at[s], idxd, isem)

    zero16 = jnp.zeros((16,), jnp.float32)
    def _zb(i, carry):
        zbuf[i // 4, pl.ds((i % 4) * 16, 16)] = zero16
        return carry
    lax.fori_loop(0, ZROWS * 4, _zb, 0)
    for i in range(5):
        pltpu.sync_copy(zbuf, acc_sh.at[pl.ds(s * ROWS_PER_TILE + i * ZROWS, ZROWS)])
    idx_g.wait()
    idx_d.wait()

    cn = c * N_NODES
    def _off(r, carry):
        for j in range(CH // 16):
            sl = pl.ds(j * 16, 16)
            idxs[r, sl] = idxs[r, sl] + cn
        return carry
    lax.fori_loop(0, NLOC, _off, 0)
    plsc.subcore_barrier()

    def _gather(b, j):
        pltpu.async_copy(h_hbm.at[idxs.at[j]], rows.at[b], gsem[b])

    def _wait_gather(b):
        pltpu.make_async_copy(h_hbm.at[idxs.at[0]], rows.at[b], gsem[b]).wait()

    def _scatter(b, j):
        pltpu.async_copy(rows.at[b], acc_sh.at[idxd.at[j]], ssem[b], add=True)

    def _wait_scatter(b):
        pltpu.make_async_copy(rows.at[b], acc_sh.at[idxd.at[0]], ssem[b]).wait()

    for b in range(NBUF):
        _gather(b, b)
    def _round(r, carry):
        j0 = r * NBUF
        for b in range(NBUF):
            _wait_gather(b)
            _scatter(b, j0 + b)
        for b in range(NBUF):
            _wait_scatter(b)
            _gather(b, j0 + NBUF + b)
        return carry
    lax.fori_loop(0, NROUNDS - 1, _round, 0)
    j0 = (NROUNDS - 1) * NBUF
    for b in range(NBUF):
        _wait_gather(b)
        _scatter(b, j0 + b)
    for b in range(NBUF):
        _wait_scatter(b)
    plsc.subcore_barrier()

    pltpu.sync_copy(acc_sh.at[pl.ds(s * ROWS_PER_TILE, ROWS_PER_TILE)],
                    out_hbm.at[c, pl.ds(s * ROWS_PER_TILE, ROWS_PER_TILE)])


def _make_sc_agg():
    return pl.kernel(
        _sc_agg_body,
        out_type=[jax.ShapeDtypeStruct((NC, N_NODES, DH), jnp.float32)],
        mesh=_mesh(),
        scratch_types=[
            pltpu.VMEM((NLOC, CH), jnp.int32),
            pltpu.VMEM((NLOC, CH), jnp.int32),
            pltpu.VMEM((NBUF, CH, DH), jnp.float32),
            pltpu.VMEM((ZROWS, DH), jnp.float32),
            pltpu.VMEM_SHARED((N_NODES, DH), jnp.float32),
            pltpu.SemaphoreType.DMA,
        ] + [pltpu.SemaphoreType.DMA] * (2 * NBUF),
        compiler_params=_SC_PARAMS,
    )


def _sc_count_body(dst_hbm, out_hbm, idxd, onesv, zcnt, cnt_sh, isem):
    c = lax.axis_index("c")
    s = lax.axis_index("s")
    wid = c * NS + s

    idx_d = pltpu.async_copy(dst_hbm.at[wid], idxd, isem)
    zero16 = jnp.zeros((16,), jnp.float32)
    one16 = jnp.ones((16,), jnp.float32)
    def _fill(i, carry):
        onesv[i, :] = one16
        return carry
    lax.fori_loop(0, CCH, _fill, 0)
    def _zc(i, carry):
        zcnt[i, :] = zero16
        return carry
    lax.fori_loop(0, ROWS_PER_TILE, _zc, 0)
    pltpu.sync_copy(zcnt, cnt_sh.at[pl.ds(s * ROWS_PER_TILE, ROWS_PER_TILE)])
    idx_d.wait()
    plsc.subcore_barrier()

    KB = 5
    def _edge(jb, carry):
        for k in range(KB):
            pltpu.async_copy(onesv, cnt_sh.at[idxd.at[jb * KB + k]], isem,
                             add=True)
        for k in range(KB):
            pltpu.make_async_copy(onesv, cnt_sh.at[idxd.at[0]], isem).wait()
        return carry
    lax.fori_loop(0, CNLOC // KB, _edge, 0)
    plsc.subcore_barrier()

    pltpu.sync_copy(cnt_sh.at[pl.ds(s * ROWS_PER_TILE, ROWS_PER_TILE)],
                    out_hbm.at[c, pl.ds(s * ROWS_PER_TILE, ROWS_PER_TILE)])


def _make_sc_count():
    return pl.kernel(
        _sc_count_body,
        out_type=[jax.ShapeDtypeStruct((NC, N_NODES, CW), jnp.float32)],
        mesh=_mesh(),
        scratch_types=[
            pltpu.VMEM((CNLOC, CCH), jnp.int32),
            pltpu.VMEM((CCH, CW), jnp.float32),
            pltpu.VMEM((ROWS_PER_TILE, CW), jnp.float32),
            pltpu.VMEM_SHARED((N_NODES, CW), jnp.float32),
            pltpu.SemaphoreType.DMA,
        ],
        compiler_params=_SC_PARAMS,
    )



def _matT(a, w):
    return lax.dot_general(a, w, (((1,), (1,)), ((), ())),
                           preferred_element_type=jnp.float32)


def _tc_pre_body(x_ref, w_ref, b_ref, o_ref):
    h = _matT(x_ref[...], w_ref[...]) + b_ref[...]
    o_ref[0] = h[:, :DH]
    o_ref[1] = h[:, DH:]


def _tc_combine_body(p_ref, cnt_ref, h_ref, wl_ref, bl_ref, wr_ref, o_ref):
    agg = jnp.concatenate([p_ref[0], p_ref[1]], axis=1)
    cnt = cnt_ref[0, :, 0:1] + cnt_ref[1, :, 0:1]
    mean = agg / jnp.maximum(cnt, 1.0)
    h = jnp.concatenate([h_ref[0], h_ref[1]], axis=1)
    o = _matT(mean, wl_ref[...]) + bl_ref[...] + _matT(h, wr_ref[...])
    o = jnp.maximum(o, 0.0)
    o_ref[0] = o[:, :DH]
    o_ref[1] = o[:, DH:]


def _tc_final_body(p_ref, cnt_ref, h_ref, wl_ref, bl_ref, wr_ref,
                   wpost_ref, bpost_ref, o_ref):
    agg = jnp.concatenate([p_ref[0], p_ref[1]], axis=1)
    cnt = cnt_ref[0, :, 0:1] + cnt_ref[1, :, 0:1]
    mean = agg / jnp.maximum(cnt, 1.0)
    h = jnp.concatenate([h_ref[0], h_ref[1]], axis=1)
    h2 = _matT(mean, wl_ref[...]) + bl_ref[...] + _matT(h, wr_ref[...])
    h2 = jnp.maximum(h2, 0.0)
    logits = _matT(h2, wpost_ref[...]) + bpost_ref[...]
    m = jnp.max(logits, axis=1, keepdims=True)
    lse = jnp.log(jnp.sum(jnp.exp(logits - m), axis=1, keepdims=True)) + m
    o_ref[...] = logits - lse


@jax.jit
def kernel(x, edge_index, W_pre, b_pre, W_l1, b_l1, W_r1, W_l2, b_l2, W_r2,
           W_post, b_post):
    n_class = W_post.shape[0]
    src_a = edge_index[0].reshape(NS, NLOC, CH)
    dst_a = edge_index[1].reshape(NS, NLOC, CH)
    dst_c = edge_index[1].reshape(NW, CNLOC, CCH)

    h0 = pl.pallas_call(
        _tc_pre_body,
        out_shape=jax.ShapeDtypeStruct((NC, N_NODES, DH), jnp.float32),
    )(x, W_pre, b_pre.reshape(1, D))

    (cnt,) = _make_sc_count()(dst_c)

    sc_agg = _make_sc_agg()
    (p1,) = sc_agg(h0.reshape(NC * N_NODES, DH), src_a, dst_a)

    h1 = pl.pallas_call(
        _tc_combine_body,
        out_shape=jax.ShapeDtypeStruct((NC, N_NODES, DH), jnp.float32),
    )(p1, cnt, h0, W_l1, b_l1.reshape(1, D), W_r1)

    (p2,) = sc_agg(h1.reshape(NC * N_NODES, DH), src_a, dst_a)

    out = pl.pallas_call(
        _tc_final_body,
        out_shape=jax.ShapeDtypeStruct((N_NODES, n_class), jnp.float32),
    )(p2, cnt, h1, W_l2, b_l2.reshape(1, D), W_r2, W_post,
      b_post.reshape(1, n_class))
    return out

# --- scband reference (transcript-rebuilt; emitter-appended) ---
"""Pipeline reference for scband-sage-31662498906175 (READ-ONLY COPY).

The authoritative reference and input builder live on the scoring server;
editing this copy changes nothing except your own understanding.
"""

import jax, jax.numpy as jnp
import numpy as np

N_NODES = 10000
N_EDGES = 320000
D_IN = 128
D_HID = 128
N_CLASS = 40


def setup_inputs(seed: int = 0) -> dict:
    key = jax.random.key(seed)
    ks = jax.random.split(key, 12)
    x = jax.random.normal(ks[0], (N_NODES, D_IN), dtype=jnp.float32)
    edge_index = jax.random.randint(ks[1], (2, N_EDGES), 0, N_NODES, dtype=jnp.int32)
    s = 0.05
    W_pre = jax.random.normal(ks[2], (D_HID, D_IN), dtype=jnp.float32) * s
    b_pre = jnp.zeros((D_HID,), dtype=jnp.float32)
    W_l1 = jax.random.normal(ks[3], (D_HID, D_HID), dtype=jnp.float32) * s
    b_l1 = jnp.zeros((D_HID,), dtype=jnp.float32)
    W_r1 = jax.random.normal(ks[4], (D_HID, D_HID), dtype=jnp.float32) * s
    W_l2 = jax.random.normal(ks[5], (D_HID, D_HID), dtype=jnp.float32) * s
    b_l2 = jnp.zeros((D_HID,), dtype=jnp.float32)
    W_r2 = jax.random.normal(ks[6], (D_HID, D_HID), dtype=jnp.float32) * s
    W_post = jax.random.normal(ks[7], (N_CLASS, D_HID), dtype=jnp.float32) * s
    b_post = jnp.zeros((N_CLASS,), dtype=jnp.float32)
    return {"x": x, "edge_index": edge_index, "W_pre": W_pre, "b_pre": b_pre,
            "W_l1": W_l1, "b_l1": b_l1, "W_r1": W_r1,
            "W_l2": W_l2, "b_l2": b_l2, "W_r2": W_r2,
            "W_post": W_post, "b_post": b_post}


def _sage_conv(x, edge_index, W_l, b_l, W_r):
    # PyG SAGEConv (mean aggregation): out = lin_l(mean_j x_j) + lin_r(x_i)
    src = edge_index[0]
    dst = edge_index[1]
    msg = jnp.take(x, src, axis=0)  # gather (SparseCore)
    n = x.shape[0]
    agg = jax.ops.segment_sum(msg, dst, num_segments=n)  # scatter-add
    cnt = jax.ops.segment_sum(jnp.ones((msg.shape[0], 1), dtype=x.dtype), dst, num_segments=n)
    mean = agg / jnp.maximum(cnt, 1.0)
    return mean @ W_l.T + b_l + x @ W_r.T


def reference(x, edge_index, W_pre, b_pre, W_l1, b_l1, W_r1, W_l2, b_l2, W_r2, W_post, b_post):
    # pre linear
    h = x @ W_pre.T + b_pre
    # conv layer 1 (n_layer=3 -> 2 SAGEConv layers)
    h = _sage_conv(h, edge_index, W_l1, b_l1, W_r1)
    h = jax.nn.relu(h)
    # dropout is identity in eval mode
    # conv layer 2
    h = _sage_conv(h, edge_index, W_l2, b_l2, W_r2)
    h = jax.nn.relu(h)
    # post linear + log_softmax
    out = h @ W_post.T + b_post
    return jax.nn.log_softmax(out, axis=1)

if __name__ == "__main__":
    import jax
    _d = setup_inputs()
    print(jax.jit(kernel)(*tuple(_d.values())))

</pallas_src>

<mosaic_0001>
#map = affine_map<(d0, d1) -> (0, 0)>
#map1 = affine_map<(d0, d1) -> (0, 0, 0)>
module attributes {stable_mosaic.version = 14 : i64} {
  func.func @_sc_agg_body(%arg0: i32, %arg1: i32, %arg2: memref<20000x64xf32, #tpu.memory_space<hbm>>, %arg3: memref<16x250x80xi32, #tpu.memory_space<hbm>>, %arg4: memref<16x250x80xi32, #tpu.memory_space<hbm>>, %arg5: memref<2x10000x64xf32, #tpu.memory_space<hbm>>, %arg6: memref<250x80xi32, #tpu.memory_space<vmem>>, %arg7: memref<250x80xi32, #tpu.memory_space<vmem>>, %arg8: memref<5x80x64xf32, #tpu.memory_space<vmem>>, %arg9: memref<125x64xf32, #tpu.memory_space<vmem>>, %arg10: memref<10000x64xf32, #tpu.memory_space<vmem_shared>>, %arg11: memref<!tpu.dma_semaphore, #tpu.memory_space<semaphore_mem>>, %arg12: memref<!tpu.dma_semaphore, #tpu.memory_space<semaphore_mem>>, %arg13: memref<!tpu.dma_semaphore, #tpu.memory_space<semaphore_mem>>, %arg14: memref<!tpu.dma_semaphore, #tpu.memory_space<semaphore_mem>>, %arg15: memref<!tpu.dma_semaphore, #tpu.memory_space<semaphore_mem>>, %arg16: memref<!tpu.dma_semaphore, #tpu.memory_space<semaphore_mem>>, %arg17: memref<!tpu.dma_semaphore, #tpu.memory_space<semaphore_mem>>, %arg18: memref<!tpu.dma_semaphore, #tpu.memory_space<semaphore_mem>>, %arg19: memref<!tpu.dma_semaphore, #tpu.memory_space<semaphore_mem>>, %arg20: memref<!tpu.dma_semaphore, #tpu.memory_space<semaphore_mem>>, %arg21: memref<!tpu.dma_semaphore, #tpu.memory_space<semaphore_mem>>) attributes {dimension_semantics = [#tpu.dimension_semantics<core_parallel>, #tpu.dimension_semantics<subcore_parallel>], iteration_bounds = array<i64: 2, 16>, scalar_prefetch = 0 : i64, scratch_operands = 16 : i64, tpu.core_type = #tpu.core_type<sc_vector_subcore>, window_params = [{transform_indices = #map}, {transform_indices = #map1}, {transform_indices = #map1}, {transform_indices = #map1}]} {
    %dma_start3A = arith.constant 0 : i32
    %dma_start3A_0 = arith.constant 0 : i32
    %dma_start3A_1 = tpu.memref_slice %arg3[%arg1, %dma_start3A, %dma_start3A_0] : memref<16x250x80xi32, #tpu.memory_space<hbm>> -> memref<1x250x80xi32, #tpu.memory_space<hbm>>
    %dma_start3A_2 = tpu.memref_squeeze %dma_start3A_1 : memref<1x250x80xi32, #tpu.memory_space<hbm>> -> memref<250x80xi32, #tpu.memory_space<hbm>>
    %dma_start3A_3 = arith.constant 0 : i32
    %dma_start3A_4 = arith.constant 0 : i32
    %dma_start3A_5 = tpu.memref_slice %arg3[%arg1, %dma_start3A_3, %dma_start3A_4] : memref<16x250x80xi32, #tpu.memory_space<hbm>> -> memref<1x250x80xi32, #tpu.memory_space<hbm>>
    %dma_start3A_6 = tpu.memref_squeeze %dma_start3A_5 : memref<1x250x80xi32, #tpu.memory_space<hbm>> -> memref<250x80xi32, #tpu.memory_space<hbm>>
    tpu.enqueue_dma source(%dma_start3A_6 : memref<250x80xi32, #tpu.memory_space<hbm>>) target(%arg6 : memref<250x80xi32, #tpu.memory_space<vmem>>) target_semaphore(%arg11 : memref<!tpu.dma_semaphore, #tpu.memory_space<semaphore_mem>>)
    %dma_start3A_7 = arith.constant 0 : i32
    %dma_start3A_8 = arith.constant 0 : i32
    %dma_start3A_9 = tpu.memref_slice %arg4[%arg1, %dma_start3A_7, %dma_start3A_8] : memref<16x250x80xi32, #tpu.memory_space<hbm>> -> memref<1x250x80xi32, #tpu.memory_space<hbm>>
    %dma_start3A_10 = tpu.memref_squeeze %dma_start3A_9 : memref<1x250x80xi32, #tpu.memory_space<hbm>> -> memref<250x80xi32, #tpu.memory_space<hbm>>
    %dma_start3A_11 = arith.constant 0 : i32
    %dma_start3A_12 = arith.constant 0 : i32
    %dma_start3A_13 = tpu.memref_slice %arg4[%arg1, %dma_start3A_11, %dma_start3A_12] : memref<16x250x80xi32, #tpu.memory_space<hbm>> -> memref<1x250x80xi32, #tpu.memory_space<hbm>>
    %dma_start3A_14 = tpu.memref_squeeze %dma_start3A_13 : memref<1x250x80xi32, #tpu.memory_space<hbm>> -> memref<250x80xi32, #tpu.memory_space<hbm>>
    tpu.enqueue_dma source(%dma_start3A_14 : memref<250x80xi32, #tpu.memory_space<hbm>>) target(%arg7 : memref<250x80xi32, #tpu.memory_space<vmem>>) target_semaphore(%arg11 : memref<!tpu.dma_semaphore, #tpu.memory_space<semaphore_mem>>)
    %broadcast_in_dim3A = arith.constant 0.000000e+00 : f32
    %broadcast_in_dim3A_15 = vector.broadcast %broadcast_in_dim3A : f32 to vector<16xf32>
    %scan3A = arith.constant 0 : i32
    %scan3A_16 = arith.constant 0 : i32
    %scan3A_17 = arith.constant 500 : i32
    %scan3A_18 = arith.addi %scan3A_16, %scan3A_17 : i32
    %scan3A_19 = arith.constant 1 : i32
    scf.for %scan3A_313 = %scan3A_16 to %scan3A_18 step %scan3A_19  : i32 {
      %jit3A = arith.constant 4 : i32
      %div3A = arith.divsi %scan3A_313, %jit3A : i32
      %sign3A = arith.constant 0 : i32
      %sign3A_314 = arith.cmpi sgt, %scan3A_313, %sign3A : i32
      %sign3A_315 = arith.extui %sign3A_314 : i1 to i32
      %sign3A_316 = arith.constant 0 : i32
      %sign3A_317 = arith.cmpi slt, %scan3A_313, %sign3A_316 : i32
      %sign3A_318 = arith.extui %sign3A_317 : i1 to i32
      %sign3A_319 = arith.subi %sign3A_315, %sign3A_318 : i32
      %sign3A_320 = arith.constant 0 : i32
      %sign3A_321 = arith.cmpi sgt, %jit3A, %sign3A_320 : i32
      %sign3A_322 = arith.extui %sign3A_321 : i1 to i32
      %sign3A_323 = arith.constant 0 : i32
      %sign3A_324 = arith.cmpi slt, %jit3A, %sign3A_323 : i32
      %sign3A_325 = arith.extui %sign3A_324 : i1 to i32
      %sign3A_326 = arith.subi %sign3A_322, %sign3A_325 : i32
      %ne3A = arith.cmpi ne, %sign3A_319, %sign3A_326 : i32
      %rem3A = arith.remsi %scan3A_313, %jit3A : i32
      %ne3A_327 = arith.constant 0 : i32
      %ne3A_328 = arith.cmpi ne, %rem3A, %ne3A_327 : i32
      %and3A = arith.andi %ne3A, %ne3A_328 : i1
      %sub3A = arith.constant 1 : i32
      %sub3A_329 = arith.subi %div3A, %sub3A : i32
      %select_n3A = arith.select %and3A, %sub3A_329, %div3A : i32
      %jit3A_330 = arith.constant 4 : i32
      %eq3A = arith.constant 0 : i32
      %eq3A_331 = arith.cmpi eq, %jit3A_330, %eq3A : i32
      %jit3A_332 = arith.constant 1 : i32
      %select_n3A_333 = arith.select %eq3A_331, %jit3A_332, %jit3A_330 : i32
      %rem3A_334 = arith.remsi %scan3A_313, %select_n3A_333 : i32
      %ne3A_335 = arith.constant 0 : i32
      %ne3A_336 = arith.cmpi ne, %rem3A_334, %ne3A_335 : i32
      %lt3A = arith.constant 0 : i32
      %lt3A_337 = arith.cmpi slt, %rem3A_334, %lt3A : i32
      %lt3A_338 = arith.constant 0 : i32
      %lt3A_339 = arith.cmpi slt, %select_n3A_333, %lt3A_338 : i32
      %ne3A_340 = arith.xori %lt3A_337, %lt3A_339 : i1
      %and3A_341 = arith.andi %ne3A_340, %ne3A_336 : i1
      %add3A_342 = arith.addi %rem3A_334, %select_n3A_333 : i32
      %select_n3A_343 = arith.select %and3A_341, %add3A_342, %rem3A_334 : i32
      %mul3A_344 = arith.constant 16 : i32
      %mul3A_345 = arith.muli %select_n3A_343, %mul3A_344 : i32
      %swap3A = arith.index_cast %select_n3A : i32 to index
      %swap3A_346 = arith.index_cast %mul3A_345 : i32 to index
      %swap3A_347 = tpu.vector_load %arg9[%swap3A, %swap3A_346] {strides = array<i32>} : memref<125x64xf32, #tpu.memory_space<vmem>>, vector<1x16xf32>,
      %swap3A_348 = vector.shape_cast %swap3A_347 : vector<1x16xf32> to vector<16xf32>
      %swap3A_349 = vector.shape_cast %broadcast_in_dim3A_15 : vector<16xf32> to vector<1x16xf32>
      tpu.vector_store %arg9[%swap3A, %swap3A_346], %swap3A_349 {strides = array<i32>} : memref<125x64xf32, #tpu.memory_space<vmem>>, vector<1x16xf32>,
    }
    %scan3A_20 = arith.constant 500 : i32
    %mul3A = arith.constant 625 : i32
    %mul3A_21 = arith.muli %arg1, %mul3A : i32
    %add3A = arith.constant 0 : i32
    %add3A_22 = arith.addi %mul3A_21, %add3A : i32
    "tpu.region"() ({
      %run_scoped3A = tpu.sem_alloc : memref<!tpu.dma_semaphore, #tpu.memory_space<semaphore_mem>>
      %dma_start3A_313 = arith.constant 0 : i32
      %dma_start3A_314 = tpu.memref_slice %arg10[%add3A_22, %dma_start3A_313] : memref<10000x64xf32, #tpu.memory_space<vmem_shared>> -> memref<125x64xf32, #tpu.memory_space<vmem_shared>>
      %dma_start3A_315 = arith.constant 0 : i32
      %dma_start3A_316 = tpu.memref_slice %arg10[%add3A_22, %dma_start3A_315] : memref<10000x64xf32, #tpu.memory_space<vmem_shared>> -> memref<125x64xf32, #tpu.memory_space<vmem_shared>>
      tpu.enqueue_dma source(%arg9 : memref<125x64xf32, #tpu.memory_space<vmem>>) target(%dma_start3A_316 : memref<125x64xf32, #tpu.memory_space<vmem_shared>>) target_semaphore(%run_scoped3A : memref<!tpu.dma_semaphore, #tpu.memory_space<semaphore_mem>>)
      %dma_wait3A_317 = arith.constant 0 : i32
      %dma_wait3A_318 = tpu.memref_slice %arg10[%add3A_22, %dma_wait3A_317] : memref<10000x64xf32, #tpu.memory_space<vmem_shared>> -> memref<125x64xf32, #tpu.memory_space<vmem_shared>>
      %dma_wait3A_319 = arith.constant 0 : i32
      %dma_wait3A_320 = tpu.memref_slice %arg10[%add3A_22, %dma_wait3A_319] : memref<10000x64xf32, #tpu.memory_space<vmem_shared>> -> memref<125x64xf32, #tpu.memory_space<vmem_shared>>
      tpu.wait_dma2 semaphore(%run_scoped3A : memref<!tpu.dma_semaphore, #tpu.memory_space<semaphore_mem>>) src(%arg9 : memref<125x64xf32, #tpu.memory_space<vmem>>) dst(%dma_wait3A_320 : memref<125x64xf32, #tpu.memory_space<vmem_shared>>)
      tpu.yield
    }) : () -> ()
    %mul3A_23 = arith.constant 625 : i32
    %mul3A_24 = arith.muli %arg1, %mul3A_23 : i32
    %add3A_25 = arith.constant 125 : i32
    %add3A_26 = arith.addi %mul3A_24, %add3A_25 : i32
    "tpu.region"() ({
      %run_scoped3A = tpu.sem_alloc : memref<!tpu.dma_semaphore, #tpu.memory_space<semaphore_mem>>
      %dma_start3A_313 = arith.constant 0 : i32
      %dma_start3A_314 = tpu.memref_slice %arg10[%add3A_26, %dma_start3A_313] : memref<10000x64xf32, #tpu.memory_space<vmem_shared>> -> memref<125x64xf32, #tpu.memory_space<vmem_shared>>
      %dma_start3A_315 = arith.constant 0 : i32
      %dma_start3A_316 = tpu.memref_slice %arg10[%add3A_26, %dma_start3A_315] : memref<10000x64xf32, #tpu.memory_space<vmem_shared>> -> memref<125x64xf32, #tpu.memory_space<vmem_shared>>
      tpu.enqueue_dma source(%arg9 : memref<125x64xf32, #tpu.memory_space<vmem>>) target(%dma_start3A_316 : memref<125x64xf32, #tpu.memory_space<vmem_shared>>) target_semaphore(%run_scoped3A : memref<!tpu.dma_semaphore, #tpu.memory_space<semaphore_mem>>)
      %dma_wait3A_317 = arith.constant 0 : i32
      %dma_wait3A_318 = tpu.memref_slice %arg10[%add3A_26, %dma_wait3A_317] : memref<10000x64xf32, #tpu.memory_space<vmem_shared>> -> memref<125x64xf32, #tpu.memory_space<vmem_shared>>
      %dma_wait3A_319 = arith.constant 0 : i32
      %dma_wait3A_320 = tpu.memref_slice %arg10[%add3A_26, %dma_wait3A_319] : memref<10000x64xf32, #tpu.memory_space<vmem_shared>> -> memref<125x64xf32, #tpu.memory_space<vmem_shared>>
      tpu.wait_dma2 semaphore(%run_scoped3A : memref<!tpu.dma_semaphore, #tpu.memory_space<semaphore_mem>>) src(%arg9 : memref<125x64xf32, #tpu.memory_space<vmem>>) dst(%dma_wait3A_320 : memref<125x64xf32, #tpu.memory_space<vmem_shared>>)
      tpu.yield
    }) : () -> ()
    %mul3A_27 = arith.constant 625 : i32
    %mul3A_28 = arith.muli %arg1, %mul3A_27 : i32
    %add3A_29 = arith.constant 250 : i32
    %add3A_30 = arith.addi %mul3A_28, %add3A_29 : i32
    "tpu.region"() ({
      %run_scoped3A = tpu.sem_alloc : memref<!tpu.dma_semaphore, #tpu.memory_space<semaphore_mem>>
      %dma_start3A_313 = arith.constant 0 : i32
      %dma_start3A_314 = tpu.memref_slice %arg10[%add3A_30, %dma_start3A_313] : memref<10000x64xf32, #tpu.memory_space<vmem_shared>> -> memref<125x64xf32, #tpu.memory_space<vmem_shared>>
      %dma_start3A_315 = arith.constant 0 : i32
      %dma_start3A_316 = tpu.memref_slice %arg10[%add3A_30, %dma_start3A_315] : memref<10000x64xf32, #tpu.memory_space<vmem_shared>> -> memref<125x64xf32, #tpu.memory_space<vmem_shared>>
      tpu.enqueue_dma source(%arg9 : memref<125x64xf32, #tpu.memory_space<vmem>>) target(%dma_start3A_316 : memref<125x64xf32, #tpu.memory_space<vmem_shared>>) target_semaphore(%run_scoped3A : memref<!tpu.dma_semaphore, #tpu.memory_space<semaphore_mem>>)
      %dma_wait3A_317 = arith.constant 0 : i32
      %dma_wait3A_318 = tpu.memref_slice %arg10[%add3A_30, %dma_wait3A_317] : memref<10000x64xf32, #tpu.memory_space<vmem_shared>> -> memref<125x64xf32, #tpu.memory_space<vmem_shared>>
      %dma_wait3A_319 = arith.constant 0 : i32
      %dma_wait3A_320 = tpu.memref_slice %arg10[%add3A_30, %dma_wait3A_319] : memref<10000x64xf32, #tpu.memory_space<vmem_shared>> -> memref<125x64xf32, #tpu.memory_space<vmem_shared>>
      tpu.wait_dma2 semaphore(%run_scoped3A : memref<!tpu.dma_semaphore, #tpu.memory_space<semaphore_mem>>) src(%arg9 : memref<125x64xf32, #tpu.memory_space<vmem>>) dst(%dma_wait3A_320 : memref<125x64xf32, #tpu.memory_space<vmem_shared>>)
      tpu.yield
    }) : () -> ()
    %mul3A_31 = arith.constant 625 : i32
    %mul3A_32 = arith.muli %arg1, %mul3A_31 : i32
    %add3A_33 = arith.constant 375 : i32
    %add3A_34 = arith.addi %mul3A_32, %add3A_33 : i32
    "tpu.region"() ({
      %run_scoped3A = tpu.sem_alloc : memref<!tpu.dma_semaphore, #tpu.memory_space<semaphore_mem>>
      %dma_start3A_313 = arith.constant 0 : i32
      %dma_start3A_314 = tpu.memref_slice %arg10[%add3A_34, %dma_start3A_313] : memref<10000x64xf32, #tpu.memory_space<vmem_shared>> -> memref<125x64xf32, #tpu.memory_space<vmem_shared>>
      %dma_start3A_315 = arith.constant 0 : i32
      %dma_start3A_316 = tpu.memref_slice %arg10[%add3A_34, %dma_start3A_315] : memref<10000x64xf32, #tpu.memory_space<vmem_shared>> -> memref<125x64xf32, #tpu.memory_space<vmem_shared>>
      tpu.enqueue_dma source(%arg9 : memref<125x64xf32, #tpu.memory_space<vmem>>) target(%dma_start3A_316 : memref<125x64xf32, #tpu.memory_space<vmem_shared>>) target_semaphore(%run_scoped3A : memref<!tpu.dma_semaphore, #tpu.memory_space<semaphore_mem>>)
      %dma_wait3A_317 = arith.constant 0 : i32
      %dma_wait3A_318 = tpu.memref_slice %arg10[%add3A_34, %dma_wait3A_317] : memref<10000x64xf32, #tpu.memory_space<vmem_shared>> -> memref<125x64xf32, #tpu.memory_space<vmem_shared>>
      %dma_wait3A_319 = arith.constant 0 : i32
      %dma_wait3A_320 = tpu.memref_slice %arg10[%add3A_34, %dma_wait3A_319] : memref<10000x64xf32, #tpu.memory_space<vmem_shared>> -> memref<125x64xf32, #tpu.memory_space<vmem_shared>>
      tpu.wait_dma2 semaphore(%run_scoped3A : memref<!tpu.dma_semaphore, #tpu.memory_space<semaphore_mem>>) src(%arg9 : memref<125x64xf32, #tpu.memory_space<vmem>>) dst(%dma_wait3A_320 : memref<125x64xf32, #tpu.memory_space<vmem_shared>>)
      tpu.yield
    }) : () -> ()
    %mul3A_35 = arith.constant 625 : i32
    %mul3A_36 = arith.muli %arg1, %mul3A_35 : i32
    %add3A_37 = arith.constant 500 : i32
    %add3A_38 = arith.addi %mul3A_36, %add3A_37 : i32
    "tpu.region"() ({
      %run_scoped3A = tpu.sem_alloc : memref<!tpu.dma_semaphore, #tpu.memory_space<semaphore_mem>>
      %dma_start3A_313 = arith.constant 0 : i32
      %dma_start3A_314 = tpu.memref_slice %arg10[%add3A_38, %dma_start3A_313] : memref<10000x64xf32, #tpu.memory_space<vmem_shared>> -> memref<125x64xf32, #tpu.memory_space<vmem_shared>>
      %dma_start3A_315 = arith.constant 0 : i32
      %dma_start3A_316 = tpu.memref_slice %arg10[%add3A_38, %dma_start3A_315] : memref<10000x64xf32, #tpu.memory_space<vmem_shared>> -> memref<125x64xf32, #tpu.memory_space<vmem_shared>>
      tpu.enqueue_dma source(%arg9 : memref<125x64xf32, #tpu.memory_space<vmem>>) target(%dma_start3A_316 : memref<125x64xf32, #tpu.memory_space<vmem_shared>>) target_semaphore(%run_scoped3A : memref<!tpu.dma_semaphore, #tpu.memory_space<semaphore_mem>>)
      %dma_wait3A_317 = arith.constant 0 : i32
      %dma_wait3A_318 = tpu.memref_slice %arg10[%add3A_38, %dma_wait3A_317] : memref<10000x64xf32, #tpu.memory_space<vmem_shared>> -> memref<125x64xf32, #tpu.memory_space<vmem_shared>>
      %dma_wait3A_319 = arith.constant 0 : i32
      %dma_wait3A_320 = tpu.memref_slice %arg10[%add3A_38, %dma_wait3A_319] : memref<10000x64xf32, #tpu.memory_space<vmem_shared>> -> memref<125x64xf32, #tpu.memory_space<vmem_shared>>
      tpu.wait_dma2 semaphore(%run_scoped3A : memref<!tpu.dma_semaphore, #tpu.memory_space<semaphore_mem>>) src(%arg9 : memref<125x64xf32, #tpu.memory_space<vmem>>) dst(%dma_wait3A_320 : memref<125x64xf32, #tpu.memory_space<vmem_shared>>)
      tpu.yield
    }) : () -> ()
    %dma_wait3A = arith.constant 0 : i32
    %dma_wait3A_39 = arith.constant 0 : i32
    %dma_wait3A_40 = tpu.memref_slice %arg3[%arg1, %dma_wait3A, %dma_wait3A_39] : memref<16x250x80xi32, #tpu.memory_space<hbm>> -> memref<1x250x80xi32, #tpu.memory_space<hbm>>
    %dma_wait3A_41 = tpu.memref_squeeze %dma_wait3A_40 : memref<1x250x80xi32, #tpu.memory_space<hbm>> -> memref<250x80xi32, #tpu.memory_space<hbm>>
    %dma_wait3A_42 = arith.constant 0 : i32
    %dma_wait3A_43 = arith.constant 0 : i32
    %dma_wait3A_44 = tpu.memref_slice %arg3[%arg1, %dma_wait3A_42, %dma_wait3A_43] : memref<16x250x80xi32, #tpu.memory_space<hbm>> -> memref<1x250x80xi32, #tpu.memory_space<hbm>>
    %dma_wait3A_45 = tpu.memref_squeeze %dma_wait3A_44 : memref<1x250x80xi32, #tpu.memory_space<hbm>> -> memref<250x80xi32, #tpu.memory_space<hbm>>
    tpu.wait_dma2 semaphore(%arg11 : memref<!tpu.dma_semaphore, #tpu.memory_space<semaphore_mem>>) src(%dma_wait3A_45 : memref<250x80xi32, #tpu.memory_space<hbm>>) dst(%arg6 : memref<250x80xi32, #tpu.memory_space<vmem>>)
    %dma_wait3A_46 = arith.constant 0 : i32
    %dma_wait3A_47 = arith.constant 0 : i32
    %dma_wait3A_48 = tpu.memref_slice %arg4[%arg1, %dma_wait3A_46, %dma_wait3A_47] : memref<16x250x80xi32, #tpu.memory_space<hbm>> -> memref<1x250x80xi32, #tpu.memory_space<hbm>>
    %dma_wait3A_49 = tpu.memref_squeeze %dma_wait3A_48 : memref<1x250x80xi32, #tpu.memory_space<hbm>> -> memref<250x80xi32, #tpu.memory_space<hbm>>
    %dma_wait3A_50 = arith.constant 0 : i32
    %dma_wait3A_51 = arith.constant 0 : i32
    %dma_wait3A_52 = tpu.memref_slice %arg4[%arg1, %dma_wait3A_50, %dma_wait3A_51] : memref<16x250x80xi32, #tpu.memory_space<hbm>> -> memref<1x250x80xi32, #tpu.memory_space<hbm>>
    %dma_wait3A_53 = tpu.memref_squeeze %dma_wait3A_52 : memref<1x250x80xi32, #tpu.memory_space<hbm>> -> memref<250x80xi32, #tpu.memory_space<hbm>>
    tpu.wait_dma2 semaphore(%arg11 : memref<!tpu.dma_semaphore, #tpu.memory_space<semaphore_mem>>) src(%dma_wait3A_53 : memref<250x80xi32, #tpu.memory_space<hbm>>) dst(%arg7 : memref<250x80xi32, #tpu.memory_space<vmem>>)
    %mul3A_54 = arith.constant 10000 : i32
    %mul3A_55 = arith.muli %arg0, %mul3A_54 : i32
    %scan3A_56 = arith.constant 0 : i32
    %scan3A_57 = arith.constant 0 : i32
    %scan3A_58 = arith.constant 250 : i32
    %scan3A_59 = arith.addi %scan3A_57, %scan3A_58 : i32
    %scan3A_60 = arith.constant 1 : i32
    scf.for %scan3A_313 = %scan3A_57 to %scan3A_59 step %scan3A_60  : i32 {
      %get3A = arith.index_cast %scan3A_313 : i32 to index
      %get3A_314 = arith.constant 0 : index
      %get3A_315 = tpu.vector_load %arg6[%get3A, %get3A_314] {strides = array<i32>} : memref<250x80xi32, #tpu.memory_space<vmem>>, vector<1x16xi32>,
      %get3A_316 = vector.shape_cast %get3A_315 : vector<1x16xi32> to vector<16xi32>
      %add3A_317 = vector.broadcast %mul3A_55 : i32 to vector<16xi32>
      %add3A_318 = arith.addi %get3A_316, %add3A_317 : vector<16xi32>
      %swap3A = arith.index_cast %scan3A_313 : i32 to index
      %swap3A_319 = arith.constant 0 : index
      %swap3A_320 = tpu.vector_load %arg6[%swap3A, %swap3A_319] {strides = array<i32>} : memref<250x80xi32, #tpu.memory_space<vmem>>, vector<1x16xi32>,
      %swap3A_321 = vector.shape_cast %swap3A_320 : vector<1x16xi32> to vector<16xi32>
      %swap3A_322 = vector.shape_cast %add3A_318 : vector<16xi32> to vector<1x16xi32>
      tpu.vector_store %arg6[%swap3A, %swap3A_319], %swap3A_322 {strides = array<i32>} : memref<250x80xi32, #tpu.memory_space<vmem>>, vector<1x16xi32>,
      %get3A_323 = arith.index_cast %scan3A_313 : i32 to index
      %get3A_324 = arith.constant 16 : index
      %get3A_325 = tpu.vector_load %arg6[%get3A_323, %get3A_324] {strides = array<i32>} : memref<250x80xi32, #tpu.memory_space<vmem>>, vector<1x16xi32>,
      %get3A_326 = vector.shape_cast %get3A_325 : vector<1x16xi32> to vector<16xi32>
      %add3A_327 = vector.broadcast %mul3A_55 : i32 to vector<16xi32>
      %add3A_328 = arith.addi %get3A_326, %add3A_327 : vector<16xi32>
      %swap3A_329 = arith.index_cast %scan3A_313 : i32 to index
      %swap3A_330 = arith.constant 16 : index
      %swap3A_331 = tpu.vector_load %arg6[%swap3A_329, %swap3A_330] {strides = array<i32>} : memref<250x80xi32, #tpu.memory_space<vmem>>, vector<1x16xi32>,
      %swap3A_332 = vector.shape_cast %swap3A_331 : vector<1x16xi32> to vector<16xi32>
      %swap3A_333 = vector.shape_cast %add3A_328 : vector<16xi32> to vector<1x16xi32>
      tpu.vector_store %arg6[%swap3A_329, %swap3A_330], %swap3A_333 {strides = array<i32>} : memref<250x80xi32, #tpu.memory_space<vmem>>, vector<1x16xi32>,
      %get3A_334 = arith.index_cast %scan3A_313 : i32 to index
      %get3A_335 = arith.constant 32 : index
      %get3A_336 = tpu.vector_load %arg6[%get3A_334, %get3A_335] {strides = array<i32>} : memref<250x80xi32, #tpu.memory_space<vmem>>, vector<1x16xi32>,
      %get3A_337 = vector.shape_cast %get3A_336 : vector<1x16xi32> to vector<16xi32>
      %add3A_338 = vector.broadcast %mul3A_55 : i32 to vector<16xi32>
      %add3A_339 = arith.addi %get3A_337, %add3A_338 : vector<16xi32>
      %swap3A_340 = arith.index_cast %scan3A_313 : i32 to index
      %swap3A_341 = arith.constant 32 : index
      %swap3A_342 = tpu.vector_load %arg6[%swap3A_340, %swap3A_341] {strides = array<i32>} : memref<250x80xi32, #tpu.memory_space<vmem>>, vector<1x16xi32>,
      %swap3A_343 = vector.shape_cast %swap3A_342 : vector<1x16xi32> to vector<16xi32>
      %swap3A_344 = vector.shape_cast %add3A_339 : vector<16xi32> to vector<1x16xi32>
      tpu.vector_store %arg6[%swap3A_340, %swap3A_341], %swap3A_344 {strides = array<i32>} : memref<250x80xi32, #tpu.memory_space<vmem>>, vector<1x16xi32>,
      %get3A_345 = arith.index_cast %scan3A_313 : i32 to index
      %get3A_346 = arith.constant 48 : index
      %get3A_347 = tpu.vector_load %arg6[%get3A_345, %get3A_346] {strides = array<i32>} : memref<250x80xi32, #tpu.memory_space<vmem>>, vector<1x16xi32>,
      %get3A_348 = vector.shape_cast %get3A_347 : vector<1x16xi32> to vector<16xi32>
      %add3A_349 = vector.broadcast %mul3A_55 : i32 to vector<16xi32>
      %add3A_350 = arith.addi %get3A_348, %add3A_349 : vector<16xi32>
      %swap3A_351 = arith.index_cast %scan3A_313 : i32 to index
      %swap3A_352 = arith.constant 48 : index
      %swap3A_353 = tpu.vector_load %arg6[%swap3A_351, %swap3A_352] {strides = array<i32>} : memref<250x80xi32, #tpu.memory_space<vmem>>, vector<1x16xi32>,
      %swap3A_354 = vector.shape_cast %swap3A_353 : vector<1x16xi32> to vector<16xi32>
      %swap3A_355 = vector.shape_cast %add3A_350 : vector<16xi32> to vector<1x16xi32>
      tpu.vector_store %arg6[%swap3A_351, %swap3A_352], %swap3A_355 {strides = array<i32>} : memref<250x80xi32, #tpu.memory_space<vmem>>, vector<1x16xi32>,
      %get3A_356 = arith.index_cast %scan3A_313 : i32 to index
      %get3A_357 = arith.constant 64 : index
      %get3A_358 = tpu.vector_load %arg6[%get3A_356, %get3A_357] {strides = array<i32>} : memref<250x80xi32, #tpu.memory_space<vmem>>, vector<1x16xi32>,
      %get3A_359 = vector.shape_cast %get3A_358 : vector<1x16xi32> to vector<16xi32>
      %add3A_360 = vector.broadcast %mul3A_55 : i32 to vector<16xi32>
      %add3A_361 = arith.addi %get3A_359, %add3A_360 : vector<16xi32>
      %swap3A_362 = arith.index_cast %scan3A_313 : i32 to index
      %swap3A_363 = arith.constant 64 : index
      %swap3A_364 = tpu.vector_load %arg6[%swap3A_362, %swap3A_363] {strides = array<i32>} : memref<250x80xi32, #tpu.memory_space<vmem>>, vector<1x16xi32>,
      %swap3A_365 = vector.shape_cast %swap3A_364 : vector<1x16xi32> to vector<16xi32>
      %swap3A_366 = vector.shape_cast %add3A_361 : vector<16xi32> to vector<1x16xi32>
      tpu.vector_store %arg6[%swap3A_362, %swap3A_363], %swap3A_366 {strides = array<i32>} : memref<250x80xi32, #tpu.memory_space<vmem>>, vector<1x16xi32>,
    }
    %scan3A_61 = arith.constant 250 : i32
    %barrier3A = arith.constant 0 : index
    tpu.barrier barrier_id(%barrier3A)
    %dma_start3A_62 = arith.constant 0 : i32
    %dma_start3A_63 = arith.constant 0 : i32
    %dma_start3A_64 = arith.constant 0 : i32
    %dma_start3A_65 = arith.constant 0 : i32
    %dma_start3A_66 = tpu.memref_slice %arg8[%dma_start3A_63, %dma_start3A_64, %dma_start3A_65] : memref<5x80x64xf32, #tpu.memory_space<vmem>> -> memref<1x80x64xf32, #tpu.memory_space<vmem>>
    %dma_start3A_67 = tpu.memref_squeeze %dma_start3A_66 : memref<1x80x64xf32, #tpu.memory_space<vmem>> -> memref<80x64xf32, #tpu.memory_space<vmem>>
    %dma_start3A_68 = arith.constant 0 : i32
    %dma_start3A_69 = tpu.memref_slice %arg6[%dma_start3A_62, %dma_start3A_68] : memref<250x80xi32, #tpu.memory_space<vmem>> -> memref<1x80xi32, #tpu.memory_space<vmem>>
    %dma_start3A_70 = tpu.memref_squeeze %dma_start3A_69 : memref<1x80xi32, #tpu.memory_space<vmem>> -> memref<80xi32, #tpu.memory_space<vmem>>
    %dma_start3A_71 = arith.constant 0 : i32
    %dma_start3A_72 = arith.constant 0 : i32
    %dma_start3A_73 = tpu.memref_slice %arg2[%dma_start3A_71, %dma_start3A_72] : memref<20000x64xf32, #tpu.memory_space<hbm>> -> memref<20000x64xf32, #tpu.memory_space<hbm>>
    tpu.enqueue_indirect_dma source(%dma_start3A_73 : memref<20000x64xf32, #tpu.memory_space<hbm>>) target(%dma_start3A_67 : memref<80x64xf32, #tpu.memory_space<vmem>>) offsets(%dma_start3A_70 : memref<80xi32, #tpu.memory_space<vmem>>) semaphore(%arg12 : memref<!tpu.dma_semaphore, #tpu.memory_space<semaphore_mem>>)
    %dma_start3A_74 = arith.constant 1 : i32
    %dma_start3A_75 = arith.constant 1 : i32
    %dma_start3A_76 = arith.constant 0 : i32
    %dma_start3A_77 = arith.constant 0 : i32
    %dma_start3A_78 = tpu.memref_slice %arg8[%dma_start3A_75, %dma_start3A_76, %dma_start3A_77] : memref<5x80x64xf32, #tpu.memory_space<vmem>> -> memref<1x80x64xf32, #tpu.memory_space<vmem>>
    %dma_start3A_79 = tpu.memref_squeeze %dma_start3A_78 : memref<1x80x64xf32, #tpu.memory_space<vmem>> -> memref<80x64xf32, #tpu.memory_space<vmem>>
    %dma_start3A_80 = arith.constant 0 : i32
    %dma_start3A_81 = tpu.memref_slice %arg6[%dma_start3A_74, %dma_start3A_80] : memref<250x80xi32, #tpu.memory_space<vmem>> -> memref<1x80xi32, #tpu.memory_space<vmem>>
    %dma_start3A_82 = tpu.memref_squeeze %dma_start3A_81 : memref<1x80xi32, #tpu.memory_space<vmem>> -> memref<80xi32, #tpu.memory_space<vmem>>
    %dma_start3A_83 = arith.constant 0 : i32
    %dma_start3A_84 = arith.constant 0 : i32
    %dma_start3A_85 = tpu.memref_slice %arg2[%dma_start3A_83, %dma_start3A_84] : memref<20000x64xf32, #tpu.memory_space<hbm>> -> memref<20000x64xf32, #tpu.memory_space<hbm>>
    tpu.enqueue_indirect_dma source(%dma_start3A_85 : memref<20000x64xf32, #tpu.memory_space<hbm>>) target(%dma_start3A_79 : memref<80x64xf32, #tpu.memory_space<vmem>>) offsets(%dma_start3A_82 : memref<80xi32, #tpu.memory_space<vmem>>) semaphore(%arg13 : memref<!tpu.dma_semaphore, #tpu.memory_space<semaphore_mem>>)
    %dma_start3A_86 = arith.constant 2 : i32
    %dma_start3A_87 = arith.constant 2 : i32
    %dma_start3A_88 = arith.constant 0 : i32
    %dma_start3A_89 = arith.constant 0 : i32
    %dma_start3A_90 = tpu.memref_slice %arg8[%dma_start3A_87, %dma_start3A_88, %dma_start3A_89] : memref<5x80x64xf32, #tpu.memory_space<vmem>> -> memref<1x80x64xf32, #tpu.memory_space<vmem>>
    %dma_start3A_91 = tpu.memref_squeeze %dma_start3A_90 : memref<1x80x64xf32, #tpu.memory_space<vmem>> -> memref<80x64xf32, #tpu.memory_space<vmem>>
    %dma_start3A_92 = arith.constant 0 : i32
    %dma_start3A_93 = tpu.memref_slice %arg6[%dma_start3A_86, %dma_start3A_92] : memref<250x80xi32, #tpu.memory_space<vmem>> -> memref<1x80xi32, #tpu.memory_space<vmem>>
    %dma_start3A_94 = tpu.memref_squeeze %dma_start3A_93 : memref<1x80xi32, #tpu.memory_space<vmem>> -> memref<80xi32, #tpu.memory_space<vmem>>
    %dma_start3A_95 = arith.constant 0 : i32
    %dma_start3A_96 = arith.constant 0 : i32
    %dma_start3A_97 = tpu.memref_slice %arg2[%dma_start3A_95, %dma_start3A_96] : memref<20000x64xf32, #tpu.memory_space<hbm>> -> memref<20000x64xf32, #tpu.memory_space<hbm>>
    tpu.enqueue_indirect_dma source(%dma_start3A_97 : memref<20000x64xf32, #tpu.memory_space<hbm>>) target(%dma_start3A_91 : memref<80x64xf32, #tpu.memory_space<vmem>>) offsets(%dma_start3A_94 : memref<80xi32, #tpu.memory_space<vmem>>) semaphore(%arg14 : memref<!tpu.dma_semaphore, #tpu.memory_space<semaphore_mem>>)
    %dma_start3A_98 = arith.constant 3 : i32
    %dma_start3A_99 = arith.constant 3 : i32
    %dma_start3A_100 = arith.constant 0 : i32
    %dma_start3A_101 = arith.constant 0 : i32
    %dma_start3A_102 = tpu.memref_slice %arg8[%dma_start3A_99, %dma_start3A_100, %dma_start3A_101] : memref<5x80x64xf32, #tpu.memory_space<vmem>> -> memref<1x80x64xf32, #tpu.memory_space<vmem>>
    %dma_start3A_103 = tpu.memref_squeeze %dma_start3A_102 : memref<1x80x64xf32, #tpu.memory_space<vmem>> -> memref<80x64xf32, #tpu.memory_space<vmem>>
    %dma_start3A_104 = arith.constant 0 : i32
    %dma_start3A_105 = tpu.memref_slice %arg6[%dma_start3A_98, %dma_start3A_104] : memref<250x80xi32, #tpu.memory_space<vmem>> -> memref<1x80xi32, #tpu.memory_space<vmem>>
    %dma_start3A_106 = tpu.memref_squeeze %dma_start3A_105 : memref<1x80xi32, #tpu.memory_space<vmem>> -> memref<80xi32, #tpu.memory_space<vmem>>
    %dma_start3A_107 = arith.constant 0 : i32
    %dma_start3A_108 = arith.constant 0 : i32
    %dma_start3A_109 = tpu.memref_slice %arg2[%dma_start3A_107, %dma_start3A_108] : memref<20000x64xf32, #tpu.memory_space<hbm>> -> memref<20000x64xf32, #tpu.memory_space<hbm>>
    tpu.enqueue_indirect_dma source(%dma_start3A_109 : memref<20000x64xf32, #tpu.memory_space<hbm>>) target(%dma_start3A_103 : memref<80x64xf32, #tpu.memory_space<vmem>>) offsets(%dma_start3A_106 : memref<80xi32, #tpu.memory_space<vmem>>) semaphore(%arg15 : memref<!tpu.dma_semaphore, #tpu.memory_space<semaphore_mem>>)
    %dma_start3A_110 = arith.constant 4 : i32
    %dma_start3A_111 = arith.constant 4 : i32
    %dma_start3A_112 = arith.constant 0 : i32
    %dma_start3A_113 = arith.constant 0 : i32
    %dma_start3A_114 = tpu.memref_slice %arg8[%dma_start3A_111, %dma_start3A_112, %dma_start3A_113] : memref<5x80x64xf32, #tpu.memory_space<vmem>> -> memref<1x80x64xf32, #tpu.memory_space<vmem>>
    %dma_start3A_115 = tpu.memref_squeeze %dma_start3A_114 : memref<1x80x64xf32, #tpu.memory_space<vmem>> -> memref<80x64xf32, #tpu.memory_space<vmem>>
    %dma_start3A_116 = arith.constant 0 : i32
    %dma_start3A_117 = tpu.memref_slice %arg6[%dma_start3A_110, %dma_start3A_116] : memref<250x80xi32, #tpu.memory_space<vmem>> -> memref<1x80xi32, #tpu.memory_space<vmem>>
    %dma_start3A_118 = tpu.memref_squeeze %dma_start3A_117 : memref<1x80xi32, #tpu.memory_space<vmem>> -> memref<80xi32, #tpu.memory_space<vmem>>
    %dma_start3A_119 = arith.constant 0 : i32
    %dma_start3A_120 = arith.constant 0 : i32
    %dma_start3A_121 = tpu.memref_slice %arg2[%dma_start3A_119, %dma_start3A_120] : memref<20000x64xf32, #tpu.memory_space<hbm>> -> memref<20000x64xf32, #tpu.memory_space<hbm>>
    tpu.enqueue_indirect_dma source(%dma_start3A_121 : memref<20000x64xf32, #tpu.memory_space<hbm>>) target(%dma_start3A_115 : memref<80x64xf32, #tpu.memory_space<vmem>>) offsets(%dma_start3A_118 : memref<80xi32, #tpu.memory_space<vmem>>) semaphore(%arg16 : memref<!tpu.dma_semaphore, #tpu.memory_space<semaphore_mem>>)
    %scan3A_122 = arith.constant 0 : i32
    %scan3A_123 = arith.constant 0 : i32
    %scan3A_124 = arith.constant 49 : i32
    %scan3A_125 = arith.addi %scan3A_123, %scan3A_124 : i32
    %scan3A_126 = arith.constant 1 : i32
    scf.for %scan3A_313 = %scan3A_123 to %scan3A_125 step %scan3A_126  : i32 {
      %mul3A_314 = arith.constant 5 : i32
      %mul3A_315 = arith.muli %scan3A_313, %mul3A_314 : i32
      %dma_wait3A_316 = arith.constant 0 : i32
      %dma_wait3A_317 = arith.constant 0 : i32
      %dma_wait3A_318 = arith.constant 0 : i32
      %dma_wait3A_319 = arith.constant 0 : i32
      %dma_wait3A_320 = tpu.memref_slice %arg8[%dma_wait3A_317, %dma_wait3A_318, %dma_wait3A_319] : memref<5x80x64xf32, #tpu.memory_space<vmem>> -> memref<1x80x64xf32, #tpu.memory_space<vmem>>
      %dma_wait3A_321 = tpu.memref_squeeze %dma_wait3A_320 : memref<1x80x64xf32, #tpu.memory_space<vmem>> -> memref<80x64xf32, #tpu.memory_space<vmem>>
      %dma_wait3A_322 = arith.constant 0 : i32
      %dma_wait3A_323 = tpu.memref_slice %arg6[%dma_wait3A_316, %dma_wait3A_322] : memref<250x80xi32, #tpu.memory_space<vmem>> -> memref<1x80xi32, #tpu.memory_space<vmem>>
      %dma_wait3A_324 = tpu.memref_squeeze %dma_wait3A_323 : memref<1x80xi32, #tpu.memory_space<vmem>> -> memref<80xi32, #tpu.memory_space<vmem>>
      %dma_wait3A_325 = arith.constant 0 : i32
      %dma_wait3A_326 = arith.constant 0 : i32
      %dma_wait3A_327 = tpu.memref_slice %arg2[%dma_wait3A_325, %dma_wait3A_326] : memref<20000x64xf32, #tpu.memory_space<hbm>> -> memref<20000x64xf32, #tpu.memory_space<hbm>>
      tpu.wait_indirect_dma semaphore(%arg12 : memref<!tpu.dma_semaphore, #tpu.memory_space<semaphore_mem>>) src(%dma_wait3A_327 : memref<20000x64xf32, #tpu.memory_space<hbm>>) dst(%dma_wait3A_321 : memref<80x64xf32, #tpu.memory_space<vmem>>)
      %add3A_328 = arith.constant 0 : i32
      %add3A_329 = arith.addi %mul3A_315, %add3A_328 : i32
      %dma_start3A_330 = arith.constant 0 : i32
      %dma_start3A_331 = arith.constant 0 : i32
      %dma_start3A_332 = arith.constant 0 : i32
      %dma_start3A_333 = tpu.memref_slice %arg8[%dma_start3A_330, %dma_start3A_331, %dma_start3A_332] : memref<5x80x64xf32, #tpu.memory_space<vmem>> -> memref<1x80x64xf32, #tpu.memory_space<vmem>>
      %dma_start3A_334 = tpu.memref_squeeze %dma_start3A_333 : memref<1x80x64xf32, #tpu.memory_space<vmem>> -> memref<80x64xf32, #tpu.memory_space<vmem>>
      %dma_start3A_335 = arith.constant 0 : i32
      %dma_start3A_336 = tpu.memref_slice %arg7[%add3A_329, %dma_start3A_335] : memref<250x80xi32, #tpu.memory_space<vmem>> -> memref<1x80xi32, #tpu.memory_space<vmem>>
      %dma_start3A_337 = tpu.memref_squeeze %dma_start3A_336 : memref<1x80xi32, #tpu.memory_space<vmem>> -> memref<80xi32, #tpu.memory_space<vmem>>
      %dma_start3A_338 = arith.constant 0 : i32
      %dma_start3A_339 = arith.constant 0 : i32
      %dma_start3A_340 = tpu.memref_slice %arg10[%dma_start3A_338, %dma_start3A_339] : memref<10000x64xf32, #tpu.memory_space<vmem_shared>> -> memref<10000x64xf32, #tpu.memory_space<vmem_shared>>
      tpu.enqueue_indirect_dma source(%dma_start3A_334 : memref<80x64xf32, #tpu.memory_space<vmem>>) target(%dma_start3A_340 : memref<10000x64xf32, #tpu.memory_space<vmem_shared>>) offsets(%dma_start3A_337 : memref<80xi32, #tpu.memory_space<vmem>>) semaphore(%arg17 : memref<!tpu.dma_semaphore, #tpu.memory_space<semaphore_mem>>) {add = true}
      %dma_wait3A_341 = arith.constant 0 : i32
      %dma_wait3A_342 = arith.constant 1 : i32
      %dma_wait3A_343 = arith.constant 0 : i32
      %dma_wait3A_344 = arith.constant 0 : i32
      %dma_wait3A_345 = tpu.memref_slice %arg8[%dma_wait3A_342, %dma_wait3A_343, %dma_wait3A_344] : memref<5x80x64xf32, #tpu.memory_space<vmem>> -> memref<1x80x64xf32, #tpu.memory_space<vmem>>
      %dma_wait3A_346 = tpu.memref_squeeze %dma_wait3A_345 : memref<1x80x64xf32, #tpu.memory_space<vmem>> -> memref<80x64xf32, #tpu.memory_space<vmem>>
      %dma_wait3A_347 = arith.constant 0 : i32
      %dma_wait3A_348 = tpu.memref_slice %arg6[%dma_wait3A_341, %dma_wait3A_347] : memref<250x80xi32, #tpu.memory_space<vmem>> -> memref<1x80xi32, #tpu.memory_space<vmem>>
      %dma_wait3A_349 = tpu.memref_squeeze %dma_wait3A_348 : memref<1x80xi32, #tpu.memory_space<vmem>> -> memref<80xi32, #tpu.memory_space<vmem>>
      %dma_wait3A_350 = arith.constant 0 : i32
      %dma_wait3A_351 = arith.constant 0 : i32
      %dma_wait3A_352 = tpu.memref_slice %arg2[%dma_wait3A_350, %dma_wait3A_351] : memref<20000x64xf32, #tpu.memory_space<hbm>> -> memref<20000x64xf32, #tpu.memory_space<hbm>>
      tpu.wait_indirect_dma semaphore(%arg13 : memref<!tpu.dma_semaphore, #tpu.memory_space<semaphore_mem>>) src(%dma_wait3A_352 : memref<20000x64xf32, #tpu.memory_space<hbm>>) dst(%dma_wait3A_346 : memref<80x64xf32, #tpu.memory_space<vmem>>)
      %add3A_353 = arith.constant 1 : i32
      %add3A_354 = arith.addi %mul3A_315, %add3A_353 : i32
      %dma_start3A_355 = arith.constant 1 : i32
      %dma_start3A_356 = arith.constant 0 : i32
      %dma_start3A_357 = arith.constant 0 : i32
      %dma_start3A_358 = tpu.memref_slice %arg8[%dma_start3A_355, %dma_start3A_356, %dma_start3A_357] : memref<5x80x64xf32, #tpu.memory_space<vmem>> -> memref<1x80x64xf32, #tpu.memory_space<vmem>>
      %dma_start3A_359 = tpu.memref_squeeze %dma_start3A_358 : memref<1x80x64xf32, #tpu.memory_space<vmem>> -> memref<80x64xf32, #tpu.memory_space<vmem>>
      %dma_start3A_360 = arith.constant 0 : i32
      %dma_start3A_361 = tpu.memref_slice %arg7[%add3A_354, %dma_start3A_360] : memref<250x80xi32, #tpu.memory_space<vmem>> -> memref<1x80xi32, #tpu.memory_space<vmem>>
      %dma_start3A_362 = tpu.memref_squeeze %dma_start3A_361 : memref<1x80xi32, #tpu.memory_space<vmem>> -> memref<80xi32, #tpu.memory_space<vmem>>
      %dma_start3A_363 = arith.constant 0 : i32
      %dma_start3A_364 = arith.constant 0 : i32
      %dma_start3A_365 = tpu.memref_slice %arg10[%dma_start3A_363, %dma_start3A_364] : memref<10000x64xf32, #tpu.memory_space<vmem_shared>> -> memref<10000x64xf32, #tpu.memory_space<vmem_shared>>
      tpu.enqueue_indirect_dma source(%dma_start3A_359 : memref<80x64xf32, #tpu.memory_space<vmem>>) target(%dma_start3A_365 : memref<10000x64xf32, #tpu.memory_space<vmem_shared>>) offsets(%dma_start3A_362 : memref<80xi32, #tpu.memory_space<vmem>>) semaphore(%arg18 : memref<!tpu.dma_semaphore, #tpu.memory_space<semaphore_mem>>) {add = true}
      %dma_wait3A_366 = arith.constant 0 : i32
      %dma_wait3A_367 = arith.constant 2 : i32
      %dma_wait3A_368 = arith.constant 0 : i32
      %dma_wait3A_369 = arith.constant 0 : i32
      %dma_wait3A_370 = tpu.memref_slice %arg8[%dma_wait3A_367, %dma_wait3A_368, %dma_wait3A_369] : memref<5x80x64xf32, #tpu.memory_space<vmem>> -> memref<1x80x64xf32, #tpu.memory_space<vmem>>
      %dma_wait3A_371 = tpu.memref_squeeze %dma_wait3A_370 : memref<1x80x64xf32, #tpu.memory_space<vmem>> -> memref<80x64xf32, #tpu.memory_space<vmem>>
      %dma_wait3A_372 = arith.constant 0 : i32
      %dma_wait3A_373 = tpu.memref_slice %arg6[%dma_wait3A_366, %dma_wait3A_372] : memref<250x80xi32, #tpu.memory_space<vmem>> -> memref<1x80xi32, #tpu.memory_space<vmem>>
      %dma_wait3A_374 = tpu.memref_squeeze %dma_wait3A_373 : memref<1x80xi32, #tpu.memory_space<vmem>> -> memref<80xi32, #tpu.memory_space<vmem>>
      %dma_wait3A_375 = arith.constant 0 : i32
      %dma_wait3A_376 = arith.constant 0 : i32
      %dma_wait3A_377 = tpu.memref_slice %arg2[%dma_wait3A_375, %dma_wait3A_376] : memref<20000x64xf32, #tpu.memory_space<hbm>> -> memref<20000x64xf32, #tpu.memory_space<hbm>>
      tpu.wait_indirect_dma semaphore(%arg14 : memref<!tpu.dma_semaphore, #tpu.memory_space<semaphore_mem>>) src(%dma_wait3A_377 : memref<20000x64xf32, #tpu.memory_space<hbm>>) dst(%dma_wait3A_371 : memref<80x64xf32, #tpu.memory_space<vmem>>)
      %add3A_378 = arith.constant 2 : i32
      %add3A_379 = arith.addi %mul3A_315, %add3A_378 : i32
      %dma_start3A_380 = arith.constant 2 : i32
      %dma_start3A_381 = arith.constant 0 : i32
      %dma_start3A_382 = arith.constant 0 : i32
      %dma_start3A_383 = tpu.memref_slice %arg8[%dma_start3A_380, %dma_start3A_381, %dma_start3A_382] : memref<5x80x64xf32, #tpu.memory_space<vmem>> -> memref<1x80x64xf32, #tpu.memory_space<vmem>>
      %dma_start3A_384 = tpu.memref_squeeze %dma_start3A_383 : memref<1x80x64xf32, #tpu.memory_space<vmem>> -> memref<80x64xf32, #tpu.memory_space<vmem>>
      %dma_start3A_385 = arith.constant 0 : i32
      %dma_start3A_386 = tpu.memref_slice %arg7[%add3A_379, %dma_start3A_385] : memref<250x80xi32, #tpu.memory_space<vmem>> -> memref<1x80xi32, #tpu.memory_space<vmem>>
      %dma_start3A_387 = tpu.memref_squeeze %dma_start3A_386 : memref<1x80xi32, #tpu.memory_space<vmem>> -> memref<80xi32, #tpu.memory_space<vmem>>
      %dma_start3A_388 = arith.constant 0 : i32
      %dma_start3A_389 = arith.constant 0 : i32
      %dma_start3A_390 = tpu.memref_slice %arg10[%dma_start3A_388, %dma_start3A_389] : memref<10000x64xf32, #tpu.memory_space<vmem_shared>> -> memref<10000x64xf32, #tpu.memory_space<vmem_shared>>
      tpu.enqueue_indirect_dma source(%dma_start3A_384 : memref<80x64xf32, #tpu.memory_space<vmem>>) target(%dma_start3A_390 : memref<10000x64xf32, #tpu.memory_space<vmem_shared>>) offsets(%dma_start3A_387 : memref<80xi32, #tpu.memory_space<vmem>>) semaphore(%arg19 : memref<!tpu.dma_semaphore, #tpu.memory_space<semaphore_mem>>) {add = true}
      %dma_wait3A_391 = arith.constant 0 : i32
      %dma_wait3A_392 = arith.constant 3 : i32
      %dma_wait3A_393 = arith.constant 0 : i32
      %dma_wait3A_394 = arith.constant 0 : i32
      %dma_wait3A_395 = tpu.memref_slice %arg8[%dma_wait3A_392, %dma_wait3A_393, %dma_wait3A_394] : memref<5x80x64xf32, #tpu.memory_space<vmem>> -> memref<1x80x64xf32, #tpu.memory_space<vmem>>
      %dma_wait3A_396 = tpu.memref_squeeze %dma_wait3A_395 : memref<1x80x64xf32, #tpu.memory_space<vmem>> -> memref<80x64xf32, #tpu.memory_space<vmem>>
      %dma_wait3A_397 = arith.constant 0 : i32
      %dma_wait3A_398 = tpu.memref_slice %arg6[%dma_wait3A_391, %dma_wait3A_397] : memref<250x80xi32, #tpu.memory_space<vmem>> -> memref<1x80xi32, #tpu.memory_space<vmem>>
      %dma_wait3A_399 = tpu.memref_squeeze %dma_wait3A_398 : memref<1x80xi32, #tpu.memory_space<vmem>> -> memref<80xi32, #tpu.memory_space<vmem>>
      %dma_wait3A_400 = arith.constant 0 : i32
      %dma_wait3A_401 = arith.constant 0 : i32
      %dma_wait3A_402 = tpu.memref_slice %arg2[%dma_wait3A_400, %dma_wait3A_401] : memref<20000x64xf32, #tpu.memory_space<hbm>> -> memref<20000x64xf32, #tpu.memory_space<hbm>>
      tpu.wait_indirect_dma semaphore(%arg15 : memref<!tpu.dma_semaphore, #tpu.memory_space<semaphore_mem>>) src(%dma_wait3A_402 : memref<20000x64xf32, #tpu.memory_space<hbm>>) dst(%dma_wait3A_396 : memref<80x64xf32, #tpu.memory_space<vmem>>)
      %add3A_403 = arith.constant 3 : i32
      %add3A_404 = arith.addi %mul3A_315, %add3A_403 : i32
      %dma_start3A_405 = arith.constant 3 : i32
      %dma_start3A_406 = arith.constant 0 : i32
      %dma_start3A_407 = arith.constant 0 : i32
      %dma_start3A_408 = tpu.memref_slice %arg8[%dma_start3A_405, %dma_start3A_406, %dma_start3A_407] : memref<5x80x64xf32, #tpu.memory_space<vmem>> -> memref<1x80x64xf32, #tpu.memory_space<vmem>>
      %dma_start3A_409 = tpu.memref_squeeze %dma_start3A_408 : memref<1x80x64xf32, #tpu.memory_space<vmem>> -> memref<80x64xf32, #tpu.memory_space<vmem>>
      %dma_start3A_410 = arith.constant 0 : i32
      %dma_start3A_411 = tpu.memref_slice %arg7[%add3A_404, %dma_start3A_410] : memref<250x80xi32, #tpu.memory_space<vmem>> -> memref<1x80xi32, #tpu.memory_space<vmem>>
      %dma_start3A_412 = tpu.memref_squeeze %dma_start3A_411 : memref<1x80xi32, #tpu.memory_space<vmem>> -> memref<80xi32, #tpu.memory_space<vmem>>
      %dma_start3A_413 = arith.constant 0 : i32
      %dma_start3A_414 = arith.constant 0 : i32
      %dma_start3A_415 = tpu.memref_slice %arg10[%dma_start3A_413, %dma_start3A_414] : memref<10000x64xf32, #tpu.memory_space<vmem_shared>> -> memref<10000x64xf32, #tpu.memory_space<vmem_shared>>
      tpu.enqueue_indirect_dma source(%dma_start3A_409 : memref<80x64xf32, #tpu.memory_space<vmem>>) target(%dma_start3A_415 : memref<10000x64xf32, #tpu.memory_space<vmem_shared>>) offsets(%dma_start3A_412 : memref<80xi32, #tpu.memory_space<vmem>>) semaphore(%arg20 : memref<!tpu.dma_semaphore, #tpu.memory_space<semaphore_mem>>) {add = true}
      %dma_wait3A_416 = arith.constant 0 : i32
      %dma_wait3A_417 = arith.constant 4 : i32
      %dma_wait3A_418 = arith.constant 0 : i32
      %dma_wait3A_419 = arith.constant 0 : i32
      %dma_wait3A_420 = tpu.memref_slice %arg8[%dma_wait3A_417, %dma_wait3A_418, %dma_wait3A_419] : memref<5x80x64xf32, #tpu.memory_space<vmem>> -> memref<1x80x64xf32, #tpu.memory_space<vmem>>
      %dma_wait3A_421 = tpu.memref_squeeze %dma_wait3A_420 : memref<1x80x64xf32, #tpu.memory_space<vmem>> -> memref<80x64xf32, #tpu.memory_space<vmem>>
      %dma_wait3A_422 = arith.constant 0 : i32
      %dma_wait3A_423 = tpu.memref_slice %arg6[%dma_wait3A_416, %dma_wait3A_422] : memref<250x80xi32, #tpu.memory_space<vmem>> -> memref<1x80xi32, #tpu.memory_space<vmem>>
      %dma_wait3A_424 = tpu.memref_squeeze %dma_wait3A_423 : memref<1x80xi32, #tpu.memory_space<vmem>> -> memref<80xi32, #tpu.memory_space<vmem>>
      %dma_wait3A_425 = arith.constant 0 : i32
      %dma_wait3A_426 = arith.constant 0 : i32
      %dma_wait3A_427 = tpu.memref_slice %arg2[%dma_wait3A_425, %dma_wait3A_426] : memref<20000x64xf32, #tpu.memory_space<hbm>> -> memref<20000x64xf32, #tpu.memory_space<hbm>>
      tpu.wait_indirect_dma semaphore(%arg16 : memref<!tpu.dma_semaphore, #tpu.memory_space<semaphore_mem>>) src(%dma_wait3A_427 : memref<20000x64xf32, #tpu.memory_space<hbm>>) dst(%dma_wait3A_421 : memref<80x64xf32, #tpu.memory_space<vmem>>)
      %add3A_428 = arith.constant 4 : i32
      %add3A_429 = arith.addi %mul3A_315, %add3A_428 : i32
      %dma_start3A_430 = arith.constant 4 : i32
      %dma_start3A_431 = arith.constant 0 : i32
      %dma_start3A_432 = arith.constant 0 : i32
      %dma_start3A_433 = tpu.memref_slice %arg8[%dma_start3A_430, %dma_start3A_431, %dma_start3A_432] : memref<5x80x64xf32, #tpu.memory_space<vmem>> -> memref<1x80x64xf32, #tpu.memory_space<vmem>>
      %dma_start3A_434 = tpu.memref_squeeze %dma_start3A_433 : memref<1x80x64xf32, #tpu.memory_space<vmem>> -> memref<80x64xf32, #tpu.memory_space<vmem>>
      %dma_start3A_435 = arith.constant 0 : i32
      %dma_start3A_436 = tpu.memref_slice %arg7[%add3A_429, %dma_start3A_435] : memref<250x80xi32, #tpu.memory_space<vmem>> -> memref<1x80xi32, #tpu.memory_space<vmem>>
      %dma_start3A_437 = tpu.memref_squeeze %dma_start3A_436 : memref<1x80xi32, #tpu.memory_space<vmem>> -> memref<80xi32, #tpu.memory_space<vmem>>
      %dma_start3A_438 = arith.constant 0 : i32
      %dma_start3A_439 = arith.constant 0 : i32
      %dma_start3A_440 = tpu.memref_slice %arg10[%dma_start3A_438, %dma_start3A_439] : memref<10000x64xf32, #tpu.memory_space<vmem_shared>> -> memref<10000x64xf32, #tpu.memory_space<vmem_shared>>
      tpu.enqueue_indirect_dma source(%dma_start3A_434 : memref<80x64xf32, #tpu.memory_space<vmem>>) target(%dma_start3A_440 : memref<10000x64xf32, #tpu.memory_space<vmem_shared>>) offsets(%dma_start3A_437 : memref<80xi32, #tpu.memory_space<vmem>>) semaphore(%arg21 : memref<!tpu.dma_semaphore, #tpu.memory_space<semaphore_mem>>) {add = true}
      %dma_wait3A_441 = arith.constant 0 : i32
      %dma_wait3A_442 = arith.constant 0 : i32
      %dma_wait3A_443 = arith.constant 0 : i32
      %dma_wait3A_444 = arith.constant 0 : i32
      %dma_wait3A_445 = tpu.memref_slice %arg8[%dma_wait3A_441, %dma_wait3A_443, %dma_wait3A_444] : memref<5x80x64xf32, #tpu.memory_space<vmem>> -> memref<1x80x64xf32, #tpu.memory_space<vmem>>
      %dma_wait3A_446 = tpu.memref_squeeze %dma_wait3A_445 : memref<1x80x64xf32, #tpu.memory_space<vmem>> -> memref<80x64xf32, #tpu.memory_space<vmem>>
      %dma_wait3A_447 = arith.constant 0 : i32
      %dma_wait3A_448 = tpu.memref_slice %arg7[%dma_wait3A_442, %dma_wait3A_447] : memref<250x80xi32, #tpu.memory_space<vmem>> -> memref<1x80xi32, #tpu.memory_space<vmem>>
      %dma_wait3A_449 = tpu.memref_squeeze %dma_wait3A_448 : memref<1x80xi32, #tpu.memory_space<vmem>> -> memref<80xi32, #tpu.memory_space<vmem>>
      %dma_wait3A_450 = arith.constant 0 : i32
      %dma_wait3A_451 = arith.constant 0 : i32
      %dma_wait3A_452 = tpu.memref_slice %arg10[%dma_wait3A_450, %dma_wait3A_451] : memref<10000x64xf32, #tpu.memory_space<vmem_shared>> -> memref<10000x64xf32, #tpu.memory_space<vmem_shared>>
      tpu.wait_indirect_dma semaphore(%arg17 : memref<!tpu.dma_semaphore, #tpu.memory_space<semaphore_mem>>) src(%dma_wait3A_446 : memref<80x64xf32, #tpu.memory_space<vmem>>) dst(%dma_wait3A_452 : memref<10000x64xf32, #tpu.memory_space<vmem_shared>>)
      %add3A_453 = arith.constant 5 : i32
      %add3A_454 = arith.addi %mul3A_315, %add3A_453 : i32
      %add3A_455 = arith.constant 0 : i32
      %add3A_456 = arith.addi %add3A_454, %add3A_455 : i32
      %dma_start3A_457 = arith.constant 0 : i32
      %dma_start3A_458 = arith.constant 0 : i32
      %dma_start3A_459 = arith.constant 0 : i32
      %dma_start3A_460 = tpu.memref_slice %arg8[%dma_start3A_457, %dma_start3A_458, %dma_start3A_459] : memref<5x80x64xf32, #tpu.memory_space<vmem>> -> memref<1x80x64xf32, #tpu.memory_space<vmem>>
      %dma_start3A_461 = tpu.memref_squeeze %dma_start3A_460 : memref<1x80x64xf32, #tpu.memory_space<vmem>> -> memref<80x64xf32, #tpu.memory_space<vmem>>
      %dma_start3A_462 = arith.constant 0 : i32
      %dma_start3A_463 = tpu.memref_slice %arg6[%add3A_456, %dma_start3A_462] : memref<250x80xi32, #tpu.memory_space<vmem>> -> memref<1x80xi32, #tpu.memory_space<vmem>>
      %dma_start3A_464 = tpu.memref_squeeze %dma_start3A_463 : memref<1x80xi32, #tpu.memory_space<vmem>> -> memref<80xi32, #tpu.memory_space<vmem>>
      %dma_start3A_465 = arith.constant 0 : i32
      %dma_start3A_466 = arith.constant 0 : i32
      %dma_start3A_467 = tpu.memref_slice %arg2[%dma_start3A_465, %dma_start3A_466] : memref<20000x64xf32, #tpu.memory_space<hbm>> -> memref<20000x64xf32, #tpu.memory_space<hbm>>
      tpu.enqueue_indirect_dma source(%dma_start3A_467 : memref<20000x64xf32, #tpu.memory_space<hbm>>) target(%dma_start3A_461 : memref<80x64xf32, #tpu.memory_space<vmem>>) offsets(%dma_start3A_464 : memref<80xi32, #tpu.memory_space<vmem>>) semaphore(%arg12 : memref<!tpu.dma_semaphore, #tpu.memory_space<semaphore_mem>>)
      %dma_wait3A_468 = arith.constant 1 : i32
      %dma_wait3A_469 = arith.constant 0 : i32
      %dma_wait3A_470 = arith.constant 0 : i32
      %dma_wait3A_471 = arith.constant 0 : i32
      %dma_wait3A_472 = tpu.memref_slice %arg8[%dma_wait3A_468, %dma_wait3A_470, %dma_wait3A_471] : memref<5x80x64xf32, #tpu.memory_space<vmem>> -> memref<1x80x64xf32, #tpu.memory_space<vmem>>
      %dma_wait3A_473 = tpu.memref_squeeze %dma_wait3A_472 : memref<1x80x64xf32, #tpu.memory_space<vmem>> -> memref<80x64xf32, #tpu.memory_space<vmem>>
      %dma_wait3A_474 = arith.constant 0 : i32
      %dma_wait3A_475 = tpu.memref_slice %arg7[%dma_wait3A_469, %dma_wait3A_474] : memref<250x80xi32, #tpu.memory_space<vmem>> -> memref<1x80xi32, #tpu.memory_space<vmem>>
      %dma_wait3A_476 = tpu.memref_squeeze %dma_wait3A_475 : memref<1x80xi32, #tpu.memory_space<vmem>> -> memref<80xi32, #tpu.memory_space<vmem>>
      %dma_wait3A_477 = arith.constant 0 : i32
      %dma_wait3A_478 = arith.constant 0 : i32
      %dma_wait3A_479 = tpu.memref_slice %arg10[%dma_wait3A_477, %dma_wait3A_478] : memref<10000x64xf32, #tpu.memory_space<vmem_shared>> -> memref<10000x64xf32, #tpu.memory_space<vmem_shared>>
      tpu.wait_indirect_dma semaphore(%arg18 : memref<!tpu.dma_semaphore, #tpu.memory_space<semaphore_mem>>) src(%dma_wait3A_473 : memref<80x64xf32, #tpu.memory_space<vmem>>) dst(%dma_wait3A_479 : memref<10000x64xf32, #tpu.memory_space<vmem_shared>>)
      %add3A_480 = arith.constant 5 : i32
      %add3A_481 = arith.addi %mul3A_315, %add3A_480 : i32
      %add3A_482 = arith.constant 1 : i32
      %add3A_483 = arith.addi %add3A_481, %add3A_482 : i32
      %dma_start3A_484 = arith.constant 1 : i32
      %dma_start3A_485 = arith.constant 0 : i32
      %dma_start3A_486 = arith.constant 0 : i32
      %dma_start3A_487 = tpu.memref_slice %arg8[%dma_start3A_484, %dma_start3A_485, %dma_start3A_486] : memref<5x80x64xf32, #tpu.memory_space<vmem>> -> memref<1x80x64xf32, #tpu.memory_space<vmem>>
      %dma_start3A_488 = tpu.memref_squeeze %dma_start3A_487 : memref<1x80x64xf32, #tpu.memory_space<vmem>> -> memref<80x64xf32, #tpu.memory_space<vmem>>
      %dma_start3A_489 = arith.constant 0 : i32
      %dma_start3A_490 = tpu.memref_slice %arg6[%add3A_483, %dma_start3A_489] : memref<250x80xi32, #tpu.memory_space<vmem>> -> memref<1x80xi32, #tpu.memory_space<vmem>>
      %dma_start3A_491 = tpu.memref_squeeze %dma_start3A_490 : memref<1x80xi32, #tpu.memory_space<vmem>> -> memref<80xi32, #tpu.memory_space<vmem>>
      %dma_start3A_492 = arith.constant 0 : i32
      %dma_start3A_493 = arith.constant 0 : i32
      %dma_start3A_494 = tpu.memref_slice %arg2[%dma_start3A_492, %dma_start3A_493] : memref<20000x64xf32, #tpu.memory_space<hbm>> -> memref<20000x64xf32, #tpu.memory_space<hbm>>
      tpu.enqueue_indirect_dma source(%dma_start3A_494 : memref<20000x64xf32, #tpu.memory_space<hbm>>) target(%dma_start3A_488 : memref<80x64xf32, #tpu.memory_space<vmem>>) offsets(%dma_start3A_491 : memref<80xi32, #tpu.memory_space<vmem>>) semaphore(%arg13 : memref<!tpu.dma_semaphore, #tpu.memory_space<semaphore_mem>>)
      %dma_wait3A_495 = arith.constant 2 : i32
      %dma_wait3A_496 = arith.constant 0 : i32
      %dma_wait3A_497 = arith.constant 0 : i32
      %dma_wait3A_498 = arith.constant 0 : i32
      %dma_wait3A_499 = tpu.memref_slice %arg8[%dma_wait3A_495, %dma_wait3A_497, %dma_wait3A_498] : memref<5x80x64xf32, #tpu.memory_space<vmem>> -> memref<1x80x64xf32, #tpu.memory_space<vmem>>
      %dma_wait3A_500 = tpu.memref_squeeze %dma_wait3A_499 : memref<1x80x64xf32, #tpu.memory_space<vmem>> -> memref<80x64xf32, #tpu.memory_space<vmem>>
      %dma_wait3A_501 = arith.constant 0 : i32
      %dma_wait3A_502 = tpu.memref_slice %arg7[%dma_wait3A_496, %dma_wait3A_501] : memref<250x80xi32, #tpu.memory_space<vmem>> -> memref<1x80xi32, #tpu.memory_space<vmem>>
      %dma_wait3A_503 = tpu.memref_squeeze %dma_wait3A_502 : memref<1x80xi32, #tpu.memory_space<vmem>> -> memref<80xi32, #tpu.memory_space<vmem>>
      %dma_wait3A_504 = arith.constant 0 : i32
      %dma_wait3A_505 = arith.constant 0 : i32
      %dma_wait3A_506 = tpu.memref_slice %arg10[%dma_wait3A_504, %dma_wait3A_505] : memref<10000x64xf32, #tpu.memory_space<vmem_shared>> -> memref<10000x64xf32, #tpu.memory_space<vmem_shared>>
      tpu.wait_indirect_dma semaphore(%arg19 : memref<!tpu.dma_semaphore, #tpu.memory_space<semaphore_mem>>) src(%dma_wait3A_500 : memref<80x64xf32, #tpu.memory_space<vmem>>) dst(%dma_wait3A_506 : memref<10000x64xf32, #tpu.memory_space<vmem_shared>>)
      %add3A_507 = arith.constant 5 : i32
      %add3A_508 = arith.addi %mul3A_315, %add3A_507 : i32
      %add3A_509 = arith.constant 2 : i32
      %add3A_510 = arith.addi %add3A_508, %add3A_509 : i32
      %dma_start3A_511 = arith.constant 2 : i32
      %dma_start3A_512 = arith.constant 0 : i32
      %dma_start3A_513 = arith.constant 0 : i32
      %dma_start3A_514 = tpu.memref_slice %arg8[%dma_start3A_511, %dma_start3A_512, %dma_start3A_513] : memref<5x80x64xf32, #tpu.memory_space<vmem>> -> memref<1x80x64xf32, #tpu.memory_space<vmem>>
      %dma_start3A_515 = tpu.memref_squeeze %dma_start3A_514 : memref<1x80x64xf32, #tpu.memory_space<vmem>> -> memref<80x64xf32, #tpu.memory_space<vmem>>
      %dma_start3A_516 = arith.constant 0 : i32
      %dma_start3A_517 = tpu.memref_slice %arg6[%add3A_510, %dma_start3A_516] : memref<250x80xi32, #tpu.memory_space<vmem>> -> memref<1x80xi32, #tpu.memory_space<vmem>>
      %dma_start3A_518 = tpu.memref_squeeze %dma_start3A_517 : memref<1x80xi32, #tpu.memory_space<vmem>> -> memref<80xi32, #tpu.memory_space<vmem>>
      %dma_start3A_519 = arith.constant 0 : i32
      %dma_start3A_520 = arith.constant 0 : i32
      %dma_start3A_521 = tpu.memref_slice %arg2[%dma_start3A_519, %dma_start3A_520] : memref<20000x64xf32, #tpu.memory_space<hbm>> -> memref<20000x64xf32, #tpu.memory_space<hbm>>
      tpu.enqueue_indirect_dma source(%dma_start3A_521 : memref<20000x64xf32, #tpu.memory_space<hbm>>) target(%dma_start3A_515 : memref<80x64xf32, #tpu.memory_space<vmem>>) offsets(%dma_start3A_518 : memref<80xi32, #tpu.memory_space<vmem>>) semaphore(%arg14 : memref<!tpu.dma_semaphore, #tpu.memory_space<semaphore_mem>>)
      %dma_wait3A_522 = arith.constant 3 : i32
      %dma_wait3A_523 = arith.constant 0 : i32
      %dma_wait3A_524 = arith.constant 0 : i32
      %dma_wait3A_525 = arith.constant 0 : i32
      %dma_wait3A_526 = tpu.memref_slice %arg8[%dma_wait3A_522, %dma_wait3A_524, %dma_wait3A_525] : memref<5x80x64xf32, #tpu.memory_space<vmem>> -> memref<1x80x64xf32, #tpu.memory_space<vmem>>
      %dma_wait3A_527 = tpu.memref_squeeze %dma_wait3A_526 : memref<1x80x64xf32, #tpu.memory_space<vmem>> -> memref<80x64xf32, #tpu.memory_space<vmem>>
      %dma_wait3A_528 = arith.constant 0 : i32
      %dma_wait3A_529 = tpu.memref_slice %arg7[%dma_wait3A_523, %dma_wait3A_528] : memref<250x80xi32, #tpu.memory_space<vmem>> -> memref<1x80xi32, #tpu.memory_space<vmem>>
      %dma_wait3A_530 = tpu.memref_squeeze %dma_wait3A_529 : memref<1x80xi32, #tpu.memory_space<vmem>> -> memref<80xi32, #tpu.memory_space<vmem>>
      %dma_wait3A_531 = arith.constant 0 : i32
      %dma_wait3A_532 = arith.constant 0 : i32
      %dma_wait3A_533 = tpu.memref_slice %arg10[%dma_wait3A_531, %dma_wait3A_532] : memref<10000x64xf32, #tpu.memory_space<vmem_shared>> -> memref<10000x64xf32, #tpu.memory_space<vmem_shared>>
      tpu.wait_indirect_dma semaphore(%arg20 : memref<!tpu.dma_semaphore, #tpu.memory_space<semaphore_mem>>) src(%dma_wait3A_527 : memref<80x64xf32, #tpu.memory_space<vmem>>) dst(%dma_wait3A_533 : memref<10000x64xf32, #tpu.memory_space<vmem_shared>>)
      %add3A_534 = arith.constant 5 : i32
      %add3A_535 = arith.addi %mul3A_315, %add3A_534 : i32
      %add3A_536 = arith.constant 3 : i32
      %add3A_537 = arith.addi %add3A_535, %add3A_536 : i32
      %dma_start3A_538 = arith.constant 3 : i32
      %dma_start3A_539 = arith.constant 0 : i32
      %dma_start3A_540 = arith.constant 0 : i32
      %dma_start3A_541 = tpu.memref_slice %arg8[%dma_start3A_538, %dma_start3A_539, %dma_start3A_540] : memref<5x80x64xf32, #tpu.memory_space<vmem>> -> memref<1x80x64xf32, #tpu.memory_space<vmem>>
      %dma_start3A_542 = tpu.memref_squeeze %dma_start3A_541 : memref<1x80x64xf32, #tpu.memory_space<vmem>> -> memref<80x64xf32, #tpu.memory_space<vmem>>
      %dma_start3A_543 = arith.constant 0 : i32
      %dma_start3A_544 = tpu.memref_slice %arg6[%add3A_537, %dma_start3A_543] : memref<250x80xi32, #tpu.memory_space<vmem>> -> memref<1x80xi32, #tpu.memory_space<vmem>>
      %dma_start3A_545 = tpu.memref_squeeze %dma_start3A_544 : memref<1x80xi32, #tpu.memory_space<vmem>> -> memref<80xi32, #tpu.memory_space<vmem>>
      %dma_start3A_546 = arith.constant 0 : i32
      %dma_start3A_547 = arith.constant 0 : i32
      %dma_start3A_548 = tpu.memref_slice %arg2[%dma_start3A_546, %dma_start3A_547] : memref<20000x64xf32, #tpu.memory_space<hbm>> -> memref<20000x64xf32, #tpu.memory_space<hbm>>
      tpu.enqueue_indirect_dma source(%dma_start3A_548 : memref<20000x64xf32, #tpu.memory_space<hbm>>) target(%dma_start3A_542 : memref<80x64xf32, #tpu.memory_space<vmem>>) offsets(%dma_start3A_545 : memref<80xi32, #tpu.memory_space<vmem>>) semaphore(%arg15 : memref<!tpu.dma_semaphore, #tpu.memory_space<semaphore_mem>>)
      %dma_wait3A_549 = arith.constant 4 : i32
      %dma_wait3A_550 = arith.constant 0 : i32
      %dma_wait3A_551 = arith.constant 0 : i32
      %dma_wait3A_552 = arith.constant 0 : i32
      %dma_wait3A_553 = tpu.memref_slice %arg8[%dma_wait3A_549, %dma_wait3A_551, %dma_wait3A_552] : memref<5x80x64xf32, #tpu.memory_space<vmem>> -> memref<1x80x64xf32, #tpu.memory_space<vmem>>
      %dma_wait3A_554 = tpu.memref_squeeze %dma_wait3A_553 : memref<1x80x64xf32, #tpu.memory_space<vmem>> -> memref<80x64xf32, #tpu.memory_space<vmem>>
      %dma_wait3A_555 = arith.constant 0 : i32
      %dma_wait3A_556 = tpu.memref_slice %arg7[%dma_wait3A_550, %dma_wait3A_555] : memref<250x80xi32, #tpu.memory_space<vmem>> -> memref<1x80xi32, #tpu.memory_space<vmem>>
      %dma_wait3A_557 = tpu.memref_squeeze %dma_wait3A_556 : memref<1x80xi32, #tpu.memory_space<vmem>> -> memref<80xi32, #tpu.memory_space<vmem>>
      %dma_wait3A_558 = arith.constant 0 : i32
      %dma_wait3A_559 = arith.constant 0 : i32
      %dma_wait3A_560 = tpu.memref_slice %arg10[%dma_wait3A_558, %dma_wait3A_559] : memref<10000x64xf32, #tpu.memory_space<vmem_shared>> -> memref<10000x64xf32, #tpu.memory_space<vmem_shared>>
      tpu.wait_indirect_dma semaphore(%arg21 : memref<!tpu.dma_semaphore, #tpu.memory_space<semaphore_mem>>) src(%dma_wait3A_554 : memref<80x64xf32, #tpu.memory_space<vmem>>) dst(%dma_wait3A_560 : memref<10000x64xf32, #tpu.memory_space<vmem_shared>>)
      %add3A_561 = arith.constant 5 : i32
      %add3A_562 = arith.addi %mul3A_315, %add3A_561 : i32
      %add3A_563 = arith.constant 4 : i32
      %add3A_564 = arith.addi %add3A_562, %add3A_563 : i32
      %dma_start3A_565 = arith.constant 4 : i32
      %dma_start3A_566 = arith.constant 0 : i32
      %dma_start3A_567 = arith.constant 0 : i32
      %dma_start3A_568 = tpu.memref_slice %arg8[%dma_start3A_565, %dma_start3A_566, %dma_start3A_567] : memref<5x80x64xf32, #tpu.memory_space<vmem>> -> memref<1x80x64xf32, #tpu.memory_space<vmem>>
      %dma_start3A_569 = tpu.memref_squeeze %dma_start3A_568 : memref<1x80x64xf32, #tpu.memory_space<vmem>> -> memref<80x64xf32, #tpu.memory_space<vmem>>
      %dma_start3A_570 = arith.constant 0 : i32
      %dma_start3A_571 = tpu.memref_slice %arg6[%add3A_564, %dma_start3A_570] : memref<250x80xi32, #tpu.memory_space<vmem>> -> memref<1x80xi32, #tpu.memory_space<vmem>>
      %dma_start3A_572 = tpu.memref_squeeze %dma_start3A_571 : memref<1x80xi32, #tpu.memory_space<vmem>> -> memref<80xi32, #tpu.memory_space<vmem>>
      %dma_start3A_573 = arith.constant 0 : i32
      %dma_start3A_574 = arith.constant 0 : i32
      %dma_start3A_575 = tpu.memref_slice %arg2[%dma_start3A_573, %dma_start3A_574] : memref<20000x64xf32, #tpu.memory_space<hbm>> -> memref<20000x64xf32, #tpu.memory_space<hbm>>
      tpu.enqueue_indirect_dma source(%dma_start3A_575 : memref<20000x64xf32, #tpu.memory_space<hbm>>) target(%dma_start3A_569 : memref<80x64xf32, #tpu.memory_space<vmem>>) offsets(%dma_start3A_572 : memref<80xi32, #tpu.memory_space<vmem>>) semaphore(%arg16 : memref<!tpu.dma_semaphore, #tpu.memory_space<semaphore_mem>>)
    }
    %scan3A_127 = arith.constant 49 : i32
    %dma_wait3A_128 = arith.constant 0 : i32
    %dma_wait3A_129 = arith.constant 0 : i32
    %dma_wait3A_130 = arith.constant 0 : i32
    %dma_wait3A_131 = arith.constant 0 : i32
    %dma_wait3A_132 = tpu.memref_slice %arg8[%dma_wait3A_129, %dma_wait3A_130, %dma_wait3A_131] : memref<5x80x64xf32, #tpu.memory_space<vmem>> -> memref<1x80x64xf32, #tpu.memory_space<vmem>>
    %dma_wait3A_133 = tpu.memref_squeeze %dma_wait3A_132 : memref<1x80x64xf32, #tpu.memory_space<vmem>> -> memref<80x64xf32, #tpu.memory_space<vmem>>
    %dma_wait3A_134 = arith.constant 0 : i32
    %dma_wait3A_135 = tpu.memref_slice %arg6[%dma_wait3A_128, %dma_wait3A_134] : memref<250x80xi32, #tpu.memory_space<vmem>> -> memref<1x80xi32, #tpu.memory_space<vmem>>
    %dma_wait3A_136 = tpu.memref_squeeze %dma_wait3A_135 : memref<1x80xi32, #tpu.memory_space<vmem>> -> memref<80xi32, #tpu.memory_space<vmem>>
    %dma_wait3A_137 = arith.constant 0 : i32
    %dma_wait3A_138 = arith.constant 0 : i32
    %dma_wait3A_139 = tpu.memref_slice %arg2[%dma_wait3A_137, %dma_wait3A_138] : memref<20000x64xf32, #tpu.memory_space<hbm>> -> memref<20000x64xf32, #tpu.memory_space<hbm>>
    tpu.wait_indirect_dma semaphore(%arg12 : memref<!tpu.dma_semaphore, #tpu.memory_space<semaphore_mem>>) src(%dma_wait3A_139 : memref<20000x64xf32, #tpu.memory_space<hbm>>) dst(%dma_wait3A_133 : memref<80x64xf32, #tpu.memory_space<vmem>>)
    %dma_start3A_140 = arith.constant 0 : i32
    %dma_start3A_141 = arith.constant 245 : i32
    %dma_start3A_142 = arith.constant 0 : i32
    %dma_start3A_143 = arith.constant 0 : i32
    %dma_start3A_144 = tpu.memref_slice %arg8[%dma_start3A_140, %dma_start3A_142, %dma_start3A_143] : memref<5x80x64xf32, #tpu.memory_space<vmem>> -> memref<1x80x64xf32, #tpu.memory_space<vmem>>
    %dma_start3A_145 = tpu.memref_squeeze %dma_start3A_144 : memref<1x80x64xf32, #tpu.memory_space<vmem>> -> memref<80x64xf32, #tpu.memory_space<vmem>>
    %dma_start3A_146 = arith.constant 0 : i32
    %dma_start3A_147 = tpu.memref_slice %arg7[%dma_start3A_141, %dma_start3A_146] : memref<250x80xi32, #tpu.memory_space<vmem>> -> memref<1x80xi32, #tpu.memory_space<vmem>>
    %dma_start3A_148 = tpu.memref_squeeze %dma_start3A_147 : memref<1x80xi32, #tpu.memory_space<vmem>> -> memref<80xi32, #tpu.memory_space<vmem>>
    %dma_start3A_149 = arith.constant 0 : i32
    %dma_start3A_150 = arith.constant 0 : i32
    %dma_start3A_151 = tpu.memref_slice %arg10[%dma_start3A_149, %dma_start3A_150] : memref<10000x64xf32, #tpu.memory_space<vmem_shared>> -> memref<10000x64xf32, #tpu.memory_space<vmem_shared>>
    tpu.enqueue_indirect_dma source(%dma_start3A_145 : memref<80x64xf32, #tpu.memory_space<vmem>>) target(%dma_start3A_151 : memref<10000x64xf32, #tpu.memory_space<vmem_shared>>) offsets(%dma_start3A_148 : memref<80xi32, #tpu.memory_space<vmem>>) semaphore(%arg17 : memref<!tpu.dma_semaphore, #tpu.memory_space<semaphore_mem>>) {add = true}
    %dma_wait3A_152 = arith.constant 0 : i32
    %dma_wait3A_153 = arith.constant 1 : i32
    %dma_wait3A_154 = arith.constant 0 : i32
    %dma_wait3A_155 = arith.constant 0 : i32
    %dma_wait3A_156 = tpu.memref_slice %arg8[%dma_wait3A_153, %dma_wait3A_154, %dma_wait3A_155] : memref<5x80x64xf32, #tpu.memory_space<vmem>> -> memref<1x80x64xf32, #tpu.memory_space<vmem>>
    %dma_wait3A_157 = tpu.memref_squeeze %dma_wait3A_156 : memref<1x80x64xf32, #tpu.memory_space<vmem>> -> memref<80x64xf32, #tpu.memory_space<vmem>>
    %dma_wait3A_158 = arith.constant 0 : i32
    %dma_wait3A_159 = tpu.memref_slice %arg6[%dma_wait3A_152, %dma_wait3A_158] : memref<250x80xi32, #tpu.memory_space<vmem>> -> memref<1x80xi32, #tpu.memory_space<vmem>>
    %dma_wait3A_160 = tpu.memref_squeeze %dma_wait3A_159 : memref<1x80xi32, #tpu.memory_space<vmem>> -> memref<80xi32, #tpu.memory_space<vmem>>
    %dma_wait3A_161 = arith.constant 0 : i32
    %dma_wait3A_162 = arith.constant 0 : i32
    %dma_wait3A_163 = tpu.memref_slice %arg2[%dma_wait3A_161, %dma_wait3A_162] : memref<20000x64xf32, #tpu.memory_space<hbm>> -> memref<20000x64xf32, #tpu.memory_space<hbm>>
    tpu.wait_indirect_dma semaphore(%arg13 : memref<!tpu.dma_semaphore, #tpu.memory_space<semaphore_mem>>) src(%dma_wait3A_163 : memref<20000x64xf32, #tpu.memory_space<hbm>>) dst(%dma_wait3A_157 : memref<80x64xf32, #tpu.memory_space<vmem>>)
    %dma_start3A_164 = arith.constant 1 : i32
    %dma_start3A_165 = arith.constant 246 : i32
    %dma_start3A_166 = arith.constant 0 : i32
    %dma_start3A_167 = arith.constant 0 : i32
    %dma_start3A_168 = tpu.memref_slice %arg8[%dma_start3A_164, %dma_start3A_166, %dma_start3A_167] : memref<5x80x64xf32, #tpu.memory_space<vmem>> -> memref<1x80x64xf32, #tpu.memory_space<vmem>>
    %dma_start3A_169 = tpu.memref_squeeze %dma_start3A_168 : memref<1x80x64xf32, #tpu.memory_space<vmem>> -> memref<80x64xf32, #tpu.memory_space<vmem>>
    %dma_start3A_170 = arith.constant 0 : i32
    %dma_start3A_171 = tpu.memref_slice %arg7[%dma_start3A_165, %dma_start3A_170] : memref<250x80xi32, #tpu.memory_space<vmem>> -> memref<1x80xi32, #tpu.memory_space<vmem>>
    %dma_start3A_172 = tpu.memref_squeeze %dma_start3A_171 : memref<1x80xi32, #tpu.memory_space<vmem>> -> memref<80xi32, #tpu.memory_space<vmem>>
    %dma_start3A_173 = arith.constant 0 : i32
    %dma_start3A_174 = arith.constant 0 : i32
    %dma_start3A_175 = tpu.memref_slice %arg10[%dma_start3A_173, %dma_start3A_174] : memref<10000x64xf32, #tpu.memory_space<vmem_shared>> -> memref<10000x64xf32, #tpu.memory_space<vmem_shared>>
    tpu.enqueue_indirect_dma source(%dma_start3A_169 : memref<80x64xf32, #tpu.memory_space<vmem>>) target(%dma_start3A_175 : memref<10000x64xf32, #tpu.memory_space<vmem_shared>>) offsets(%dma_start3A_172 : memref<80xi32, #tpu.memory_space<vmem>>) semaphore(%arg18 : memref<!tpu.dma_semaphore, #tpu.memory_space<semaphore_mem>>) {add = true}
    %dma_wait3A_176 = arith.constant 0 : i32
    %dma_wait3A_177 = arith.constant 2 : i32
    %dma_wait3A_178 = arith.constant 0 : i32
    %dma_wait3A_179 = arith.constant 0 : i32
    %dma_wait3A_180 = tpu.memref_slice %arg8[%dma_wait3A_177, %dma_wait3A_178, %dma_wait3A_179] : memref<5x80x64xf32, #tpu.memory_space<vmem>> -> memref<1x80x64xf32, #tpu.memory_space<vmem>>
    %dma_wait3A_181 = tpu.memref_squeeze %dma_wait3A_180 : memref<1x80x64xf32, #tpu.memory_space<vmem>> -> memref<80x64xf32, #tpu.memory_space<vmem>>
    %dma_wait3A_182 = arith.constant 0 : i32
    %dma_wait3A_183 = tpu.memref_slice %arg6[%dma_wait3A_176, %dma_wait3A_182] : memref<250x80xi32, #tpu.memory_space<vmem>> -> memref<1x80xi32, #tpu.memory_space<vmem>>
    %dma_wait3A_184 = tpu.memref_squeeze %dma_wait3A_183 : memref<1x80xi32, #tpu.memory_space<vmem>> -> memref<80xi32, #tpu.memory_space<vmem>>
    %dma_wait3A_185 = arith.constant 0 : i32
    %dma_wait3A_186 = arith.constant 0 : i32
    %dma_wait3A_187 = tpu.memref_slice %arg2[%dma_wait3A_185, %dma_wait3A_186] : memref<20000x64xf32, #tpu.memory_space<hbm>> -> memref<20000x64xf32, #tpu.memory_space<hbm>>
    tpu.wait_indirect_dma semaphore(%arg14 : memref<!tpu.dma_semaphore, #tpu.memory_space<semaphore_mem>>) src(%dma_wait3A_187 : memref<20000x64xf32, #tpu.memory_space<hbm>>) dst(%dma_wait3A_181 : memref<80x64xf32, #tpu.memory_space<vmem>>)
    %dma_start3A_188 = arith.constant 2 : i32
    %dma_start3A_189 = arith.constant 247 : i32
    %dma_start3A_190 = arith.constant 0 : i32
    %dma_start3A_191 = arith.constant 0 : i32
    %dma_start3A_192 = tpu.memref_slice %arg8[%dma_start3A_188, %dma_start3A_190, %dma_start3A_191] : memref<5x80x64xf32, #tpu.memory_space<vmem>> -> memref<1x80x64xf32, #tpu.memory_space<vmem>>
    %dma_start3A_193 = tpu.memref_squeeze %dma_start3A_192 : memref<1x80x64xf32, #tpu.memory_space<vmem>> -> memref<80x64xf32, #tpu.memory_space<vmem>>
    %dma_start3A_194 = arith.constant 0 : i32
    %dma_start3A_195 = tpu.memref_slice %arg7[%dma_start3A_189, %dma_start3A_194] : memref<250x80xi32, #tpu.memory_space<vmem>> -> memref<1x80xi32, #tpu.memory_space<vmem>>
    %dma_start3A_196 = tpu.memref_squeeze %dma_start3A_195 : memref<1x80xi32, #tpu.memory_space<vmem>> -> memref<80xi32, #tpu.memory_space<vmem>>
    %dma_start3A_197 = arith.constant 0 : i32
    %dma_start3A_198 = arith.constant 0 : i32
    %dma_start3A_199 = tpu.memref_slice %arg10[%dma_start3A_197, %dma_start3A_198] : memref<10000x64xf32, #tpu.memory_space<vmem_shared>> -> memref<10000x64xf32, #tpu.memory_space<vmem_shared>>
    tpu.enqueue_indirect_dma source(%dma_start3A_193 : memref<80x64xf32, #tpu.memory_space<vmem>>) target(%dma_start3A_199 : memref<10000x64xf32, #tpu.memory_space<vmem_shared>>) offsets(%dma_start3A_196 : memref<80xi32, #tpu.memory_space<vmem>>) semaphore(%arg19 : memref<!tpu.dma_semaphore, #tpu.memory_space<semaphore_mem>>) {add = true}
    %dma_wait3A_200 = arith.constant 0 : i32
    %dma_wait3A_201 = arith.constant 3 : i32
    %dma_wait3A_202 = arith.constant 0 : i32
    %dma_wait3A_203 = arith.constant 0 : i32
    %dma_wait3A_204 = tpu.memref_slice %arg8[%dma_wait3A_201, %dma_wait3A_202, %dma_wait3A_203] : memref<5x80x64xf32, #tpu.memory_space<vmem>> -> memref<1x80x64xf32, #tpu.memory_space<vmem>>
    %dma_wait3A_205 = tpu.memref_squeeze %dma_wait3A_204 : memref<1x80x64xf32, #tpu.memory_space<vmem>> -> memref<80x64xf32, #tpu.memory_space<vmem>>
    %dma_wait3A_206 = arith.constant 0 : i32
    %dma_wait3A_207 = tpu.memref_slice %arg6[%dma_wait3A_200, %dma_wait3A_206] : memref<250x80xi32, #tpu.memory_space<vmem>> -> memref<1x80xi32, #tpu.memory_space<vmem>>
    %dma_wait3A_208 = tpu.memref_squeeze %dma_wait3A_207 : memref<1x80xi32, #tpu.memory_space<vmem>> -> memref<80xi32, #tpu.memory_space<vmem>>
    %dma_wait3A_209 = arith.constant 0 : i32
    %dma_wait3A_210 = arith.constant 0 : i32
    %dma_wait3A_211 = tpu.memref_slice %arg2[%dma_wait3A_209, %dma_wait3A_210] : memref<20000x64xf32, #tpu.memory_space<hbm>> -> memref<20000x64xf32, #tpu.memory_space<hbm>>
    tpu.wait_indirect_dma semaphore(%arg15 : memref<!tpu.dma_semaphore, #tpu.memory_space<semaphore_mem>>) src(%dma_wait3A_211 : memref<20000x64xf32, #tpu.memory_space<hbm>>) dst(%dma_wait3A_205 : memref<80x64xf32, #tpu.memory_space<vmem>>)
    %dma_start3A_212 = arith.constant 3 : i32
    %dma_start3A_213 = arith.constant 248 : i32
    %dma_start3A_214 = arith.constant 0 : i32
    %dma_start3A_215 = arith.constant 0 : i32
    %dma_start3A_216 = tpu.memref_slice %arg8[%dma_start3A_212, %dma_start3A_214, %dma_start3A_215] : memref<5x80x64xf32, #tpu.memory_space<vmem>> -> memref<1x80x64xf32, #tpu.memory_space<vmem>>
    %dma_start3A_217 = tpu.memref_squeeze %dma_start3A_216 : memref<1x80x64xf32, #tpu.memory_space<vmem>> -> memref<80x64xf32, #tpu.memory_space<vmem>>
    %dma_start3A_218 = arith.constant 0 : i32
    %dma_start3A_219 = tpu.memref_slice %arg7[%dma_start3A_213, %dma_start3A_218] : memref<250x80xi32, #tpu.memory_space<vmem>> -> memref<1x80xi32, #tpu.memory_space<vmem>>
    %dma_start3A_220 = tpu.memref_squeeze %dma_start3A_219 : memref<1x80xi32, #tpu.memory_space<vmem>> -> memref<80xi32, #tpu.memory_space<vmem>>
    %dma_start3A_221 = arith.constant 0 : i32
    %dma_start3A_222 = arith.constant 0 : i32
    %dma_start3A_223 = tpu.memref_slice %arg10[%dma_start3A_221, %dma_start3A_222] : memref<10000x64xf32, #tpu.memory_space<vmem_shared>> -> memref<10000x64xf32, #tpu.memory_space<vmem_shared>>
    tpu.enqueue_indirect_dma source(%dma_start3A_217 : memref<80x64xf32, #tpu.memory_space<vmem>>) target(%dma_start3A_223 : memref<10000x64xf32, #tpu.memory_space<vmem_shared>>) offsets(%dma_start3A_220 : memref<80xi32, #tpu.memory_space<vmem>>) semaphore(%arg20 : memref<!tpu.dma_semaphore, #tpu.memory_space<semaphore_mem>>) {add = true}
    %dma_wait3A_224 = arith.constant 0 : i32
    %dma_wait3A_225 = arith.constant 4 : i32
    %dma_wait3A_226 = arith.constant 0 : i32
    %dma_wait3A_227 = arith.constant 0 : i32
    %dma_wait3A_228 = tpu.memref_slice %arg8[%dma_wait3A_225, %dma_wait3A_226, %dma_wait3A_227] : memref<5x80x64xf32, #tpu.memory_space<vmem>> -> memref<1x80x64xf32, #tpu.memory_space<vmem>>
    %dma_wait3A_229 = tpu.memref_squeeze %dma_wait3A_228 : memref<1x80x64xf32, #tpu.memory_space<vmem>> -> memref<80x64xf32, #tpu.memory_space<vmem>>
    %dma_wait3A_230 = arith.constant 0 : i32
    %dma_wait3A_231 = tpu.memref_slice %arg6[%dma_wait3A_224, %dma_wait3A_230] : memref<250x80xi32, #tpu.memory_space<vmem>> -> memref<1x80xi32, #tpu.memory_space<vmem>>
    %dma_wait3A_232 = tpu.memref_squeeze %dma_wait3A_231 : memref<1x80xi32, #tpu.memory_space<vmem>> -> memref<80xi32, #tpu.memory_space<vmem>>
    %dma_wait3A_233 = arith.constant 0 : i32
    %dma_wait3A_234 = arith.constant 0 : i32
    %dma_wait3A_235 = tpu.memref_slice %arg2[%dma_wait3A_233, %dma_wait3A_234] : memref<20000x64xf32, #tpu.memory_space<hbm>> -> memref<20000x64xf32, #tpu.memory_space<hbm>>
    tpu.wait_indirect_dma semaphore(%arg16 : memref<!tpu.dma_semaphore, #tpu.memory_space<semaphore_mem>>) src(%dma_wait3A_235 : memref<20000x64xf32, #tpu.memory_space<hbm>>) dst(%dma_wait3A_229 : memref<80x64xf32, #tpu.memory_space<vmem>>)
    %dma_start3A_236 = arith.constant 4 : i32
    %dma_start3A_237 = arith.constant 249 : i32
    %dma_start3A_238 = arith.constant 0 : i32
    %dma_start3A_239 = arith.constant 0 : i32
    %dma_start3A_240 = tpu.memref_slice %arg8[%dma_start3A_236, %dma_start3A_238, %dma_start3A_239] : memref<5x80x64xf32, #tpu.memory_space<vmem>> -> memref<1x80x64xf32, #tpu.memory_space<vmem>>
    %dma_start3A_241 = tpu.memref_squeeze %dma_start3A_240 : memref<1x80x64xf32, #tpu.memory_space<vmem>> -> memref<80x64xf32, #tpu.memory_space<vmem>>
    %dma_start3A_242 = arith.constant 0 : i32
    %dma_start3A_243 = tpu.memref_slice %arg7[%dma_start3A_237, %dma_start3A_242] : memref<250x80xi32, #tpu.memory_space<vmem>> -> memref<1x80xi32, #tpu.memory_space<vmem>>
    %dma_start3A_244 = tpu.memref_squeeze %dma_start3A_243 : memref<1x80xi32, #tpu.memory_space<vmem>> -> memref<80xi32, #tpu.memory_space<vmem>>
    %dma_start3A_245 = arith.constant 0 : i32
    %dma_start3A_246 = arith.constant 0 : i32
    %dma_start3A_247 = tpu.memref_slice %arg10[%dma_start3A_245, %dma_start3A_246] : memref<10000x64xf32, #tpu.memory_space<vmem_shared>> -> memref<10000x64xf32, #tpu.memory_space<vmem_shared>>
    tpu.enqueue_indirect_dma source(%dma_start3A_241 : memref<80x64xf32, #tpu.memory_space<vmem>>) target(%dma_start3A_247 : memref<10000x64xf32, #tpu.memory_space<vmem_shared>>) offsets(%dma_start3A_244 : memref<80xi32, #tpu.memory_space<vmem>>) semaphore(%arg21 : memref<!tpu.dma_semaphore, #tpu.memory_space<semaphore_mem>>) {add = true}
    %dma_wait3A_248 = arith.constant 0 : i32
    %dma_wait3A_249 = arith.constant 0 : i32
    %dma_wait3A_250 = arith.constant 0 : i32
    %dma_wait3A_251 = arith.constant 0 : i32
    %dma_wait3A_252 = tpu.memref_slice %arg8[%dma_wait3A_248, %dma_wait3A_250, %dma_wait3A_251] : memref<5x80x64xf32, #tpu.memory_space<vmem>> -> memref<1x80x64xf32, #tpu.memory_space<vmem>>
    %dma_wait3A_253 = tpu.memref_squeeze %dma_wait3A_252 : memref<1x80x64xf32, #tpu.memory_space<vmem>> -> memref<80x64xf32, #tpu.memory_space<vmem>>
    %dma_wait3A_254 = arith.constant 0 : i32
    %dma_wait3A_255 = tpu.memref_slice %arg7[%dma_wait3A_249, %dma_wait3A_254] : memref<250x80xi32, #tpu.memory_space<vmem>> -> memref<1x80xi32, #tpu.memory_space<vmem>>
    %dma_wait3A_256 = tpu.memref_squeeze %dma_wait3A_255 : memref<1x80xi32, #tpu.memory_space<vmem>> -> memref<80xi32, #tpu.memory_space<vmem>>
    %dma_wait3A_257 = arith.constant 0 : i32
    %dma_wait3A_258 = arith.constant 0 : i32
    %dma_wait3A_259 = tpu.memref_slice %arg10[%dma_wait3A_257, %dma_wait3A_258] : memref<10000x64xf32, #tpu.memory_space<vmem_shared>> -> memref<10000x64xf32, #tpu.memory_space<vmem_shared>>
    tpu.wait_indirect_dma semaphore(%arg17 : memref<!tpu.dma_semaphore, #tpu.memory_space<semaphore_mem>>) src(%dma_wait3A_253 : memref<80x64xf32, #tpu.memory_space<vmem>>) dst(%dma_wait3A_259 : memref<10000x64xf32, #tpu.memory_space<vmem_shared>>)
    %dma_wait3A_260 = arith.constant 1 : i32
    %dma_wait3A_261 = arith.constant 0 : i32
    %dma_wait3A_262 = arith.constant 0 : i32
    %dma_wait3A_263 = arith.constant 0 : i32
    %dma_wait3A_264 = tpu.memref_slice %arg8[%dma_wait3A_260, %dma_wait3A_262, %dma_wait3A_263] : memref<5x80x64xf32, #tpu.memory_space<vmem>> -> memref<1x80x64xf32, #tpu.memory_space<vmem>>
    %dma_wait3A_265 = tpu.memref_squeeze %dma_wait3A_264 : memref<1x80x64xf32, #tpu.memory_space<vmem>> -> memref<80x64xf32, #tpu.memory_space<vmem>>
    %dma_wait3A_266 = arith.constant 0 : i32
    %dma_wait3A_267 = tpu.memref_slice %arg7[%dma_wait3A_261, %dma_wait3A_266] : memref<250x80xi32, #tpu.memory_space<vmem>> -> memref<1x80xi32, #tpu.memory_space<vmem>>
    %dma_wait3A_268 = tpu.memref_squeeze %dma_wait3A_267 : memref<1x80xi32, #tpu.memory_space<vmem>> -> memref<80xi32, #tpu.memory_space<vmem>>
    %dma_wait3A_269 = arith.constant 0 : i32
    %dma_wait3A_270 = arith.constant 0 : i32
    %dma_wait3A_271 = tpu.memref_slice %arg10[%dma_wait3A_269, %dma_wait3A_270] : memref<10000x64xf32, #tpu.memory_space<vmem_shared>> -> memref<10000x64xf32, #tpu.memory_space<vmem_shared>>
    tpu.wait_indirect_dma semaphore(%arg18 : memref<!tpu.dma_semaphore, #tpu.memory_space<semaphore_mem>>) src(%dma_wait3A_265 : memref<80x64xf32, #tpu.memory_space<vmem>>) dst(%dma_wait3A_271 : memref<10000x64xf32, #tpu.memory_space<vmem_shared>>)
    %dma_wait3A_272 = arith.constant 2 : i32
    %dma_wait3A_273 = arith.constant 0 : i32
    %dma_wait3A_274 = arith.constant 0 : i32
    %dma_wait3A_275 = arith.constant 0 : i32
    %dma_wait3A_276 = tpu.memref_slice %arg8[%dma_wait3A_272, %dma_wait3A_274, %dma_wait3A_275] : memref<5x80x64xf32, #tpu.memory_space<vmem>> -> memref<1x80x64xf32, #tpu.memory_space<vmem>>
    %dma_wait3A_277 = tpu.memref_squeeze %dma_wait3A_276 : memref<1x80x64xf32, #tpu.memory_space<vmem>> -> memref<80x64xf32, #tpu.memory_space<vmem>>
    %dma_wait3A_278 = arith.constant 0 : i32
    %dma_wait3A_279 = tpu.memref_slice %arg7[%dma_wait3A_273, %dma_wait3A_278] : memref<250x80xi32, #tpu.memory_space<vmem>> -> memref<1x80xi32, #tpu.memory_space<vmem>>
    %dma_wait3A_280 = tpu.memref_squeeze %dma_wait3A_279 : memref<1x80xi32, #tpu.memory_space<vmem>> -> memref<80xi32, #tpu.memory_space<vmem>>
    %dma_wait3A_281 = arith.constant 0 : i32
    %dma_wait3A_282 = arith.constant 0 : i32
    %dma_wait3A_283 = tpu.memref_slice %arg10[%dma_wait3A_281, %dma_wait3A_282] : memref<10000x64xf32, #tpu.memory_space<vmem_shared>> -> memref<10000x64xf32, #tpu.memory_space<vmem_shared>>
    tpu.wait_indirect_dma semaphore(%arg19 : memref<!tpu.dma_semaphore, #tpu.memory_space<semaphore_mem>>) src(%dma_wait3A_277 : memref<80x64xf32, #tpu.memory_space<vmem>>) dst(%dma_wait3A_283 : memref<10000x64xf32, #tpu.memory_space<vmem_shared>>)
    %dma_wait3A_284 = arith.constant 3 : i32
    %dma_wait3A_285 = arith.constant 0 : i32
    %dma_wait3A_286 = arith.constant 0 : i32
    %dma_wait3A_287 = arith.constant 0 : i32
    %dma_wait3A_288 = tpu.memref_slice %arg8[%dma_wait3A_284, %dma_wait3A_286, %dma_wait3A_287] : memref<5x80x64xf32, #tpu.memory_space<vmem>> -> memref<1x80x64xf32, #tpu.memory_space<vmem>>
    %dma_wait3A_289 = tpu.memref_squeeze %dma_wait3A_288 : memref<1x80x64xf32, #tpu.memory_space<vmem>> -> memref<80x64xf32, #tpu.memory_space<vmem>>
    %dma_wait3A_290 = arith.constant 0 : i32
    %dma_wait3A_291 = tpu.memref_slice %arg7[%dma_wait3A_285, %dma_wait3A_290] : memref<250x80xi32, #tpu.memory_space<vmem>> -> memref<1x80xi32, #tpu.memory_space<vmem>>
    %dma_wait3A_292 = tpu.memref_squeeze %dma_wait3A_291 : memref<1x80xi32, #tpu.memory_space<vmem>> -> memref<80xi32, #tpu.memory_space<vmem>>
    %dma_wait3A_293 = arith.constant 0 : i32
    %dma_wait3A_294 = arith.constant 0 : i32
    %dma_wait3A_295 = tpu.memref_slice %arg10[%dma_wait3A_293, %dma_wait3A_294] : memref<10000x64xf32, #tpu.memory_space<vmem_shared>> -> memref<10000x64xf32, #tpu.memory_space<vmem_shared>>
    tpu.wait_indirect_dma semaphore(%arg20 : memref<!tpu.dma_semaphore, #tpu.memory_space<semaphore_mem>>) src(%dma_wait3A_289 : memref<80x64xf32, #tpu.memory_space<vmem>>) dst(%dma_wait3A_295 : memref<10000x64xf32, #tpu.memory_space<vmem_shared>>)
    %dma_wait3A_296 = arith.constant 4 : i32
    %dma_wait3A_297 = arith.constant 0 : i32
    %dma_wait3A_298 = arith.constant 0 : i32
    %dma_wait3A_299 = arith.constant 0 : i32
    %dma_wait3A_300 = tpu.memref_slice %arg8[%dma_wait3A_296, %dma_wait3A_298, %dma_wait3A_299] : memref<5x80x64xf32, #tpu.memory_space<vmem>> -> memref<1x80x64xf32, #tpu.memory_space<vmem>>
    %dma_wait3A_301 = tpu.memref_squeeze %dma_wait3A_300 : memref<1x80x64xf32, #tpu.memory_space<vmem>> -> memref<80x64xf32, #tpu.memory_space<vmem>>
    %dma_wait3A_302 = arith.constant 0 : i32
    %dma_wait3A_303 = tpu.memref_slice %arg7[%dma_wait3A_297, %dma_wait3A_302] : memref<250x80xi32, #tpu.memory_space<vmem>> -> memref<1x80xi32, #tpu.memory_space<vmem>>
    %dma_wait3A_304 = tpu.memref_squeeze %dma_wait3A_303 : memref<1x80xi32, #tpu.memory_space<vmem>> -> memref<80xi32, #tpu.memory_space<vmem>>
    %dma_wait3A_305 = arith.constant 0 : i32
    %dma_wait3A_306 = arith.constant 0 : i32
    %dma_wait3A_307 = tpu.memref_slice %arg10[%dma_wait3A_305, %dma_wait3A_306] : memref<10000x64xf32, #tpu.memory_space<vmem_shared>> -> memref<10000x64xf32, #tpu.memory_space<vmem_shared>>
    tpu.wait_indirect_dma semaphore(%arg21 : memref<!tpu.dma_semaphore, #tpu.memory_space<semaphore_mem>>) src(%dma_wait3A_301 : memref<80x64xf32, #tpu.memory_space<vmem>>) dst(%dma_wait3A_307 : memref<10000x64xf32, #tpu.memory_space<vmem_shared>>)
    %barrier3A_308 = arith.constant 0 : index
    tpu.barrier barrier_id(%barrier3A_308)
    %mul3A_309 = arith.constant 625 : i32
    %mul3A_310 = arith.muli %arg1, %mul3A_309 : i32
    %mul3A_311 = arith.constant 625 : i32
    %mul3A_312 = arith.muli %arg1, %mul3A_311 : i32
    "tpu.region"() ({
      %run_scoped3A = tpu.sem_alloc : memref<!tpu.dma_semaphore, #tpu.memory_space<semaphore_mem>>
      %dma_start3A_313 = arith.constant 0 : i32
      %dma_start3A_314 = tpu.memref_slice %arg5[%arg0, %mul3A_312, %dma_start3A_313] : memref<2x10000x64xf32, #tpu.memory_space<hbm>> -> memref<1x625x64xf32, #tpu.memory_space<hbm>>
      %dma_start3A_315 = tpu.memref_squeeze %dma_start3A_314 : memref<1x625x64xf32, #tpu.memory_space<hbm>> -> memref<625x64xf32, #tpu.memory_space<hbm>>
      %dma_start3A_316 = arith.constant 0 : i32
      %dma_start3A_317 = tpu.memref_slice %arg10[%mul3A_310, %dma_start3A_316] : memref<10000x64xf32, #tpu.memory_space<vmem_shared>> -> memref<625x64xf32, #tpu.memory_space<vmem_shared>>
      tpu.enqueue_dma source(%dma_start3A_317 : memref<625x64xf32, #tpu.memory_space<vmem_shared>>) target(%dma_start3A_315 : memref<625x64xf32, #tpu.memory_space<hbm>>) target_semaphore(%run_scoped3A : memref<!tpu.dma_semaphore, #tpu.memory_space<semaphore_mem>>)
      %dma_wait3A_318 = arith.constant 0 : i32
      %dma_wait3A_319 = tpu.memref_slice %arg5[%arg0, %mul3A_312, %dma_wait3A_318] : memref<2x10000x64xf32, #tpu.memory_space<hbm>> -> memref<1x625x64xf32, #tpu.memory_space<hbm>>
      %dma_wait3A_320 = tpu.memref_squeeze %dma_wait3A_319 : memref<1x625x64xf32, #tpu.memory_space<hbm>> -> memref<625x64xf32, #tpu.memory_space<hbm>>
      %dma_wait3A_321 = arith.constant 0 : i32
      %dma_wait3A_322 = tpu.memref_slice %arg10[%mul3A_310, %dma_wait3A_321] : memref<10000x64xf32, #tpu.memory_space<vmem_shared>> -> memref<625x64xf32, #tpu.memory_space<vmem_shared>>
      tpu.wait_dma2 semaphore(%run_scoped3A : memref<!tpu.dma_semaphore, #tpu.memory_space<semaphore_mem>>) src(%dma_wait3A_322 : memref<625x64xf32, #tpu.memory_space<vmem_shared>>) dst(%dma_wait3A_320 : memref<625x64xf32, #tpu.memory_space<hbm>>)
      tpu.yield
    }) : () -> ()
    return
  }
}

#map = affine_map<(d0, d1) -> (0, 0)>
#map1 = affine_map<(d0, d1) -> (0, 0, 0)>
module attributes {stable_mosaic.version = 14 : i64} {
  func.func @_sc_agg_body(%arg0: i32, %arg1: i32, %arg2: memref<20000x64xf32, #tpu.memory_space<hbm>>, %arg3: memref<16x250x80xi32, #tpu.memory_space<hbm>>, %arg4: memref<16x250x80xi32, #tpu.memory_space<hbm>>, %arg5: memref<2x10000x64xf32, #tpu.memory_space<hbm>>, %arg6: memref<250x80xi32, #tpu.memory_space<vmem>>, %arg7: memref<250x80xi32, #tpu.memory_space<vmem>>, %arg8: memref<5x80x64xf32, #tpu.memory_space<vmem>>, %arg9: memref<125x64xf32, #tpu.memory_space<vmem>>, %arg10: memref<10000x64xf32, #tpu.memory_space<vmem_shared>>, %arg11: memref<!tpu.dma_semaphore, #tpu.memory_space<semaphore_mem>>, %arg12: memref<!tpu.dma_semaphore, #tpu.memory_space<semaphore_mem>>, %arg13: memref<!tpu.dma_semaphore, #tpu.memory_space<semaphore_mem>>, %arg14: memref<!tpu.dma_semaphore, #tpu.memory_space<semaphore_mem>>, %arg15: memref<!tpu.dma_semaphore, #tpu.memory_space<semaphore_mem>>, %arg16: memref<!tpu.dma_semaphore, #tpu.memory_space<semaphore_mem>>, %arg17: memref<!tpu.dma_semaphore, #tpu.memory_space<semaphore_mem>>, %arg18: memref<!tpu.dma_semaphore, #tpu.memory_space<semaphore_mem>>, %arg19: memref<!tpu.dma_semaphore, #tpu.memory_space<semaphore_mem>>, %arg20: memref<!tpu.dma_semaphore, #tpu.memory_space<semaphore_mem>>, %arg21: memref<!tpu.dma_semaphore, #tpu.memory_space<semaphore_mem>>) attributes {dimension_semantics = [#tpu.dimension_semantics<core_parallel>, #tpu.dimension_semantics<subcore_parallel>], iteration_bounds = array<i64: 2, 16>, scalar_prefetch = 0 : i64, scratch_operands = 16 : i64, tpu.core_type = #tpu.core_type<sc_vector_subcore>, window_params = [{transform_indices = #map}, {transform_indices = #map1}, {transform_indices = #map1}, {transform_indices = #map1}]} {
    %dma_start3A = arith.constant 0 : i32
    %dma_start3A_0 = arith.constant 0 : i32
    %dma_start3A_1 = tpu.memref_slice %arg3[%arg1, %dma_start3A, %dma_start3A_0] : memref<16x250x80xi32, #tpu.memory_space<hbm>> -> memref<1x250x80xi32, #tpu.memory_space<hbm>>
    %dma_start3A_2 = tpu.memref_squeeze %dma_start3A_1 : memref<1x250x80xi32, #tpu.memory_space<hbm>> -> memref<250x80xi32, #tpu.memory_space<hbm>>
    %dma_start3A_3 = arith.constant 0 : i32
    %dma_start3A_4 = arith.constant 0 : i32
    %dma_start3A_5 = tpu.memref_slice %arg3[%arg1, %dma_start3A_3, %dma_start3A_4] : memref<16x250x80xi32, #tpu.memory_space<hbm>> -> memref<1x250x80xi32, #tpu.memory_space<hbm>>
    %dma_start3A_6 = tpu.memref_squeeze %dma_start3A_5 : memref<1x250x80xi32, #tpu.memory_space<hbm>> -> memref<250x80xi32, #tpu.memory_space<hbm>>
    tpu.enqueue_dma source(%dma_start3A_6 : memref<250x80xi32, #tpu.memory_space<hbm>>) target(%arg6 : memref<250x80xi32, #tpu.memory_space<vmem>>) target_semaphore(%arg11 : memref<!tpu.dma_semaphore, #tpu.memory_space<semaphore_mem>>)
    %dma_start3A_7 = arith.constant 0 : i32
    %dma_start3A_8 = arith.constant 0 : i32
    %dma_start3A_9 = tpu.memref_slice %arg4[%arg1, %dma_start3A_7, %dma_start3A_8] : memref<16x250x80xi32, #tpu.memory_space<hbm>> -> memref<1x250x80xi32, #tpu.memory_space<hbm>>
    %dma_start3A_10 = tpu.memref_squeeze %dma_start3A_9 : memref<1x250x80xi32, #tpu.memory_space<hbm>> -> memref<250x80xi32, #tpu.memory_space<hbm>>
    %dma_start3A_11 = arith.constant 0 : i32
    %dma_start3A_12 = arith.constant 0 : i32
    %dma_start3A_13 = tpu.memref_slice %arg4[%arg1, %dma_start3A_11, %dma_start3A_12] : memref<16x250x80xi32, #tpu.memory_space<hbm>> -> memref<1x250x80xi32, #tpu.memory_space<hbm>>
    %dma_start3A_14 = tpu.memref_squeeze %dma_start3A_13 : memref<1x250x80xi32, #tpu.memory_space<hbm>> -> memref<250x80xi32, #tpu.memory_space<hbm>>
    tpu.enqueue_dma source(%dma_start3A_14 : memref<250x80xi32, #tpu.memory_space<hbm>>) target(%arg7 : memref<250x80xi32, #tpu.memory_space<vmem>>) target_semaphore(%arg11 : memref<!tpu.dma_semaphore, #tpu.memory_space<semaphore_mem>>)
    %broadcast_in_dim3A = arith.constant 0.000000e+00 : f32
    %broadcast_in_dim3A_15 = vector.broadcast %broadcast_in_dim3A : f32 to vector<16xf32>
    %scan3A = arith.constant 0 : i32
    %scan3A_16 = arith.constant 0 : i32
    %scan3A_17 = arith.constant 500 : i32
    %scan3A_18 = arith.addi %scan3A_16, %scan3A_17 : i32
    %scan3A_19 = arith.constant 1 : i32
    scf.for %scan3A_313 = %scan3A_16 to %scan3A_18 step %scan3A_19  : i32 {
      %jit3A = arith.constant 4 : i32
      %div3A = arith.divsi %scan3A_313, %jit3A : i32
      %sign3A = arith.constant 0 : i32
      %sign3A_314 = arith.cmpi sgt, %scan3A_313, %sign3A : i32
      %sign3A_315 = arith.extui %sign3A_314 : i1 to i32
      %sign3A_316 = arith.constant 0 : i32
      %sign3A_317 = arith.cmpi slt, %scan3A_313, %sign3A_316 : i32
      %sign3A_318 = arith.extui %sign3A_317 : i1 to i32
      %sign3A_319 = arith.subi %sign3A_315, %sign3A_318 : i32
      %sign3A_320 = arith.constant 0 : i32
      %sign3A_321 = arith.cmpi sgt, %jit3A, %sign3A_320 : i32
      %sign3A_322 = arith.extui %sign3A_321 : i1 to i32
      %sign3A_323 = arith.constant 0 : i32
      %sign3A_324 = arith.cmpi slt, %jit3A, %sign3A_323 : i32
      %sign3A_325 = arith.extui %sign3A_324 : i1 to i32
      %sign3A_326 = arith.subi %sign3A_322, %sign3A_325 : i32
      %ne3A = arith.cmpi ne, %sign3A_319, %sign3A_326 : i32
      %rem3A = arith.remsi %scan3A_313, %jit3A : i32
      %ne3A_327 = arith.constant 0 : i32
      %ne3A_328 = arith.cmpi ne, %rem3A, %ne3A_327 : i32
      %and3A = arith.andi %ne3A, %ne3A_328 : i1
      %sub3A = arith.constant 1 : i32
      %sub3A_329 = arith.subi %div3A, %sub3A : i32
      %select_n3A = arith.select %and3A, %sub3A_329, %div3A : i32
      %jit3A_330 = arith.constant 4 : i32
      %eq3A = arith.constant 0 : i32
      %eq3A_331 = arith.cmpi eq, %jit3A_330, %eq3A : i32
      %jit3A_332 = arith.constant 1 : i32
      %select_n3A_333 = arith.select %eq3A_331, %jit3A_332, %jit3A_330 : i32
      %rem3A_334 = arith.remsi %scan3A_313, %select_n3A_333 : i32
      %ne3A_335 = arith.constant 0 : i32
      %ne3A_336 = arith.cmpi ne, %rem3A_334, %ne3A_335 : i32
      %lt3A = arith.constant 0 : i32
      %lt3A_337 = arith.cmpi slt, %rem3A_334, %lt3A : i32
      %lt3A_338 = arith.constant 0 : i32
      %lt3A_339 = arith.cmpi slt, %select_n3A_333, %lt3A_338 : i32
      %ne3A_340 = arith.xori %lt3A_337, %lt3A_339 : i1
      %and3A_341 = arith.andi %ne3A_340, %ne3A_336 : i1
      %add3A_342 = arith.addi %rem3A_334, %select_n3A_333 : i32
      %select_n3A_343 = arith.select %and3A_341, %add3A_342, %rem3A_334 : i32
      %mul3A_344 = arith.constant 16 : i32
      %mul3A_345 = arith.muli %select_n3A_343, %mul3A_344 : i32
      %swap3A = arith.index_cast %select_n3A : i32 to index
      %swap3A_346 = arith.index_cast %mul3A_345 : i32 to index
      %swap3A_347 = tpu.vector_load %arg9[%swap3A, %swap3A_346] {strides = array<i32>} : memref<125x64xf32, #tpu.memory_space<vmem>>, vector<1x16xf32>,
      %swap3A_348 = vector.shape_cast %swap3A_347 : vector<1x16xf32> to vector<16xf32>
      %swap3A_349 = vector.shape_cast %broadcast_in_dim3A_15 : vector<16xf32> to vector<1x16xf32>
      tpu.vector_store %arg9[%swap3A, %swap3A_346], %swap3A_349 {strides = array<i32>} : memref<125x64xf32, #tpu.memory_space<vmem>>, vector<1x16xf32>,
    }
    %scan3A_20 = arith.constant 500 : i32
    %mul3A = arith.constant 625 : i32
    %mul3A_21 = arith.muli %arg1, %mul3A : i32
    %add3A = arith.constant 0 : i32
    %add3A_22 = arith.addi %mul3A_21, %add3A : i32
    "tpu.region"() ({
      %run_scoped3A = tpu.sem_alloc : memref<!tpu.dma_semaphore, #tpu.memory_space<semaphore_mem>>
      %dma_start3A_313 = arith.constant 0 : i32
      %dma_start3A_314 = tpu.memref_slice %arg10[%add3A_22, %dma_start3A_313] : memref<10000x64xf32, #tpu.memory_space<vmem_shared>> -> memref<125x64xf32, #tpu.memory_space<vmem_shared>>
      %dma_start3A_315 = arith.constant 0 : i32
      %dma_start3A_316 = tpu.memref_slice %arg10[%add3A_22, %dma_start3A_315] : memref<10000x64xf32, #tpu.memory_space<vmem_shared>> -> memref<125x64xf32, #tpu.memory_space<vmem_shared>>
      tpu.enqueue_dma source(%arg9 : memref<125x64xf32, #tpu.memory_space<vmem>>) target(%dma_start3A_316 : memref<125x64xf32, #tpu.memory_space<vmem_shared>>) target_semaphore(%run_scoped3A : memref<!tpu.dma_semaphore, #tpu.memory_space<semaphore_mem>>)
      %dma_wait3A_317 = arith.constant 0 : i32
      %dma_wait3A_318 = tpu.memref_slice %arg10[%add3A_22, %dma_wait3A_317] : memref<10000x64xf32, #tpu.memory_space<vmem_shared>> -> memref<125x64xf32, #tpu.memory_space<vmem_shared>>
      %dma_wait3A_319 = arith.constant 0 : i32
      %dma_wait3A_320 = tpu.memref_slice %arg10[%add3A_22, %dma_wait3A_319] : memref<10000x64xf32, #tpu.memory_space<vmem_shared>> -> memref<125x64xf32, #tpu.memory_space<vmem_shared>>
      tpu.wait_dma2 semaphore(%run_scoped3A : memref<!tpu.dma_semaphore, #tpu.memory_space<semaphore_mem>>) src(%arg9 : memref<125x64xf32, #tpu.memory_space<vmem>>) dst(%dma_wait3A_320 : memref<125x64xf32, #tpu.memory_space<vmem_shared>>)
      tpu.yield
    }) : () -> ()
    %mul3A_23 = arith.constant 625 : i32
    %mul3A_24 = arith.muli %arg1, %mul3A_23 : i32
    %add3A_25 = arith.constant 125 : i32
    %add3A_26 = arith.addi %mul3A_24, %add3A_25 : i32
    "tpu.region"() ({
      %run_scoped3A = tpu.sem_alloc : memref<!tpu.dma_semaphore, #tpu.memory_space<semaphore_mem>>
      %dma_start3A_313 = arith.constant 0 : i32
      %dma_start3A_314 = tpu.memref_slice %arg10[%add3A_26, %dma_start3A_313] : memref<10000x64xf32, #tpu.memory_space<vmem_shared>> -> memref<125x64xf32, #tpu.memory_space<vmem_shared>>
      %dma_start3A_315 = arith.constant 0 : i32
      %dma_start3A_316 = tpu.memref_slice %arg10[%add3A_26, %dma_start3A_315] : memref<10000x64xf32, #tpu.memory_space<vmem_shared>> -> memref<125x64xf32, #tpu.memory_space<vmem_shared>>
      tpu.enqueue_dma source(%arg9 : memref<125x64xf32, #tpu.memory_space<vmem>>) target(%dma_start3A_316 : memref<125x64xf32, #tpu.memory_space<vmem_shared>>) target_semaphore(%run_scoped3A : memref<!tpu.dma_semaphore, #tpu.memory_space<semaphore_mem>>)
      %dma_wait3A_317 = arith.constant 0 : i32
      %dma_wait3A_318 = tpu.memref_slice %arg10[%add3A_26, %dma_wait3A_317] : memref<10000x64xf32, #tpu.memory_space<vmem_shared>> -> memref<125x64xf32, #tpu.memory_space<vmem_shared>>
      %dma_wait3A_319 = arith.constant 0 : i32
      %dma_wait3A_320 = tpu.memref_slice %arg10[%add3A_26, %dma_wait3A_319] : memref<10000x64xf32, #tpu.memory_space<vmem_shared>> -> memref<125x64xf32, #tpu.memory_space<vmem_shared>>
      tpu.wait_dma2 semaphore(%run_scoped3A : memref<!tpu.dma_semaphore, #tpu.memory_space<semaphore_mem>>) src(%arg9 : memref<125x64xf32, #tpu.memory_space<vmem>>) dst(%dma_wait3A_320 : memref<125x64xf32, #tpu.memory_space<vmem_shared>>)
      tpu.yield
    }) : () -> ()
    %mul3A_27 = arith.constant 625 : i32
    %mul3A_28 = arith.muli %arg1, %mul3A_27 : i32
    %add3A_29 = arith.constant 250 : i32
    %add3A_30 = arith.addi %mul3A_28, %add3A_29 : i32
    "tpu.region"() ({
      %run_scoped3A = tpu.sem_alloc : memref<!tpu.dma_semaphore, #tpu.memory_space<semaphore_mem>>
      %dma_start3A_313 = arith.constant 0 : i32
      %dma_start3A_314 = tpu.memref_slice %arg10[%add3A_30, %dma_start3A_313] : memref<10000x64xf32, #tpu.memory_space<vmem_shared>> -> memref<125x64xf32, #tpu.memory_space<vmem_shared>>
      %dma_start3A_315 = arith.constant 0 : i32
      %dma_start3A_316 = tpu.memref_slice %arg10[%add3A_30, %dma_start3A_315] : memref<10000x64xf32, #tpu.memory_space<vmem_shared>> -> memref<125x64xf32, #tpu.memory_space<vmem_shared>>
      tpu.enqueue_dma source(%arg9 : memref<125x64xf32, #tpu.memory_space<vmem>>) target(%dma_start3A_316 : memref<125x64xf32, #tpu.memory_space<vmem_shared>>) target_semaphore(%run_scoped3A : memref<!tpu.dma_semaphore, #tpu.memory_space<semaphore_mem>>)
      %dma_wait3A_317 = arith.constant 0 : i32
      %dma_wait3A_318 = tpu.memref_slice %arg10[%add3A_30, %dma_wait3A_317] : memref<10000x64xf32, #tpu.memory_space<vmem_shared>> -> memref<125x64xf32, #tpu.memory_space<vmem_shared>>
      %dma_wait3A_319 = arith.constant 0 : i32
      %dma_wait3A_320 = tpu.memref_slice %arg10[%add3A_30, %dma_wait3A_319] : memref<10000x64xf32, #tpu.memory_space<vmem_shared>> -> memref<125x64xf32, #tpu.memory_space<vmem_shared>>
      tpu.wait_dma2 semaphore(%run_scoped3A : memref<!tpu.dma_semaphore, #tpu.memory_space<semaphore_mem>>) src(%arg9 : memref<125x64xf32, #tpu.memory_space<vmem>>) dst(%dma_wait3A_320 : memref<125x64xf32, #tpu.memory_space<vmem_shared>>)
      tpu.yield
    }) : () -> ()
    %mul3A_31 = arith.constant 625 : i32
    %mul3A_32 = arith.muli %arg1, %mul3A_31 : i32
    %add3A_33 = arith.constant 375 : i32
    %add3A_34 = arith.addi %mul3A_32, %add3A_33 : i32
    "tpu.region"() ({
      %run_scoped3A = tpu.sem_alloc : memref<!tpu.dma_semaphore, #tpu.memory_space<semaphore_mem>>
      %dma_start3A_313 = arith.constant 0 : i32
      %dma_start3A_314 = tpu.memref_slice %arg10[%add3A_34, %dma_start3A_313] : memref<10000x64xf32, #tpu.memory_space<vmem_shared>> -> memref<125x64xf32, #tpu.memory_space<vmem_shared>>
      %dma_start3A_315 = arith.constant 0 : i32
      %dma_start3A_316 = tpu.memref_slice %arg10[%add3A_34, %dma_start3A_315] : memref<10000x64xf32, #tpu.memory_space<vmem_shared>> -> memref<125x64xf32, #tpu.memory_space<vmem_shared>>
      tpu.enqueue_dma source(%arg9 : memref<125x64xf32, #tpu.memory_space<vmem>>) target(%dma_start3A_316 : memref<125x64xf32, #tpu.memory_space<vmem_shared>>) target_semaphore(%run_scoped3A : memref<!tpu.dma_semaphore, #tpu.memory_space<semaphore_mem>>)
      %dma_wait3A_317 = arith.constant 0 : i32
      %dma_wait3A_318 = tpu.memref_slice %arg10[%add3A_34, %dma_wait3A_317] : memref<10000x64xf32, #tpu.memory_space<vmem_shared>> -> memref<125x64xf32, #tpu.memory_space<vmem_shared>>
      %dma_wait3A_319 = arith.constant 0 : i32
      %dma_wait3A_320 = tpu.memref_slice %arg10[%add3A_34, %dma_wait3A_319] : memref<10000x64xf32, #tpu.memory_space<vmem_shared>> -> memref<125x64xf32, #tpu.memory_space<vmem_shared>>
      tpu.wait_dma2 semaphore(%run_scoped3A : memref<!tpu.dma_semaphore, #tpu.memory_space<semaphore_mem>>) src(%arg9 : memref<125x64xf32, #tpu.memory_space<vmem>>) dst(%dma_wait3A_320 : memref<125x64xf32, #tpu.memory_space<vmem_shared>>)
      tpu.yield
    }) : () -> ()
    %mul3A_35 = arith.constant 625 : i32
    %mul3A_36 = arith.muli %arg1, %mul3A_35 : i32
    %add3A_37 = arith.constant 500 : i32
    %add3A_38 = arith.addi %mul3A_36, %add3A_37 : i32
    "tpu.region"() ({
      %run_scoped3A = tpu.sem_alloc : memref<!tpu.dma_semaphore, #tpu.memory_space<semaphore_mem>>
      %dma_start3A_313 = arith.constant 0 : i32
      %dma_start3A_314 = tpu.memref_slice %arg10[%add3A_38, %dma_start3A_313] : memref<10000x64xf32, #tpu.memory_space<vmem_shared>> -> memref<125x64xf32, #tpu.memory_space<vmem_shared>>
      %dma_start3A_315 = arith.constant 0 : i32
      %dma_start3A_316 = tpu.memref_slice %arg10[%add3A_38, %dma_start3A_315] : memref<10000x64xf32, #tpu.memory_space<vmem_shared>> -> memref<125x64xf32, #tpu.memory_space<vmem_shared>>
      tpu.enqueue_dma source(%arg9 : memref<125x64xf32, #tpu.memory_space<vmem>>) target(%dma_start3A_316 : memref<125x64xf32, #tpu.memory_space<vmem_shared>>) target_semaphore(%run_scoped3A : memref<!tpu.dma_semaphore, #tpu.memory_space<semaphore_mem>>)
      %dma_wait3A_317 = arith.constant 0 : i32
      %dma_wait3A_318 = tpu.memref_slice %arg10[%add3A_38, %dma_wait3A_317] : memref<10000x64xf32, #tpu.memory_space<vmem_shared>> -> memref<125x64xf32, #tpu.memory_space<vmem_shared>>
      %dma_wait3A_319 = arith.constant 0 : i32
      %dma_wait3A_320 = tpu.memref_slice %arg10[%add3A_38, %dma_wait3A_319] : memref<10000x64xf32, #tpu.memory_space<vmem_shared>> -> memref<125x64xf32, #tpu.memory_space<vmem_shared>>
      tpu.wait_dma2 semaphore(%run_scoped3A : memref<!tpu.dma_semaphore, #tpu.memory_space<semaphore_mem>>) src(%arg9 : memref<125x64xf32, #tpu.memory_space<vmem>>) dst(%dma_wait3A_320 : memref<125x64xf32, #tpu.memory_space<vmem_shared>>)
      tpu.yield
    }) : () -> ()
    %dma_wait3A = arith.constant 0 : i32
    %dma_wait3A_39 = arith.constant 0 : i32
    %dma_wait3A_40 = tpu.memref_slice %arg3[%arg1, %dma_wait3A, %dma_wait3A_39] : memref<16x250x80xi32, #tpu.memory_space<hbm>> -> memref<1x250x80xi32, #tpu.memory_space<hbm>>
    %dma_wait3A_41 = tpu.memref_squeeze %dma_wait3A_40 : memref<1x250x80xi32, #tpu.memory_space<hbm>> -> memref<250x80xi32, #tpu.memory_space<hbm>>
    %dma_wait3A_42 = arith.constant 0 : i32
    %dma_wait3A_43 = arith.constant 0 : i32
    %dma_wait3A_44 = tpu.memref_slice %arg3[%arg1, %dma_wait3A_42, %dma_wait3A_43] : memref<16x250x80xi32, #tpu.memory_space<hbm>> -> memref<1x250x80xi32, #tpu.memory_space<hbm>>
    %dma_wait3A_45 = tpu.memref_squeeze %dma_wait3A_44 : memref<1x250x80xi32, #tpu.memory_space<hbm>> -> memref<250x80xi32, #tpu.memory_space<hbm>>
    tpu.wait_dma2 semaphore(%arg11 : memref<!tpu.dma_semaphore, #tpu.memory_space<semaphore_mem>>) src(%dma_wait3A_45 : memref<250x80xi32, #tpu.memory_space<hbm>>) dst(%arg6 : memref<250x80xi32, #tpu.memory_space<vmem>>)
    %dma_wait3A_46 = arith.constant 0 : i32
    %dma_wait3A_47 = arith.constant 0 : i32
    %dma_wait3A_48 = tpu.memref_slice %arg4[%arg1, %dma_wait3A_46, %dma_wait3A_47] : memref<16x250x80xi32, #tpu.memory_space<hbm>> -> memref<1x250x80xi32, #tpu.memory_space<hbm>>
    %dma_wait3A_49 = tpu.memref_squeeze %dma_wait3A_48 : memref<1x250x80xi32, #tpu.memory_space<hbm>> -> memref<250x80xi32, #tpu.memory_space<hbm>>
    %dma_wait3A_50 = arith.constant 0 : i32
    %dma_wait3A_51 = arith.constant 0 : i32
    %dma_wait3A_52 = tpu.memref_slice %arg4[%arg1, %dma_wait3A_50, %dma_wait3A_51] : memref<16x250x80xi32, #tpu.memory_space<hbm>> -> memref<1x250x80xi32, #tpu.memory_space<hbm>>
    %dma_wait3A_53 = tpu.memref_squeeze %dma_wait3A_52 : memref<1x250x80xi32, #tpu.memory_space<hbm>> -> memref<250x80xi32, #tpu.memory_space<hbm>>
    tpu.wait_dma2 semaphore(%arg11 : memref<!tpu.dma_semaphore, #tpu.memory_space<semaphore_mem>>) src(%dma_wait3A_53 : memref<250x80xi32, #tpu.memory_space<hbm>>) dst(%arg7 : memref<250x80xi32, #tpu.memory_space<vmem>>)
    %mul3A_54 = arith.constant 10000 : i32
    %mul3A_55 = arith.muli %arg0, %mul3A_54 : i32
    %scan3A_56 = arith.constant 0 : i32
    %scan3A_57 = arith.constant 0 : i32
    %scan3A_58 = arith.constant 250 : i32
    %scan3A_59 = arith.addi %scan3A_57, %scan3A_58 : i32
    %scan3A_60 = arith.constant 1 : i32
    scf.for %scan3A_313 = %scan3A_57 to %scan3A_59 step %scan3A_60  : i32 {
      %get3A = arith.index_cast %scan3A_313 : i32 to index
      %get3A_314 = arith.constant 0 : index
      %get3A_315 = tpu.vector_load %arg6[%get3A, %get3A_314] {strides = array<i32>} : memref<250x80xi32, #tpu.memory_space<vmem>>, vector<1x16xi32>,
      %get3A_316 = vector.shape_cast %get3A_315 : vector<1x16xi32> to vector<16xi32>
      %add3A_317 = vector.broadcast %mul3A_55 : i32 to vector<16xi32>
      %add3A_318 = arith.addi %get3A_316, %add3A_317 : vector<16xi32>
      %swap3A = arith.index_cast %scan3A_313 : i32 to index
      %swap3A_319 = arith.constant 0 : index
      %swap3A_320 = tpu.vector_load %arg6[%swap3A, %swap3A_319] {strides = array<i32>} : memref<250x80xi32, #tpu.memory_space<vmem>>, vector<1x16xi32>,
      %swap3A_321 = vector.shape_cast %swap3A_320 : vector<1x16xi32> to vector<16xi32>
      %swap3A_322 = vector.shape_cast %add3A_318 : vector<16xi32> to vector<1x16xi32>
      tpu.vector_store %arg6[%swap3A, %swap3A_319], %swap3A_322 {strides = array<i32>} : memref<250x80xi32, #tpu.memory_space<vmem>>, vector<1x16xi32>,
      %get3A_323 = arith.index_cast %scan3A_313 : i32 to index
      %get3A_324 = arith.constant 16 : index
      %get3A_325 = tpu.vector_load %arg6[%get3A_323, %get3A_324] {strides = array<i32>} : memref<250x80xi32, #tpu.memory_space<vmem>>, vector<1x16xi32>,
      %get3A_326 = vector.shape_cast %get3A_325 : vector<1x16xi32> to vector<16xi32>
      %add3A_327 = vector.broadcast %mul3A_55 : i32 to vector<16xi32>
      %add3A_328 = arith.addi %get3A_326, %add3A_327 : vector<16xi32>
      %swap3A_329 = arith.index_cast %scan3A_313 : i32 to index
      %swap3A_330 = arith.constant 16 : index
      %swap3A_331 = tpu.vector_load %arg6[%swap3A_329, %swap3A_330] {strides = array<i32>} : memref<250x80xi32, #tpu.memory_space<vmem>>, vector<1x16xi32>,
      %swap3A_332 = vector.shape_cast %swap3A_331 : vector<1x16xi32> to vector<16xi32>
      %swap3A_333 = vector.shape_cast %add3A_328 : vector<16xi32> to vector<1x16xi32>
      tpu.vector_store %arg6[%swap3A_329, %swap3A_330], %swap3A_333 {strides = array<i32>} : memref<250x80xi32, #tpu.memory_space<vmem>>, vector<1x16xi32>,
      %get3A_334 = arith.index_cast %scan3A_313 : i32 to index
      %get3A_335 = arith.constant 32 : index
      %get3A_336 = tpu.vector_load %arg6[%get3A_334, %get3A_335] {strides = array<i32>} : memref<250x80xi32, #tpu.memory_space<vmem>>, vector<1x16xi32>,
      %get3A_337 = vector.shape_cast %get3A_336 : vector<1x16xi32> to vector<16xi32>
      %add3A_338 = vector.broadcast %mul3A_55 : i32 to vector<16xi32>
      %add3A_339 = arith.addi %get3A_337, %add3A_338 : vector<16xi32>
      %swap3A_340 = arith.index_cast %scan3A_313 : i32 to index
      %swap3A_341 = arith.constant 32 : index
      %swap3A_342 = tpu.vector_load %arg6[%swap3A_340, %swap3A_341] {strides = array<i32>} : memref<250x80xi32, #tpu.memory_space<vmem>>, vector<1x16xi32>,
      %swap3A_343 = vector.shape_cast %swap3A_342 : vector<1x16xi32> to vector<16xi32>
      %swap3A_344 = vector.shape_cast %add3A_339 : vector<16xi32> to vector<1x16xi32>
      tpu.vector_store %arg6[%swap3A_340, %swap3A_341], %swap3A_344 {strides = array<i32>} : memref<250x80xi32, #tpu.memory_space<vmem>>, vector<1x16xi32>,
      %get3A_345 = arith.index_cast %scan3A_313 : i32 to index
      %get3A_346 = arith.constant 48 : index
      %get3A_347 = tpu.vector_load %arg6[%get3A_345, %get3A_346] {strides = array<i32>} : memref<250x80xi32, #tpu.memory_space<vmem>>, vector<1x16xi32>,
      %get3A_348 = vector.shape_cast %get3A_347 : vector<1x16xi32> to vector<16xi32>
      %add3A_349 = vector.broadcast %mul3A_55 : i32 to vector<16xi32>
      %add3A_350 = arith.addi %get3A_348, %add3A_349 : vector<16xi32>
      %swap3A_351 = arith.index_cast %scan3A_313 : i32 to index
      %swap3A_352 = arith.constant 48 : index
      %swap3A_353 = tpu.vector_load %arg6[%swap3A_351, %swap3A_352] {strides = array<i32>} : memref<250x80xi32, #tpu.memory_space<vmem>>, vector<1x16xi32>,
      %swap3A_354 = vector.shape_cast %swap3A_353 : vector<1x16xi32> to vector<16xi32>
      %swap3A_355 = vector.shape_cast %add3A_350 : vector<16xi32> to vector<1x16xi32>
      tpu.vector_store %arg6[%swap3A_351, %swap3A_352], %swap3A_355 {strides = array<i32>} : memref<250x80xi32, #tpu.memory_space<vmem>>, vector<1x16xi32>,
      %get3A_356 = arith.index_cast %scan3A_313 : i32 to index
      %get3A_357 = arith.constant 64 : index
      %get3A_358 = tpu.vector_load %arg6[%get3A_356, %get3A_357] {strides = array<i32>} : memref<250x80xi32, #tpu.memory_space<vmem>>, vector<1x16xi32>,
      %get3A_359 = vector.shape_cast %get3A_358 : vector<1x16xi32> to vector<16xi32>
      %add3A_360 = vector.broadcast %mul3A_55 : i32 to vector<16xi32>
      %add3A_361 = arith.addi %get3A_359, %add3A_360 : vector<16xi32>
      %swap3A_362 = arith.index_cast %scan3A_313 : i32 to index
      %swap3A_363 = arith.constant 64 : index
      %swap3A_364 = tpu.vector_load %arg6[%swap3A_362, %swap3A_363] {strides = array<i32>} : memref<250x80xi32, #tpu.memory_space<vmem>>, vector<1x16xi32>,
      %swap3A_365 = vector.shape_cast %swap3A_364 : vector<1x16xi32> to vector<16xi32>
      %swap3A_366 = vector.shape_cast %add3A_361 : vector<16xi32> to vector<1x16xi32>
      tpu.vector_store %arg6[%swap3A_362, %swap3A_363], %swap3A_366 {strides = array<i32>} : memref<250x80xi32, #tpu.memory_space<vmem>>, vector<1x16xi32>,
    }
    %scan3A_61 = arith.constant 250 : i32
    %barrier3A = arith.constant 0 : index
    tpu.barrier barrier_id(%barrier3A)
    %dma_start3A_62 = arith.constant 0 : i32
    %dma_start3A_63 = arith.constant 0 : i32
    %dma_start3A_64 = arith.constant 0 : i32
    %dma_start3A_65 = arith.constant 0 : i32
    %dma_start3A_66 = tpu.memref_slice %arg8[%dma_start3A_63, %dma_start3A_64, %dma_start3A_65] : memref<5x80x64xf32, #tpu.memory_space<vmem>> -> memref<1x80x64xf32, #tpu.memory_space<vmem>>
    %dma_start3A_67 = tpu.memref_squeeze %dma_start3A_66 : memref<1x80x64xf32, #tpu.memory_space<vmem>> -> memref<80x64xf32, #tpu.memory_space<vmem>>
    %dma_start3A_68 = arith.constant 0 : i32
    %dma_start3A_69 = tpu.memref_slice %arg6[%dma_start3A_62, %dma_start3A_68] : memref<250x80xi32, #tpu.memory_space<vmem>> -> memref<1x80xi32, #tpu.memory_space<vmem>>
    %dma_start3A_70 = tpu.memref_squeeze %dma_start3A_69 : memref<1x80xi32, #tpu.memory_space<vmem>> -> memref<80xi32, #tpu.memory_space<vmem>>
    %dma_start3A_71 = arith.constant 0 : i32
    %dma_start3A_72 = arith.constant 0 : i32
    %dma_start3A_73 = tpu.memref_slice %arg2[%dma_start3A_71, %dma_start3A_72] : memref<20000x64xf32, #tpu.memory_space<hbm>> -> memref<20000x64xf32, #tpu.memory_space<hbm>>
    tpu.enqueue_indirect_dma source(%dma_start3A_73 : memref<20000x64xf32, #tpu.memory_space<hbm>>) target(%dma_start3A_67 : memref<80x64xf32, #tpu.memory_space<vmem>>) offsets(%dma_start3A_70 : memref<80xi32, #tpu.memory_space<vmem>>) semaphore(%arg12 : memref<!tpu.dma_semaphore, #tpu.memory_space<semaphore_mem>>)
    %dma_start3A_74 = arith.constant 1 : i32
    %dma_start3A_75 = arith.constant 1 : i32
    %dma_start3A_76 = arith.constant 0 : i32
    %dma_start3A_77 = arith.constant 0 : i32
    %dma_start3A_78 = tpu.memref_slice %arg8[%dma_start3A_75, %dma_start3A_76, %dma_start3A_77] : memref<5x80x64xf32, #tpu.memory_space<vmem>> -> memref<1x80x64xf32, #tpu.memory_space<vmem>>
    %dma_start3A_79 = tpu.memref_squeeze %dma_start3A_78 : memref<1x80x64xf32, #tpu.memory_space<vmem>> -> memref<80x64xf32, #tpu.memory_space<vmem>>
    %dma_start3A_80 = arith.constant 0 : i32
    %dma_start3A_81 = tpu.memref_slice %arg6[%dma_start3A_74, %dma_start3A_80] : memref<250x80xi32, #tpu.memory_space<vmem>> -> memref<1x80xi32, #tpu.memory_space<vmem>>
    %dma_start3A_82 = tpu.memref_squeeze %dma_start3A_81 : memref<1x80xi32, #tpu.memory_space<vmem>> -> memref<80xi32, #tpu.memory_space<vmem>>
    %dma_start3A_83 = arith.constant 0 : i32
    %dma_start3A_84 = arith.constant 0 : i32
    %dma_start3A_85 = tpu.memref_slice %arg2[%dma_start3A_83, %dma_start3A_84] : memref<20000x64xf32, #tpu.memory_space<hbm>> -> memref<20000x64xf32, #tpu.memory_space<hbm>>
    tpu.enqueue_indirect_dma source(%dma_start3A_85 : memref<20000x64xf32, #tpu.memory_space<hbm>>) target(%dma_start3A_79 : memref<80x64xf32, #tpu.memory_space<vmem>>) offsets(%dma_start3A_82 : memref<80xi32, #tpu.memory_space<vmem>>) semaphore(%arg13 : memref<!tpu.dma_semaphore, #tpu.memory_space<semaphore_mem>>)
    %dma_start3A_86 = arith.constant 2 : i32
    %dma_start3A_87 = arith.constant 2 : i32
    %dma_start3A_88 = arith.constant 0 : i32
    %dma_start3A_89 = arith.constant 0 : i32
    %dma_start3A_90 = tpu.memref_slice %arg8[%dma_start3A_87, %dma_start3A_88, %dma_start3A_89] : memref<5x80x64xf32, #tpu.memory_space<vmem>> -> memref<1x80x64xf32, #tpu.memory_space<vmem>>
    %dma_start3A_91 = tpu.memref_squeeze %dma_start3A_90 : memref<1x80x64xf32, #tpu.memory_space<vmem>> -> memref<80x64xf32, #tpu.memory_space<vmem>>
    %dma_start3A_92 = arith.constant 0 : i32
    %dma_start3A_93 = tpu.memref_slice %arg6[%dma_start3A_86, %dma_start3A_92] : memref<250x80xi32, #tpu.memory_space<vmem>> -> memref<1x80xi32, #tpu.memory_space<vmem>>
    %dma_start3A_94 = tpu.memref_squeeze %dma_start3A_93 : memref<1x80xi32, #tpu.memory_space<vmem>> -> memref<80xi32, #tpu.memory_space<vmem>>
    %dma_start3A_95 = arith.constant 0 : i32
    %dma_start3A_96 = arith.constant 0 : i32
    %dma_start3A_97 = tpu.memref_slice %arg2[%dma_start3A_95, %dma_start3A_96] : memref<20000x64xf32, #tpu.memory_space<hbm>> -> memref<20000x64xf32, #tpu.memory_space<hbm>>
    tpu.enqueue_indirect_dma source(%dma_start3A_97 : memref<20000x64xf32, #tpu.memory_space<hbm>>) target(%dma_start3A_91 : memref<80x64xf32, #tpu.memory_space<vmem>>) offsets(%dma_start3A_94 : memref<80xi32, #tpu.memory_space<vmem>>) semaphore(%arg14 : memref<!tpu.dma_semaphore, #tpu.memory_space<semaphore_mem>>)
    %dma_start3A_98 = arith.constant 3 : i32
    %dma_start3A_99 = arith.constant 3 : i32
    %dma_start3A_100 = arith.constant 0 : i32
    %dma_start3A_101 = arith.constant 0 : i32
    %dma_start3A_102 = tpu.memref_slice %arg8[%dma_start3A_99, %dma_start3A_100, %dma_start3A_101] : memref<5x80x64xf32, #tpu.memory_space<vmem>> -> memref<1x80x64xf32, #tpu.memory_space<vmem>>
    %dma_start3A_103 = tpu.memref_squeeze %dma_start3A_102 : memref<1x80x64xf32, #tpu.memory_space<vmem>> -> memref<80x64xf32, #tpu.memory_space<vmem>>
    %dma_start3A_104 = arith.constant 0 : i32
    %dma_start3A_105 = tpu.memref_slice %arg6[%dma_start3A_98, %dma_start3A_104] : memref<250x80xi32, #tpu.memory_space<vmem>> -> memref<1x80xi32, #tpu.memory_space<vmem>>
    %dma_start3A_106 = tpu.memref_squeeze %dma_start3A_105 : memref<1x80xi32, #tpu.memory_space<vmem>> -> memref<80xi32, #tpu.memory_space<vmem>>
    %dma_start3A_107 = arith.constant 0 : i32
    %dma_start3A_108 = arith.constant 0 : i32
    %dma_start3A_109 = tpu.memref_slice %arg2[%dma_start3A_107, %dma_start3A_108] : memref<20000x64xf32, #tpu.memory_space<hbm>> -> memref<20000x64xf32, #tpu.memory_space<hbm>>
    tpu.enqueue_indirect_dma source(%dma_start3A_109 : memref<20000x64xf32, #tpu.memory_space<hbm>>) target(%dma_start3A_103 : memref<80x64xf32, #tpu.memory_space<vmem>>) offsets(%dma_start3A_106 : memref<80xi32, #tpu.memory_space<vmem>>) semaphore(%arg15 : memref<!tpu.dma_semaphore, #tpu.memory_space<semaphore_mem>>)
    %dma_start3A_110 = arith.constant 4 : i32
    %dma_start3A_111 = arith.constant 4 : i32
    %dma_start3A_112 = arith.constant 0 : i32
    %dma_start3A_113 = arith.constant 0 : i32
    %dma_start3A_114 = tpu.memref_slice %arg8[%dma_start3A_111, %dma_start3A_112, %dma_start3A_113] : memref<5x80x64xf32, #tpu.memory_space<vmem>> -> memref<1x80x64xf32, #tpu.memory_space<vmem>>
    %dma_start3A_115 = tpu.memref_squeeze %dma_start3A_114 : memref<1x80x64xf32, #tpu.memory_space<vmem>> -> memref<80x64xf32, #tpu.memory_space<vmem>>
    %dma_start3A_116 = arith.constant 0 : i32
    %dma_start3A_117 = tpu.memref_slice %arg6[%dma_start3A_110, %dma_start3A_116] : memref<250x80xi32, #tpu.memory_space<vmem>> -> memref<1x80xi32, #tpu.memory_space<vmem>>
    %dma_start3A_118 = tpu.memref_squeeze %dma_start3A_117 : memref<1x80xi32, #tpu.memory_space<vmem>> -> memref<80xi32, #tpu.memory_space<vmem>>
    %dma_start3A_119 = arith.constant 0 : i32
    %dma_start3A_120 = arith.constant 0 : i32
    %dma_start3A_121 = tpu.memref_slice %arg2[%dma_start3A_119, %dma_start3A_120] : memref<20000x64xf32, #tpu.memory_space<hbm>> -> memref<20000x64xf32, #tpu.memory_space<hbm>>
    tpu.enqueue_indirect_dma source(%dma_start3A_121 : memref<20000x64xf32, #tpu.memory_space<hbm>>) target(%dma_start3A_115 : memref<80x64xf32, #tpu.memory_space<vmem>>) offsets(%dma_start3A_118 : memref<80xi32, #tpu.memory_space<vmem>>) semaphore(%arg16 : memref<!tpu.dma_semaphore, #tpu.memory_space<semaphore_mem>>)
    %scan3A_122 = arith.constant 0 : i32
    %scan3A_123 = arith.constant 0 : i32
    %scan3A_124 = arith.constant 49 : i32
    %scan3A_125 = arith.addi %scan3A_123, %scan3A_124 : i32
    %scan3A_126 = arith.constant 1 : i32
    scf.for %scan3A_313 = %scan3A_123 to %scan3A_125 step %scan3A_126  : i32 {
      %mul3A_314 = arith.constant 5 : i32
      %mul3A_315 = arith.muli %scan3A_313, %mul3A_314 : i32
      %dma_wait3A_316 = arith.constant 0 : i32
      %dma_wait3A_317 = arith.constant 0 : i32
      %dma_wait3A_318 = arith.constant 0 : i32
      %dma_wait3A_319 = arith.constant 0 : i32
      %dma_wait3A_320 = tpu.memref_slice %arg8[%dma_wait3A_317, %dma_wait3A_318, %dma_wait3A_319] : memref<5x80x64xf32, #tpu.memory_space<vmem>> -> memref<1x80x64xf32, #tpu.memory_space<vmem>>
      %dma_wait3A_321 = tpu.memref_squeeze %dma_wait3A_320 : memref<1x80x64xf32, #tpu.memory_space<vmem>> -> memref<80x64xf32, #tpu.memory_space<vmem>>
      %dma_wait3A_322 = arith.constant 0 : i32
      %dma_wait3A_323 = tpu.memref_slice %arg6[%dma_wait3A_316, %dma_wait3A_322] : memref<250x80xi32, #tpu.memory_space<vmem>> -> memref<1x80xi32, #tpu.memory_space<vmem>>
      %dma_wait3A_324 = tpu.memref_squeeze %dma_wait3A_323 : memref<1x80xi32, #tpu.memory_space<vmem>> -> memref<80xi32, #tpu.memory_space<vmem>>
      %dma_wait3A_325 = arith.constant 0 : i32
      %dma_wait3A_326 = arith.constant 0 : i32
      %dma_wait3A_327 = tpu.memref_slice %arg2[%dma_wait3A_325, %dma_wait3A_326] : memref<20000x64xf32, #tpu.memory_space<hbm>> -> memref<20000x64xf32, #tpu.memory_space<hbm>>
      tpu.wait_indirect_dma semaphore(%arg12 : memref<!tpu.dma_semaphore, #tpu.memory_space<semaphore_mem>>) src(%dma_wait3A_327 : memref<20000x64xf32, #tpu.memory_space<hbm>>) dst(%dma_wait3A_321 : memref<80x64xf32, #tpu.memory_space<vmem>>)
      %add3A_328 = arith.constant 0 : i32
      %add3A_329 = arith.addi %mul3A_315, %add3A_328 : i32
      %dma_start3A_330 = arith.constant 0 : i32
      %dma_start3A_331 = arith.constant 0 : i32
      %dma_start3A_332 = arith.constant 0 : i32
      %dma_start3A_333 = tpu.memref_slice %arg8[%dma_start3A_330, %dma_start3A_331, %dma_start3A_332] : memref<5x80x64xf32, #tpu.memory_space<vmem>> -> memref<1x80x64xf32, #tpu.memory_space<vmem>>
      %dma_start3A_334 = tpu.memref_squeeze %dma_start3A_333 : memref<1x80x64xf32, #tpu.memory_space<vmem>> -> memref<80x64xf32, #tpu.memory_space<vmem>>
      %dma_start3A_335 = arith.constant 0 : i32
      %dma_start3A_336 = tpu.memref_slice %arg7[%add3A_329, %dma_start3A_335] : memref<250x80xi32, #tpu.memory_space<vmem>> -> memref<1x80xi32, #tpu.memory_space<vmem>>
      %dma_start3A_337 = tpu.memref_squeeze %dma_start3A_336 : memref<1x80xi32, #tpu.memory_space<vmem>> -> memref<80xi32, #tpu.memory_space<vmem>>
      %dma_start3A_338 = arith.constant 0 : i32
      %dma_start3A_339 = arith.constant 0 : i32
      %dma_start3A_340 = tpu.memref_slice %arg10[%dma_start3A_338, %dma_start3A_339] : memref<10000x64xf32, #tpu.memory_space<vmem_shared>> -> memref<10000x64xf32, #tpu.memory_space<vmem_shared>>
      tpu.enqueue_indirect_dma source(%dma_start3A_334 : memref<80x64xf32, #tpu.memory_space<vmem>>) target(%dma_start3A_340 : memref<10000x64xf32, #tpu.memory_space<vmem_shared>>) offsets(%dma_start3A_337 : memref<80xi32, #tpu.memory_space<vmem>>) semaphore(%arg17 : memref<!tpu.dma_semaphore, #tpu.memory_space<semaphore_mem>>) {add = true}
      %dma_wait3A_341 = arith.constant 0 : i32
      %dma_wait3A_342 = arith.constant 1 : i32
      %dma_wait3A_343 = arith.constant 0 : i32
      %dma_wait3A_344 = arith.constant 0 : i32
      %dma_wait3A_345 = tpu.memref_slice %arg8[%dma_wait3A_342, %dma_wait3A_343, %dma_wait3A_344] : memref<5x80x64xf32, #tpu.memory_space<vmem>> -> memref<1x80x64xf32, #tpu.memory_space<vmem>>
      %dma_wait3A_346 = tpu.memref_squeeze %dma_wait3A_345 : memref<1x80x64xf32, #tpu.memory_space<vmem>> -> memref<80x64xf32, #tpu.memory_space<vmem>>
      %dma_wait3A_347 = arith.constant 0 : i32
      %dma_wait3A_348 = tpu.memref_slice %arg6[%dma_wait3A_341, %dma_wait3A_347] : memref<250x80xi32, #tpu.memory_space<vmem>> -> memref<1x80xi32, #tpu.memory_space<vmem>>
      %dma_wait3A_349 = tpu.memref_squeeze %dma_wait3A_348 : memref<1x80xi32, #tpu.memory_space<vmem>> -> memref<80xi32, #tpu.memory_space<vmem>>
      %dma_wait3A_350 = arith.constant 0 : i32
      %dma_wait3A_351 = arith.constant 0 : i32
      %dma_wait3A_352 = tpu.memref_slice %arg2[%dma_wait3A_350, %dma_wait3A_351] : memref<20000x64xf32, #tpu.memory_space<hbm>> -> memref<20000x64xf32, #tpu.memory_space<hbm>>
      tpu.wait_indirect_dma semaphore(%arg13 : memref<!tpu.dma_semaphore, #tpu.memory_space<semaphore_mem>>) src(%dma_wait3A_352 : memref<20000x64xf32, #tpu.memory_space<hbm>>) dst(%dma_wait3A_346 : memref<80x64xf32, #tpu.memory_space<vmem>>)
      %add3A_353 = arith.constant 1 : i32
      %add3A_354 = arith.addi %mul3A_315, %add3A_353 : i32
      %dma_start3A_355 = arith.constant 1 : i32
      %dma_start3A_356 = arith.constant 0 : i32
      %dma_start3A_357 = arith.constant 0 : i32
      %dma_start3A_358 = tpu.memref_slice %arg8[%dma_start3A_355, %dma_start3A_356, %dma_start3A_357] : memref<5x80x64xf32, #tpu.memory_space<vmem>> -> memref<1x80x64xf32, #tpu.memory_space<vmem>>
      %dma_start3A_359 = tpu.memref_squeeze %dma_start3A_358 : memref<1x80x64xf32, #tpu.memory_space<vmem>> -> memref<80x64xf32, #tpu.memory_space<vmem>>
      %dma_start3A_360 = arith.constant 0 : i32
      %dma_start3A_361 = tpu.memref_slice %arg7[%add3A_354, %dma_start3A_360] : memref<250x80xi32, #tpu.memory_space<vmem>> -> memref<1x80xi32, #tpu.memory_space<vmem>>
      %dma_start3A_362 = tpu.memref_squeeze %dma_start3A_361 : memref<1x80xi32, #tpu.memory_space<vmem>> -> memref<80xi32, #tpu.memory_space<vmem>>
      %dma_start3A_363 = arith.constant 0 : i32
      %dma_start3A_364 = arith.constant 0 : i32
      %dma_start3A_365 = tpu.memref_slice %arg10[%dma_start3A_363, %dma_start3A_364] : memref<10000x64xf32, #tpu.memory_space<vmem_shared>> -> memref<10000x64xf32, #tpu.memory_space<vmem_shared>>
      tpu.enqueue_indirect_dma source(%dma_start3A_359 : memref<80x64xf32, #tpu.memory_space<vmem>>) target(%dma_start3A_365 : memref<10000x64xf32, #tpu.memory_space<vmem_shared>>) offsets(%dma_start3A_362 : memref<80xi32, #tpu.memory_space<vmem>>) semaphore(%arg18 : memref<!tpu.dma_semaphore, #tpu.memory_space<semaphore_mem>>) {add = true}
      %dma_wait3A_366 = arith.constant 0 : i32
      %dma_wait3A_367 = arith.constant 2 : i32
      %dma_wait3A_368 = arith.constant 0 : i32
      %dma_wait3A_369 = arith.constant 0 : i32
      %dma_wait3A_370 = tpu.memref_slice %arg8[%dma_wait3A_367, %dma_wait3A_368, %dma_wait3A_369] : memref<5x80x64xf32, #tpu.memory_space<vmem>> -> memref<1x80x64xf32, #tpu.memory_space<vmem>>
      %dma_wait3A_371 = tpu.memref_squeeze %dma_wait3A_370 : memref<1x80x64xf32, #tpu.memory_space<vmem>> -> memref<80x64xf32, #tpu.memory_space<vmem>>
      %dma_wait3A_372 = arith.constant 0 : i32
      %dma_wait3A_373 = tpu.memref_slice %arg6[%dma_wait3A_366, %dma_wait3A_372] : memref<250x80xi32, #tpu.memory_space<vmem>> -> memref<1x80xi32, #tpu.memory_space<vmem>>
      %dma_wait3A_374 = tpu.memref_squeeze %dma_wait3A_373 : memref<1x80xi32, #tpu.memory_space<vmem>> -> memref<80xi32, #tpu.memory_space<vmem>>
      %dma_wait3A_375 = arith.constant 0 : i32
      %dma_wait3A_376 = arith.constant 0 : i32
      %dma_wait3A_377 = tpu.memref_slice %arg2[%dma_wait3A_375, %dma_wait3A_376] : memref<20000x64xf32, #tpu.memory_space<hbm>> -> memref<20000x64xf32, #tpu.memory_space<hbm>>
      tpu.wait_indirect_dma semaphore(%arg14 : memref<!tpu.dma_semaphore, #tpu.memory_space<semaphore_mem>>) src(%dma_wait3A_377 : memref<20000x64xf32, #tpu.memory_space<hbm>>) dst(%dma_wait3A_371 : memref<80x64xf32, #tpu.memory_space<vmem>>)
      %add3A_378 = arith.constant 2 : i32
      %add3A_379 = arith.addi %mul3A_315, %add3A_378 : i32
      %dma_start3A_380 = arith.constant 2 : i32
      %dma_start3A_381 = arith.constant 0 : i32
      %dma_start3A_382 = arith.constant 0 : i32
      %dma_start3A_383 = tpu.memref_slice %arg8[%dma_start3A_380, %dma_start3A_381, %dma_start3A_382] : memref<5x80x64xf32, #tpu.memory_space<vmem>> -> memref<1x80x64xf32, #tpu.memory_space<vmem>>
      %dma_start3A_384 = tpu.memref_squeeze %dma_start3A_383 : memref<1x80x64xf32, #tpu.memory_space<vmem>> -> memref<80x64xf32, #tpu.memory_space<vmem>>
      %dma_start3A_385 = arith.constant 0 : i32
      %dma_start3A_386 = tpu.memref_slice %arg7[%add3A_379, %dma_start3A_385] : memref<250x80xi32, #tpu.memory_space<vmem>> -> memref<1x80xi32, #tpu.memory_space<vmem>>
      %dma_start3A_387 = tpu.memref_squeeze %dma_start3A_386 : memref<1x80xi32, #tpu.memory_space<vmem>> -> memref<80xi32, #tpu.memory_space<vmem>>
      %dma_start3A_388 = arith.constant 0 : i32
      %dma_start3A_389 = arith.constant 0 : i32
      %dma_start3A_390 = tpu.memref_slice %arg10[%dma_start3A_388, %dma_start3A_389] : memref<10000x64xf32, #tpu.memory_space<vmem_shared>> -> memref<10000x64xf32, #tpu.memory_space<vmem_shared>>
      tpu.enqueue_indirect_dma source(%dma_start3A_384 : memref<80x64xf32, #tpu.memory_space<vmem>>) target(%dma_start3A_390 : memref<10000x64xf32, #tpu.memory_space<vmem_shared>>) offsets(%dma_start3A_387 : memref<80xi32, #tpu.memory_space<vmem>>) semaphore(%arg19 : memref<!tpu.dma_semaphore, #tpu.memory_space<semaphore_mem>>) {add = true}
      %dma_wait3A_391 = arith.constant 0 : i32
      %dma_wait3A_392 = arith.constant 3 : i32
      %dma_wait3A_393 = arith.constant 0 : i32
      %dma_wait3A_394 = arith.constant 0 : i32
      %dma_wait3A_395 = tpu.memref_slice %arg8[%dma_wait3A_392, %dma_wait3A_393, %dma_wait3A_394] : memref<5x80x64xf32, #tpu.memory_space<vmem>> -> memref<1x80x64xf32, #tpu.memory_space<vmem>>
      %dma_wait3A_396 = tpu.memref_squeeze %dma_wait3A_395 : memref<1x80x64xf32, #tpu.memory_space<vmem>> -> memref<80x64xf32, #tpu.memory_space<vmem>>
      %dma_wait3A_397 = arith.constant 0 : i32
      %dma_wait3A_398 = tpu.memref_slice %arg6[%dma_wait3A_391, %dma_wait3A_397] : memref<250x80xi32, #tpu.memory_space<vmem>> -> memref<1x80xi32, #tpu.memory_space<vmem>>
      %dma_wait3A_399 = tpu.memref_squeeze %dma_wait3A_398 : memref<1x80xi32, #tpu.memory_space<vmem>> -> memref<80xi32, #tpu.memory_space<vmem>>
      %dma_wait3A_400 = arith.constant 0 : i32
      %dma_wait3A_401 = arith.constant 0 : i32
      %dma_wait3A_402 = tpu.memref_slice %arg2[%dma_wait3A_400, %dma_wait3A_401] : memref<20000x64xf32, #tpu.memory_space<hbm>> -> memref<20000x64xf32, #tpu.memory_space<hbm>>
      tpu.wait_indirect_dma semaphore(%arg15 : memref<!tpu.dma_semaphore, #tpu.memory_space<semaphore_mem>>) src(%dma_wait3A_402 : memref<20000x64xf32, #tpu.memory_space<hbm>>) dst(%dma_wait3A_396 : memref<80x64xf32, #tpu.memory_space<vmem>>)
      %add3A_403 = arith.constant 3 : i32
      %add3A_404 = arith.addi %mul3A_315, %add3A_403 : i32
      %dma_start3A_405 = arith.constant 3 : i32
      %dma_start3A_406 = arith.constant 0 : i32
      %dma_start3A_407 = arith.constant 0 : i32
      %dma_start3A_408 = tpu.memref_slice %arg8[%dma_start3A_405, %dma_start3A_406, %dma_start3A_407] : memref<5x80x64xf32, #tpu.memory_space<vmem>> -> memref<1x80x64xf32, #tpu.memory_space<vmem>>
      %dma_start3A_409 = tpu.memref_squeeze %dma_start3A_408 : memref<1x80x64xf32, #tpu.memory_space<vmem>> -> memref<80x64xf32, #tpu.memory_space<vmem>>
      %dma_start3A_410 = arith.constant 0 : i32
      %dma_start3A_411 = tpu.memref_slice %arg7[%add3A_404, %dma_start3A_410] : memref<250x80xi32, #tpu.memory_space<vmem>> -> memref<1x80xi32, #tpu.memory_space<vmem>>
      %dma_start3A_412 = tpu.memref_squeeze %dma_start3A_411 : memref<1x80xi32, #tpu.memory_space<vmem>> -> memref<80xi32, #tpu.memory_space<vmem>>
      %dma_start3A_413 = arith.constant 0 : i32
      %dma_start3A_414 = arith.constant 0 : i32
      %dma_start3A_415 = tpu.memref_slice %arg10[%dma_start3A_413, %dma_start3A_414] : memref<10000x64xf32, #tpu.memory_space<vmem_shared>> -> memref<10000x64xf32, #tpu.memory_space<vmem_shared>>
      tpu.enqueue_indirect_dma source(%dma_start3A_409 : memref<80x64xf32, #tpu.memory_space<vmem>>) target(%dma_start3A_415 : memref<10000x64xf32, #tpu.memory_space<vmem_shared>>) offsets(%dma_start3A_412 : memref<80xi32, #tpu.memory_space<vmem>>) semaphore(%arg20 : memref<!tpu.dma_semaphore, #tpu.memory_space<semaphore_mem>>) {add = true}
      %dma_wait3A_416 = arith.constant 0 : i32
      %dma_wait3A_417 = arith.constant 4 : i32
      %dma_wait3A_418 = arith.constant 0 : i32
      %dma_wait3A_419 = arith.constant 0 : i32
      %dma_wait3A_420 = tpu.memref_slice %arg8[%dma_wait3A_417, %dma_wait3A_418, %dma_wait3A_419] : memref<5x80x64xf32, #tpu.memory_space<vmem>> -> memref<1x80x64xf32, #tpu.memory_space<vmem>>
      %dma_wait3A_421 = tpu.memref_squeeze %dma_wait3A_420 : memref<1x80x64xf32, #tpu.memory_space<vmem>> -> memref<80x64xf32, #tpu.memory_space<vmem>>
      %dma_wait3A_422 = arith.constant 0 : i32
      %dma_wait3A_423 = tpu.memref_slice %arg6[%dma_wait3A_416, %dma_wait3A_422] : memref<250x80xi32, #tpu.memory_space<vmem>> -> memref<1x80xi32, #tpu.memory_space<vmem>>
      %dma_wait3A_424 = tpu.memref_squeeze %dma_wait3A_423 : memref<1x80xi32, #tpu.memory_space<vmem>> -> memref<80xi32, #tpu.memory_space<vmem>>
      %dma_wait3A_425 = arith.constant 0 : i32
      %dma_wait3A_426 = arith.constant 0 : i32
      %dma_wait3A_427 = tpu.memref_slice %arg2[%dma_wait3A_425, %dma_wait3A_426] : memref<20000x64xf32, #tpu.memory_space<hbm>> -> memref<20000x64xf32, #tpu.memory_space<hbm>>
      tpu.wait_indirect_dma semaphore(%arg16 : memref<!tpu.dma_semaphore, #tpu.memory_space<semaphore_mem>>) src(%dma_wait3A_427 : memref<20000x64xf32, #tpu.memory_space<hbm>>) dst(%dma_wait3A_421 : memref<80x64xf32, #tpu.memory_space<vmem>>)
      %add3A_428 = arith.constant 4 : i32
      %add3A_429 = arith.addi %mul3A_315, %add3A_428 : i32
      %dma_start3A_430 = arith.constant 4 : i32
      %dma_start3A_431 = arith.constant 0 : i32
      %dma_start3A_432 = arith.constant 0 : i32
      %dma_start3A_433 = tpu.memref_slice %arg8[%dma_start3A_430, %dma_start3A_431, %dma_start3A_432] : memref<5x80x64xf32, #tpu.memory_space<vmem>> -> memref<1x80x64xf32, #tpu.memory_space<vmem>>
      %dma_start3A_434 = tpu.memref_squeeze %dma_start3A_433 : memref<1x80x64xf32, #tpu.memory_space<vmem>> -> memref<80x64xf32, #tpu.memory_space<vmem>>
      %dma_start3A_435 = arith.constant 0 : i32
      %dma_start3A_436 = tpu.memref_slice %arg7[%add3A_429, %dma_start3A_435] : memref<250x80xi32, #tpu.memory_space<vmem>> -> memref<1x80xi32, #tpu.memory_space<vmem>>
      %dma_start3A_437 = tpu.memref_squeeze %dma_start3A_436 : memref<1x80xi32, #tpu.memory_space<vmem>> -> memref<80xi32, #tpu.memory_space<vmem>>
      %dma_start3A_438 = arith.constant 0 : i32
      %dma_start3A_439 = arith.constant 0 : i32
      %dma_start3A_440 = tpu.memref_slice %arg10[%dma_start3A_438, %dma_start3A_439] : memref<10000x64xf32, #tpu.memory_space<vmem_shared>> -> memref<10000x64xf32, #tpu.memory_space<vmem_shared>>
      tpu.enqueue_indirect_dma source(%dma_start3A_434 : memref<80x64xf32, #tpu.memory_space<vmem>>) target(%dma_start3A_440 : memref<10000x64xf32, #tpu.memory_space<vmem_shared>>) offsets(%dma_start3A_437 : memref<80xi32, #tpu.memory_space<vmem>>) semaphore(%arg21 : memref<!tpu.dma_semaphore, #tpu.memory_space<semaphore_mem>>) {add = true}
      %dma_wait3A_441 = arith.constant 0 : i32
      %dma_wait3A_442 = arith.constant 0 : i32
      %dma_wait3A_443 = arith.constant 0 : i32
      %dma_wait3A_444 = arith.constant 0 : i32
      %dma_wait3A_445 = tpu.memref_slice %arg8[%dma_wait3A_441, %dma_wait3A_443, %dma_wait3A_444] : memref<5x80x64xf32, #tpu.memory_space<vmem>> -> memref<1x80x64xf32, #tpu.memory_space<vmem>>
      %dma_wait3A_446 = tpu.memref_squeeze %dma_wait3A_445 : memref<1x80x64xf32, #tpu.memory_space<vmem>> -> memref<80x64xf32, #tpu.memory_space<vmem>>
      %dma_wait3A_447 = arith.constant 0 : i32
      %dma_wait3A_448 = tpu.memref_slice %arg7[%dma_wait3A_442, %dma_wait3A_447] : memref<250x80xi32, #tpu.memory_space<vmem>> -> memref<1x80xi32, #tpu.memory_space<vmem>>
      %dma_wait3A_449 = tpu.memref_squeeze %dma_wait3A_448 : memref<1x80xi32, #tpu.memory_space<vmem>> -> memref<80xi32, #tpu.memory_space<vmem>>
      %dma_wait3A_450 = arith.constant 0 : i32
      %dma_wait3A_451 = arith.constant 0 : i32
      %dma_wait3A_452 = tpu.memref_slice %arg10[%dma_wait3A_450, %dma_wait3A_451] : memref<10000x64xf32, #tpu.memory_space<vmem_shared>> -> memref<10000x64xf32, #tpu.memory_space<vmem_shared>>
      tpu.wait_indirect_dma semaphore(%arg17 : memref<!tpu.dma_semaphore, #tpu.memory_space<semaphore_mem>>) src(%dma_wait3A_446 : memref<80x64xf32, #tpu.memory_space<vmem>>) dst(%dma_wait3A_452 : memref<10000x64xf32, #tpu.memory_space<vmem_shared>>)
      %add3A_453 = arith.constant 5 : i32
      %add3A_454 = arith.addi %mul3A_315, %add3A_453 : i32
      %add3A_455 = arith.constant 0 : i32
      %add3A_456 = arith.addi %add3A_454, %add3A_455 : i32
      %dma_start3A_457 = arith.constant 0 : i32
      %dma_start3A_458 = arith.constant 0 : i32
      %dma_start3A_459 = arith.constant 0 : i32
      %dma_start3A_460 = tpu.memref_slice %arg8[%dma_start3A_457, %dma_start3A_458, %dma_start3A_459] : memref<5x80x64xf32, #tpu.memory_space<vmem>> -> memref<1x80x64xf32, #tpu.memory_space<vmem>>
      %dma_start3A_461 = tpu.memref_squeeze %dma_start3A_460 : memref<1x80x64xf32, #tpu.memory_space<vmem>> -> memref<80x64xf32, #tpu.memory_space<vmem>>
      %dma_start3A_462 = arith.constant 0 : i32
      %dma_start3A_463 = tpu.memref_slice %arg6[%add3A_456, %dma_start3A_462] : memref<250x80xi32, #tpu.memory_space<vmem>> -> memref<1x80xi32, #tpu.memory_space<vmem>>
      %dma_start3A_464 = tpu.memref_squeeze %dma_start3A_463 : memref<1x80xi32, #tpu.memory_space<vmem>> -> memref<80xi32, #tpu.memory_space<vmem>>
      %dma_start3A_465 = arith.constant 0 : i32
      %dma_start3A_466 = arith.constant 0 : i32
      %dma_start3A_467 = tpu.memref_slice %arg2[%dma_start3A_465, %dma_start3A_466] : memref<20000x64xf32, #tpu.memory_space<hbm>> -> memref<20000x64xf32, #tpu.memory_space<hbm>>
      tpu.enqueue_indirect_dma source(%dma_start3A_467 : memref<20000x64xf32, #tpu.memory_space<hbm>>) target(%dma_start3A_461 : memref<80x64xf32, #tpu.memory_space<vmem>>) offsets(%dma_start3A_464 : memref<80xi32, #tpu.memory_space<vmem>>) semaphore(%arg12 : memref<!tpu.dma_semaphore, #tpu.memory_space<semaphore_mem>>)
      %dma_wait3A_468 = arith.constant 1 : i32
      %dma_wait3A_469 = arith.constant 0 : i32
      %dma_wait3A_470 = arith.constant 0 : i32
      %dma_wait3A_471 = arith.constant 0 : i32
      %dma_wait3A_472 = tpu.memref_slice %arg8[%dma_wait3A_468, %dma_wait3A_470, %dma_wait3A_471] : memref<5x80x64xf32, #tpu.memory_space<vmem>> -> memref<1x80x64xf32, #tpu.memory_space<vmem>>
      %dma_wait3A_473 = tpu.memref_squeeze %dma_wait3A_472 : memref<1x80x64xf32, #tpu.memory_space<vmem>> -> memref<80x64xf32, #tpu.memory_space<vmem>>
      %dma_wait3A_474 = arith.constant 0 : i32
      %dma_wait3A_475 = tpu.memref_slice %arg7[%dma_wait3A_469, %dma_wait3A_474] : memref<250x80xi32, #tpu.memory_space<vmem>> -> memref<1x80xi32, #tpu.memory_space<vmem>>
      %dma_wait3A_476 = tpu.memref_squeeze %dma_wait3A_475 : memref<1x80xi32, #tpu.memory_space<vmem>> -> memref<80xi32, #tpu.memory_space<vmem>>
      %dma_wait3A_477 = arith.constant 0 : i32
      %dma_wait3A_478 = arith.constant 0 : i32
      %dma_wait3A_479 = tpu.memref_slice %arg10[%dma_wait3A_477, %dma_wait3A_478] : memref<10000x64xf32, #tpu.memory_space<vmem_shared>> -> memref<10000x64xf32, #tpu.memory_space<vmem_shared>>
      tpu.wait_indirect_dma semaphore(%arg18 : memref<!tpu.dma_semaphore, #tpu.memory_space<semaphore_mem>>) src(%dma_wait3A_473 : memref<80x64xf32, #tpu.memory_space<vmem>>) dst(%dma_wait3A_479 : memref<10000x64xf32, #tpu.memory_space<vmem_shared>>)
      %add3A_480 = arith.constant 5 : i32
      %add3A_481 = arith.addi %mul3A_315, %add3A_480 : i32
      %add3A_482 = arith.constant 1 : i32
      %add3A_483 = arith.addi %add3A_481, %add3A_482 : i32
      %dma_start3A_484 = arith.constant 1 : i32
      %dma_start3A_485 = arith.constant 0 : i32
      %dma_start3A_486 = arith.constant 0 : i32
      %dma_start3A_487 = tpu.memref_slice %arg8[%dma_start3A_484, %dma_start3A_485, %dma_start3A_486] : memref<5x80x64xf32, #tpu.memory_space<vmem>> -> memref<1x80x64xf32, #tpu.memory_space<vmem>>
      %dma_start3A_488 = tpu.memref_squeeze %dma_start3A_487 : memref<1x80x64xf32, #tpu.memory_space<vmem>> -> memref<80x64xf32, #tpu.memory_space<vmem>>
      %dma_start3A_489 = arith.constant 0 : i32
      %dma_start3A_490 = tpu.memref_slice %arg6[%add3A_483, %dma_start3A_489] : memref<250x80xi32, #tpu.memory_space<vmem>> -> memref<1x80xi32, #tpu.memory_space<vmem>>
      %dma_start3A_491 = tpu.memref_squeeze %dma_start3A_490 : memref<1x80xi32, #tpu.memory_space<vmem>> -> memref<80xi32, #tpu.memory_space<vmem>>
      %dma_start3A_492 = arith.constant 0 : i32
      %dma_start3A_493 = arith.constant 0 : i32
      %dma_start3A_494 = tpu.memref_slice %arg2[%dma_start3A_492, %dma_start3A_493] : memref<20000x64xf32, #tpu.memory_space<hbm>> -> memref<20000x64xf32, #tpu.memory_space<hbm>>
      tpu.enqueue_indirect_dma source(%dma_start3A_494 : memref<20000x64xf32, #tpu.memory_space<hbm>>) target(%dma_start3A_488 : memref<80x64xf32, #tpu.memory_space<vmem>>) offsets(%dma_start3A_491 : memref<80xi32, #tpu.memory_space<vmem>>) semaphore(%arg13 : memref<!tpu.dma_semaphore, #tpu.memory_space<semaphore_mem>>)
      %dma_wait3A_495 = arith.constant 2 : i32
      %dma_wait3A_496 = arith.constant 0 : i32
      %dma_wait3A_497 = arith.constant 0 : i32
      %dma_wait3A_498 = arith.constant 0 : i32
      %dma_wait3A_499 = tpu.memref_slice %arg8[%dma_wait3A_495, %dma_wait3A_497, %dma_wait3A_498] : memref<5x80x64xf32, #tpu.memory_space<vmem>> -> memref<1x80x64xf32, #tpu.memory_space<vmem>>
      %dma_wait3A_500 = tpu.memref_squeeze %dma_wait3A_499 : memref<1x80x64xf32, #tpu.memory_space<vmem>> -> memref<80x64xf32, #tpu.memory_space<vmem>>
      %dma_wait3A_501 = arith.constant 0 : i32
      %dma_wait3A_502 = tpu.memref_slice %arg7[%dma_wait3A_496, %dma_wait3A_501] : memref<250x80xi32, #tpu.memory_space<vmem>> -> memref<1x80xi32, #tpu.memory_space<vmem>>
      %dma_wait3A_503 = tpu.memref_squeeze %dma_wait3A_502 : memref<1x80xi32, #tpu.memory_space<vmem>> -> memref<80xi32, #tpu.memory_space<vmem>>
      %dma_wait3A_504 = arith.constant 0 : i32
      %dma_wait3A_505 = arith.constant 0 : i32
      %dma_wait3A_506 = tpu.memref_slice %arg10[%dma_wait3A_504, %dma_wait3A_505] : memref<10000x64xf32, #tpu.memory_space<vmem_shared>> -> memref<10000x64xf32, #tpu.memory_space<vmem_shared>>
      tpu.wait_indirect_dma semaphore(%arg19 : memref<!tpu.dma_semaphore, #tpu.memory_space<semaphore_mem>>) src(%dma_wait3A_500 : memref<80x64xf32, #tpu.memory_space<vmem>>) dst(%dma_wait3A_506 : memref<10000x64xf32, #tpu.memory_space<vmem_shared>>)
      %add3A_507 = arith.constant 5 : i32
      %add3A_508 = arith.addi %mul3A_315, %add3A_507 : i32
      %add3A_509 = arith.constant 2 : i32
      %add3A_510 = arith.addi %add3A_508, %add3A_509 : i32
      %dma_start3A_511 = arith.constant 2 : i32
      %dma_start3A_512 = arith.constant 0 : i32
      %dma_start3A_513 = arith.constant 0 : i32
      %dma_start3A_514 = tpu.memref_slice %arg8[%dma_start3A_511, %dma_start3A_512, %dma_start3A_513] : memref<5x80x64xf32, #tpu.memory_space<vmem>> -> memref<1x80x64xf32, #tpu.memory_space<vmem>>
      %dma_start3A_515 = tpu.memref_squeeze %dma_start3A_514 : memref<1x80x64xf32, #tpu.memory_space<vmem>> -> memref<80x64xf32, #tpu.memory_space<vmem>>
      %dma_start3A_516 = arith.constant 0 : i32
      %dma_start3A_517 = tpu.memref_slice %arg6[%add3A_510, %dma_start3A_516] : memref<250x80xi32, #tpu.memory_space<vmem>> -> memref<1x80xi32, #tpu.memory_space<vmem>>
      %dma_start3A_518 = tpu.memref_squeeze %dma_start3A_517 : memref<1x80xi32, #tpu.memory_space<vmem>> -> memref<80xi32, #tpu.memory_space<vmem>>
      %dma_start3A_519 = arith.constant 0 : i32
      %dma_start3A_520 = arith.constant 0 : i32
      %dma_start3A_521 = tpu.memref_slice %arg2[%dma_start3A_519, %dma_start3A_520] : memref<20000x64xf32, #tpu.memory_space<hbm>> -> memref<20000x64xf32, #tpu.memory_space<hbm>>
      tpu.enqueue_indirect_dma source(%dma_start3A_521 : memref<20000x64xf32, #tpu.memory_space<hbm>>) target(%dma_start3A_515 : memref<80x64xf32, #tpu.memory_space<vmem>>) offsets(%dma_start3A_518 : memref<80xi32, #tpu.memory_space<vmem>>) semaphore(%arg14 : memref<!tpu.dma_semaphore, #tpu.memory_space<semaphore_mem>>)
      %dma_wait3A_522 = arith.constant 3 : i32
      %dma_wait3A_523 = arith.constant 0 : i32
      %dma_wait3A_524 = arith.constant 0 : i32
      %dma_wait3A_525 = arith.constant 0 : i32
      %dma_wait3A_526 = tpu.memref_slice %arg8[%dma_wait3A_522, %dma_wait3A_524, %dma_wait3A_525] : memref<5x80x64xf32, #tpu.memory_space<vmem>> -> memref<1x80x64xf32, #tpu.memory_space<vmem>>
      %dma_wait3A_527 = tpu.memref_squeeze %dma_wait3A_526 : memref<1x80x64xf32, #tpu.memory_space<vmem>> -> memref<80x64xf32, #tpu.memory_space<vmem>>
      %dma_wait3A_528 = arith.constant 0 : i32
      %dma_wait3A_529 = tpu.memref_slice %arg7[%dma_wait3A_523, %dma_wait3A_528] : memref<250x80xi32, #tpu.memory_space<vmem>> -> memref<1x80xi32, #tpu.memory_space<vmem>>
      %dma_wait3A_530 = tpu.memref_squeeze %dma_wait3A_529 : memref<1x80xi32, #tpu.memory_space<vmem>> -> memref<80xi32, #tpu.memory_space<vmem>>
      %dma_wait3A_531 = arith.constant 0 : i32
      %dma_wait3A_532 = arith.constant 0 : i32
      %dma_wait3A_533 = tpu.memref_slice %arg10[%dma_wait3A_531, %dma_wait3A_532] : memref<10000x64xf32, #tpu.memory_space<vmem_shared>> -> memref<10000x64xf32, #tpu.memory_space<vmem_shared>>
      tpu.wait_indirect_dma semaphore(%arg20 : memref<!tpu.dma_semaphore, #tpu.memory_space<semaphore_mem>>) src(%dma_wait3A_527 : memref<80x64xf32, #tpu.memory_space<vmem>>) dst(%dma_wait3A_533 : memref<10000x64xf32, #tpu.memory_space<vmem_shared>>)
      %add3A_534 = arith.constant 5 : i32
      %add3A_535 = arith.addi %mul3A_315, %add3A_534 : i32
      %add3A_536 = arith.constant 3 : i32
      %add3A_537 = arith.addi %add3A_535, %add3A_536 : i32
      %dma_start3A_538 = arith.constant 3 : i32
      %dma_start3A_539 = arith.constant 0 : i32
      %dma_start3A_540 = arith.constant 0 : i32
      %dma_start3A_541 = tpu.memref_slice %arg8[%dma_start3A_538, %dma_start3A_539, %dma_start3A_540] : memref<5x80x64xf32, #tpu.memory_space<vmem>> -> memref<1x80x64xf32, #tpu.memory_space<vmem>>
      %dma_start3A_542 = tpu.memref_squeeze %dma_start3A_541 : memref<1x80x64xf32, #tpu.memory_space<vmem>> -> memref<80x64xf32, #tpu.memory_space<vmem>>
      %dma_start3A_543 = arith.constant 0 : i32
      %dma_start3A_544 = tpu.memref_slice %arg6[%add3A_537, %dma_start3A_543] : memref<250x80xi32, #tpu.memory_space<vmem>> -> memref<1x80xi32, #tpu.memory_space<vmem>>
      %dma_start3A_545 = tpu.memref_squeeze %dma_start3A_544 : memref<1x80xi32, #tpu.memory_space<vmem>> -> memref<80xi32, #tpu.memory_space<vmem>>
      %dma_start3A_546 = arith.constant 0 : i32
      %dma_start3A_547 = arith.constant 0 : i32
      %dma_start3A_548 = tpu.memref_slice %arg2[%dma_start3A_546, %dma_start3A_547] : memref<20000x64xf32, #tpu.memory_space<hbm>> -> memref<20000x64xf32, #tpu.memory_space<hbm>>
      tpu.enqueue_indirect_dma source(%dma_start3A_548 : memref<20000x64xf32, #tpu.memory_space<hbm>>) target(%dma_start3A_542 : memref<80x64xf32, #tpu.memory_space<vmem>>) offsets(%dma_start3A_545 : memref<80xi32, #tpu.memory_space<vmem>>) semaphore(%arg15 : memref<!tpu.dma_semaphore, #tpu.memory_space<semaphore_mem>>)
      %dma_wait3A_549 = arith.constant 4 : i32
      %dma_wait3A_550 = arith.constant 0 : i32
      %dma_wait3A_551 = arith.constant 0 : i32
      %dma_wait3A_552 = arith.constant 0 : i32
      %dma_wait3A_553 = tpu.memref_slice %arg8[%dma_wait3A_549, %dma_wait3A_551, %dma_wait3A_552] : memref<5x80x64xf32, #tpu.memory_space<vmem>> -> memref<1x80x64xf32, #tpu.memory_space<vmem>>
      %dma_wait3A_554 = tpu.memref_squeeze %dma_wait3A_553 : memref<1x80x64xf32, #tpu.memory_space<vmem>> -> memref<80x64xf32, #tpu.memory_space<vmem>>
      %dma_wait3A_555 = arith.constant 0 : i32
      %dma_wait3A_556 = tpu.memref_slice %arg7[%dma_wait3A_550, %dma_wait3A_555] : memref<250x80xi32, #tpu.memory_space<vmem>> -> memref<1x80xi32, #tpu.memory_space<vmem>>
      %dma_wait3A_557 = tpu.memref_squeeze %dma_wait3A_556 : memref<1x80xi32, #tpu.memory_space<vmem>> -> memref<80xi32, #tpu.memory_space<vmem>>
      %dma_wait3A_558 = arith.constant 0 : i32
      %dma_wait3A_559 = arith.constant 0 : i32
      %dma_wait3A_560 = tpu.memref_slice %arg10[%dma_wait3A_558, %dma_wait3A_559] : memref<10000x64xf32, #tpu.memory_space<vmem_shared>> -> memref<10000x64xf32, #tpu.memory_space<vmem_shared>>
      tpu.wait_indirect_dma semaphore(%arg21 : memref<!tpu.dma_semaphore, #tpu.memory_space<semaphore_mem>>) src(%dma_wait3A_554 : memref<80x64xf32, #tpu.memory_space<vmem>>) dst(%dma_wait3A_560 : memref<10000x64xf32, #tpu.memory_space<vmem_shared>>)
      %add3A_561 = arith.constant 5 : i32
      %add3A_562 = arith.addi %mul3A_315, %add3A_561 : i32
      %add3A_563 = arith.constant 4 : i32
      %add3A_564 = arith.addi %add3A_562, %add3A_563 : i32
      %dma_start3A_565 = arith.constant 4 : i32
      %dma_start3A_566 = arith.constant 0 : i32
      %dma_start3A_567 = arith.constant 0 : i32
      %dma_start3A_568 = tpu.memref_slice %arg8[%dma_start3A_565, %dma_start3A_566, %dma_start3A_567] : memref<5x80x64xf32, #tpu.memory_space<vmem>> -> memref<1x80x64xf32, #tpu.memory_space<vmem>>
      %dma_start3A_569 = tpu.memref_squeeze %dma_start3A_568 : memref<1x80x64xf32, #tpu.memory_space<vmem>> -> memref<80x64xf32, #tpu.memory_space<vmem>>
      %dma_start3A_570 = arith.constant 0 : i32
      %dma_start3A_571 = tpu.memref_slice %arg6[%add3A_564, %dma_start3A_570] : memref<250x80xi32, #tpu.memory_space<vmem>> -> memref<1x80xi32, #tpu.memory_space<vmem>>
      %dma_start3A_572 = tpu.memref_squeeze %dma_start3A_571 : memref<1x80xi32, #tpu.memory_space<vmem>> -> memref<80xi32, #tpu.memory_space<vmem>>
      %dma_start3A_573 = arith.constant 0 : i32
      %dma_start3A_574 = arith.constant 0 : i32
      %dma_start3A_575 = tpu.memref_slice %arg2[%dma_start3A_573, %dma_start3A_574] : memref<20000x64xf32, #tpu.memory_space<hbm>> -> memref<20000x64xf32, #tpu.memory_space<hbm>>
      tpu.enqueue_indirect_dma source(%dma_start3A_575 : memref<20000x64xf32, #tpu.memory_space<hbm>>) target(%dma_start3A_569 : memref<80x64xf32, #tpu.memory_space<vmem>>) offsets(%dma_start3A_572 : memref<80xi32, #tpu.memory_space<vmem>>) semaphore(%arg16 : memref<!tpu.dma_semaphore, #tpu.memory_space<semaphore_mem>>)
    }
    %scan3A_127 = arith.constant 49 : i32
    %dma_wait3A_128 = arith.constant 0 : i32
    %dma_wait3A_129 = arith.constant 0 : i32
    %dma_wait3A_130 = arith.constant 0 : i32
    %dma_wait3A_131 = arith.constant 0 : i32
    %dma_wait3A_132 = tpu.memref_slice %arg8[%dma_wait3A_129, %dma_wait3A_130, %dma_wait3A_131] : memref<5x80x64xf32, #tpu.memory_space<vmem>> -> memref<1x80x64xf32, #tpu.memory_space<vmem>>
    %dma_wait3A_133 = tpu.memref_squeeze %dma_wait3A_132 : memref<1x80x64xf32, #tpu.memory_space<vmem>> -> memref<80x64xf32, #tpu.memory_space<vmem>>
    %dma_wait3A_134 = arith.constant 0 : i32
    %dma_wait3A_135 = tpu.memref_slice %arg6[%dma_wait3A_128, %dma_wait3A_134] : memref<250x80xi32, #tpu.memory_space<vmem>> -> memref<1x80xi32, #tpu.memory_space<vmem>>
    %dma_wait3A_136 = tpu.memref_squeeze %dma_wait3A_135 : memref<1x80xi32, #tpu.memory_space<vmem>> -> memref<80xi32, #tpu.memory_space<vmem>>
    %dma_wait3A_137 = arith.constant 0 : i32
    %dma_wait3A_138 = arith.constant 0 : i32
    %dma_wait3A_139 = tpu.memref_slice %arg2[%dma_wait3A_137, %dma_wait3A_138] : memref<20000x64xf32, #tpu.memory_space<hbm>> -> memref<20000x64xf32, #tpu.memory_space<hbm>>
    tpu.wait_indirect_dma semaphore(%arg12 : memref<!tpu.dma_semaphore, #tpu.memory_space<semaphore_mem>>) src(%dma_wait3A_139 : memref<20000x64xf32, #tpu.memory_space<hbm>>) dst(%dma_wait3A_133 : memref<80x64xf32, #tpu.memory_space<vmem>>)
    %dma_start3A_140 = arith.constant 0 : i32
    %dma_start3A_141 = arith.constant 245 : i32
    %dma_start3A_142 = arith.constant 0 : i32
    %dma_start3A_143 = arith.constant 0 : i32
    %dma_start3A_144 = tpu.memref_slice %arg8[%dma_start3A_140, %dma_start3A_142, %dma_start3A_143] : memref<5x80x64xf32, #tpu.memory_space<vmem>> -> memref<1x80x64xf32, #tpu.memory_space<vmem>>
    %dma_start3A_145 = tpu.memref_squeeze %dma_start3A_144 : memref<1x80x64xf32, #tpu.memory_space<vmem>> -> memref<80x64xf32, #tpu.memory_space<vmem>>
    %dma_start3A_146 = arith.constant 0 : i32
    %dma_start3A_147 = tpu.memref_slice %arg7[%dma_start3A_141, %dma_start3A_146] : memref<250x80xi32, #tpu.memory_space<vmem>> -> memref<1x80xi32, #tpu.memory_space<vmem>>
    %dma_start3A_148 = tpu.memref_squeeze %dma_start3A_147 : memref<1x80xi32, #tpu.memory_space<vmem>> -> memref<80xi32, #tpu.memory_space<vmem>>
    %dma_start3A_149 = arith.constant 0 : i32
    %dma_start3A_150 = arith.constant 0 : i32
    %dma_start3A_151 = tpu.memref_slice %arg10[%dma_start3A_149, %dma_start3A_150] : memref<10000x64xf32, #tpu.memory_space<vmem_shared>> -> memref<10000x64xf32, #tpu.memory_space<vmem_shared>>
    tpu.enqueue_indirect_dma source(%dma_start3A_145 : memref<80x64xf32, #tpu.memory_space<vmem>>) target(%dma_start3A_151 : memref<10000x64xf32, #tpu.memory_space<vmem_shared>>) offsets(%dma_start3A_148 : memref<80xi32, #tpu.memory_space<vmem>>) semaphore(%arg17 : memref<!tpu.dma_semaphore, #tpu.memory_space<semaphore_mem>>) {add = true}
    %dma_wait3A_152 = arith.constant 0 : i32
    %dma_wait3A_153 = arith.constant 1 : i32
    %dma_wait3A_154 = arith.constant 0 : i32
    %dma_wait3A_155 = arith.constant 0 : i32
    %dma_wait3A_156 = tpu.memref_slice %arg8[%dma_wait3A_153, %dma_wait3A_154, %dma_wait3A_155] : memref<5x80x64xf32, #tpu.memory_space<vmem>> -> memref<1x80x64xf32, #tpu.memory_space<vmem>>
    %dma_wait3A_157 = tpu.memref_squeeze %dma_wait3A_156 : memref<1x80x64xf32, #tpu.memory_space<vmem>> -> memref<80x64xf32, #tpu.memory_space<vmem>>
    %dma_wait3A_158 = arith.constant 0 : i32
    %dma_wait3A_159 = tpu.memref_slice %arg6[%dma_wait3A_152, %dma_wait3A_158] : memref<250x80xi32, #tpu.memory_space<vmem>> -> memref<1x80xi32, #tpu.memory_space<vmem>>
    %dma_wait3A_160 = tpu.memref_squeeze %dma_wait3A_159 : memref<1x80xi32, #tpu.memory_space<vmem>> -> memref<80xi32, #tpu.memory_space<vmem>>
    %dma_wait3A_161 = arith.constant 0 : i32
    %dma_wait3A_162 = arith.constant 0 : i32
    %dma_wait3A_163 = tpu.memref_slice %arg2[%dma_wait3A_161, %dma_wait3A_162] : memref<20000x64xf32, #tpu.memory_space<hbm>> -> memref<20000x64xf32, #tpu.memory_space<hbm>>
    tpu.wait_indirect_dma semaphore(%arg13 : memref<!tpu.dma_semaphore, #tpu.memory_space<semaphore_mem>>) src(%dma_wait3A_163 : memref<20000x64xf32, #tpu.memory_space<hbm>>) dst(%dma_wait3A_157 : memref<80x64xf32, #tpu.memory_space<vmem>>)
    %dma_start3A_164 = arith.constant 1 : i32
    %dma_start3A_165 = arith.constant 246 : i32
    %dma_start3A_166 = arith.constant 0 : i32
    %dma_start3A_167 = arith.constant 0 : i32
    %dma_start3A_168 = tpu.memref_slice %arg8[%dma_start3A_164, %dma_start3A_166, %dma_start3A_167] : memref<5x80x64xf32, #tpu.memory_space<vmem>> -> memref<1x80x64xf32, #tpu.memory_space<vmem>>
    %dma_start3A_169 = tpu.memref_squeeze %dma_start3A_168 : memref<1x80x64xf32, #tpu.memory_space<vmem>> -> memref<80x64xf32, #tpu.memory_space<vmem>>
    %dma_start3A_170 = arith.constant 0 : i32
    %dma_start3A_171 = tpu.memref_slice %arg7[%dma_start3A_165, %dma_start3A_170] : memref<250x80xi32, #tpu.memory_space<vmem>> -> memref<1x80xi32, #tpu.memory_space<vmem>>
    %dma_start3A_172 = tpu.memref_squeeze %dma_start3A_171 : memref<1x80xi32, #tpu.memory_space<vmem>> -> memref<80xi32, #tpu.memory_space<vmem>>
    %dma_start3A_173 = arith.constant 0 : i32
    %dma_start3A_174 = arith.constant 0 : i32
    %dma_start3A_175 = tpu.memref_slice %arg10[%dma_start3A_173, %dma_start3A_174] : memref<10000x64xf32, #tpu.memory_space<vmem_shared>> -> memref<10000x64xf32, #tpu.memory_space<vmem_shared>>
    tpu.enqueue_indirect_dma source(%dma_start3A_169 : memref<80x64xf32, #tpu.memory_space<vmem>>) target(%dma_start3A_175 : memref<10000x64xf32, #tpu.memory_space<vmem_shared>>) offsets(%dma_start3A_172 : memref<80xi32, #tpu.memory_space<vmem>>) semaphore(%arg18 : memref<!tpu.dma_semaphore, #tpu.memory_space<semaphore_mem>>) {add = true}
    %dma_wait3A_176 = arith.constant 0 : i32
    %dma_wait3A_177 = arith.constant 2 : i32
    %dma_wait3A_178 = arith.constant 0 : i32
    %dma_wait3A_179 = arith.constant 0 : i32
    %dma_wait3A_180 = tpu.memref_slice %arg8[%dma_wait3A_177, %dma_wait3A_178, %dma_wait3A_179] : memref<5x80x64xf32, #tpu.memory_space<vmem>> -> memref<1x80x64xf32, #tpu.memory_space<vmem>>
    %dma_wait3A_181 = tpu.memref_squeeze %dma_wait3A_180 : memref<1x80x64xf32, #tpu.memory_space<vmem>> -> memref<80x64xf32, #tpu.memory_space<vmem>>
    %dma_wait3A_182 = arith.constant 0 : i32
    %dma_wait3A_183 = tpu.memref_slice %arg6[%dma_wait3A_176, %dma_wait3A_182] : memref<250x80xi32, #tpu.memory_space<vmem>> -> memref<1x80xi32, #tpu.memory_space<vmem>>
    %dma_wait3A_184 = tpu.memref_squeeze %dma_wait3A_183 : memref<1x80xi32, #tpu.memory_space<vmem>> -> memref<80xi32, #tpu.memory_space<vmem>>
    %dma_wait3A_185 = arith.constant 0 : i32
    %dma_wait3A_186 = arith.constant 0 : i32
    %dma_wait3A_187 = tpu.memref_slice %arg2[%dma_wait3A_185, %dma_wait3A_186] : memref<20000x64xf32, #tpu.memory_space<hbm>> -> memref<20000x64xf32, #tpu.memory_space<hbm>>
    tpu.wait_indirect_dma semaphore(%arg14 : memref<!tpu.dma_semaphore, #tpu.memory_space<semaphore_mem>>) src(%dma_wait3A_187 : memref<20000x64xf32, #tpu.memory_space<hbm>>) dst(%dma_wait3A_181 : memref<80x64xf32, #tpu.memory_space<vmem>>)
    %dma_start3A_188 = arith.constant 2 : i32
    %dma_start3A_189 = arith.constant 247 : i32
    %dma_start3A_190 = arith.constant 0 : i32
    %dma_start3A_191 = arith.constant 0 : i32
    %dma_start3A_192 = tpu.memref_slice %arg8[%dma_start3A_188, %dma_start3A_190, %dma_start3A_191] : memref<5x80x64xf32, #tpu.memory_space<vmem>> -> memref<1x80x64xf32, #tpu.memory_space<vmem>>
    %dma_start3A_193 = tpu.memref_squeeze %dma_start3A_192 : memref<1x80x64xf32, #tpu.memory_space<vmem>> -> memref<80x64xf32, #tpu.memory_space<vmem>>
    %dma_start3A_194 = arith.constant 0 : i32
    %dma_start3A_195 = tpu.memref_slice %arg7[%dma_start3A_189, %dma_start3A_194] : memref<250x80xi32, #tpu.memory_space<vmem>> -> memref<1x80xi32, #tpu.memory_space<vmem>>
    %dma_start3A_196 = tpu.memref_squeeze %dma_start3A_195 : memref<1x80xi32, #tpu.memory_space<vmem>> -> memref<80xi32, #tpu.memory_space<vmem>>
    %dma_start3A_197 = arith.constant 0 : i32
    %dma_start3A_198 = arith.constant 0 : i32
    %dma_start3A_199 = tpu.memref_slice %arg10[%dma_start3A_197, %dma_start3A_198] : memref<10000x64xf32, #tpu.memory_space<vmem_shared>> -> memref<10000x64xf32, #tpu.memory_space<vmem_shared>>
    tpu.enqueue_indirect_dma source(%dma_start3A_193 : memref<80x64xf32, #tpu.memory_space<vmem>>) target(%dma_start3A_199 : memref<10000x64xf32, #tpu.memory_space<vmem_shared>>) offsets(%dma_start3A_196 : memref<80xi32, #tpu.memory_space<vmem>>) semaphore(%arg19 : memref<!tpu.dma_semaphore, #tpu.memory_space<semaphore_mem>>) {add = true}
    %dma_wait3A_200 = arith.constant 0 : i32
    %dma_wait3A_201 = arith.constant 3 : i32
    %dma_wait3A_202 = arith.constant 0 : i32
    %dma_wait3A_203 = arith.constant 0 : i32
    %dma_wait3A_204 = tpu.memref_slice %arg8[%dma_wait3A_201, %dma_wait3A_202, %dma_wait3A_203] : memref<5x80x64xf32, #tpu.memory_space<vmem>> -> memref<1x80x64xf32, #tpu.memory_space<vmem>>
    %dma_wait3A_205 = tpu.memref_squeeze %dma_wait3A_204 : memref<1x80x64xf32, #tpu.memory_space<vmem>> -> memref<80x64xf32, #tpu.memory_space<vmem>>
    %dma_wait3A_206 = arith.constant 0 : i32
    %dma_wait3A_207 = tpu.memref_slice %arg6[%dma_wait3A_200, %dma_wait3A_206] : memref<250x80xi32, #tpu.memory_space<vmem>> -> memref<1x80xi32, #tpu.memory_space<vmem>>
    %dma_wait3A_208 = tpu.memref_squeeze %dma_wait3A_207 : memref<1x80xi32, #tpu.memory_space<vmem>> -> memref<80xi32, #tpu.memory_space<vmem>>
    %dma_wait3A_209 = arith.constant 0 : i32
    %dma_wait3A_210 = arith.constant 0 : i32
    %dma_wait3A_211 = tpu.memref_slice %arg2[%dma_wait3A_209, %dma_wait3A_210] : memref<20000x64xf32, #tpu.memory_space<hbm>> -> memref<20000x64xf32, #tpu.memory_space<hbm>>
    tpu.wait_indirect_dma semaphore(%arg15 : memref<!tpu.dma_semaphore, #tpu.memory_space<semaphore_mem>>) src(%dma_wait3A_211 : memref<20000x64xf32, #tpu.memory_space<hbm>>) dst(%dma_wait3A_205 : memref<80x64xf32, #tpu.memory_space<vmem>>)
    %dma_start3A_212 = arith.constant 3 : i32
    %dma_start3A_213 = arith.constant 248 : i32
    %dma_start3A_214 = arith.constant 0 : i32
    %dma_start3A_215 = arith.constant 0 : i32
    %dma_start3A_216 = tpu.memref_slice %arg8[%dma_start3A_212, %dma_start3A_214, %dma_start3A_215] : memref<5x80x64xf32, #tpu.memory_space<vmem>> -> memref<1x80x64xf32, #tpu.memory_space<vmem>>
    %dma_start3A_217 = tpu.memref_squeeze %dma_start3A_216 : memref<1x80x64xf32, #tpu.memory_space<vmem>> -> memref<80x64xf32, #tpu.memory_space<vmem>>
    %dma_start3A_218 = arith.constant 0 : i32
    %dma_start3A_219 = tpu.memref_slice %arg7[%dma_start3A_213, %dma_start3A_218] : memref<250x80xi32, #tpu.memory_space<vmem>> -> memref<1x80xi32, #tpu.memory_space<vmem>>
    %dma_start3A_220 = tpu.memref_squeeze %dma_start3A_219 : memref<1x80xi32, #tpu.memory_space<vmem>> -> memref<80xi32, #tpu.memory_space<vmem>>
    %dma_start3A_221 = arith.constant 0 : i32
    %dma_start3A_222 = arith.constant 0 : i32
    %dma_start3A_223 = tpu.memref_slice %arg10[%dma_start3A_221, %dma_start3A_222] : memref<10000x64xf32, #tpu.memory_space<vmem_shared>> -> memref<10000x64xf32, #tpu.memory_space<vmem_shared>>
    tpu.enqueue_indirect_dma source(%dma_start3A_217 : memref<80x64xf32, #tpu.memory_space<vmem>>) target(%dma_start3A_223 : memref<10000x64xf32, #tpu.memory_space<vmem_shared>>) offsets(%dma_start3A_220 : memref<80xi32, #tpu.memory_space<vmem>>) semaphore(%arg20 : memref<!tpu.dma_semaphore, #tpu.memory_space<semaphore_mem>>) {add = true}
    %dma_wait3A_224 = arith.constant 0 : i32
    %dma_wait3A_225 = arith.constant 4 : i32
    %dma_wait3A_226 = arith.constant 0 : i32
    %dma_wait3A_227 = arith.constant 0 : i32
    %dma_wait3A_228 = tpu.memref_slice %arg8[%dma_wait3A_225, %dma_wait3A_226, %dma_wait3A_227] : memref<5x80x64xf32, #tpu.memory_space<vmem>> -> memref<1x80x64xf32, #tpu.memory_space<vmem>>
    %dma_wait3A_229 = tpu.memref_squeeze %dma_wait3A_228 : memref<1x80x64xf32, #tpu.memory_space<vmem>> -> memref<80x64xf32, #tpu.memory_space<vmem>>
    %dma_wait3A_230 = arith.constant 0 : i32
    %dma_wait3A_231 = tpu.memref_slice %arg6[%dma_wait3A_224, %dma_wait3A_230] : memref<250x80xi32, #tpu.memory_space<vmem>> -> memref<1x80xi32, #tpu.memory_space<vmem>>
    %dma_wait3A_232 = tpu.memref_squeeze %dma_wait3A_231 : memref<1x80xi32, #tpu.memory_space<vmem>> -> memref<80xi32, #tpu.memory_space<vmem>>
    %dma_wait3A_233 = arith.constant 0 : i32
    %dma_wait3A_234 = arith.constant 0 : i32
    %dma_wait3A_235 = tpu.memref_slice %arg2[%dma_wait3A_233, %dma_wait3A_234] : memref<20000x64xf32, #tpu.memory_space<hbm>> -> memref<20000x64xf32, #tpu.memory_space<hbm>>
    tpu.wait_indirect_dma semaphore(%arg16 : memref<!tpu.dma_semaphore, #tpu.memory_space<semaphore_mem>>) src(%dma_wait3A_235 : memref<20000x64xf32, #tpu.memory_space<hbm>>) dst(%dma_wait3A_229 : memref<80x64xf32, #tpu.memory_space<vmem>>)
    %dma_start3A_236 = arith.constant 4 : i32
    %dma_start3A_237 = arith.constant 249 : i32
    %dma_start3A_238 = arith.constant 0 : i32
    %dma_start3A_239 = arith.constant 0 : i32
    %dma_start3A_240 = tpu.memref_slice %arg8[%dma_start3A_236, %dma_start3A_238, %dma_start3A_239] : memref<5x80x64xf32, #tpu.memory_space<vmem>> -> memref<1x80x64xf32, #tpu.memory_space<vmem>>
    %dma_start3A_241 = tpu.memref_squeeze %dma_start3A_240 : memref<1x80x64xf32, #tpu.memory_space<vmem>> -> memref<80x64xf32, #tpu.memory_space<vmem>>
    %dma_start3A_242 = arith.constant 0 : i32
    %dma_start3A_243 = tpu.memref_slice %arg7[%dma_start3A_237, %dma_start3A_242] : memref<250x80xi32, #tpu.memory_space<vmem>> -> memref<1x80xi32, #tpu.memory_space<vmem>>
    %dma_start3A_244 = tpu.memref_squeeze %dma_start3A_243 : memref<1x80xi32, #tpu.memory_space<vmem>> -> memref<80xi32, #tpu.memory_space<vmem>>
    %dma_start3A_245 = arith.constant 0 : i32
    %dma_start3A_246 = arith.constant 0 : i32
    %dma_start3A_247 = tpu.memref_slice %arg10[%dma_start3A_245, %dma_start3A_246] : memref<10000x64xf32, #tpu.memory_space<vmem_shared>> -> memref<10000x64xf32, #tpu.memory_space<vmem_shared>>
    tpu.enqueue_indirect_dma source(%dma_start3A_241 : memref<80x64xf32, #tpu.memory_space<vmem>>) target(%dma_start3A_247 : memref<10000x64xf32, #tpu.memory_space<vmem_shared>>) offsets(%dma_start3A_244 : memref<80xi32, #tpu.memory_space<vmem>>) semaphore(%arg21 : memref<!tpu.dma_semaphore, #tpu.memory_space<semaphore_mem>>) {add = true}
    %dma_wait3A_248 = arith.constant 0 : i32
    %dma_wait3A_249 = arith.constant 0 : i32
    %dma_wait3A_250 = arith.constant 0 : i32
    %dma_wait3A_251 = arith.constant 0 : i32
    %dma_wait3A_252 = tpu.memref_slice %arg8[%dma_wait3A_248, %dma_wait3A_250, %dma_wait3A_251] : memref<5x80x64xf32, #tpu.memory_space<vmem>> -> memref<1x80x64xf32, #tpu.memory_space<vmem>>
    %dma_wait3A_253 = tpu.memref_squeeze %dma_wait3A_252 : memref<1x80x64xf32, #tpu.memory_space<vmem>> -> memref<80x64xf32, #tpu.memory_space<vmem>>
    %dma_wait3A_254 = arith.constant 0 : i32
    %dma_wait3A_255 = tpu.memref_slice %arg7[%dma_wait3A_249, %dma_wait3A_254] : memref<250x80xi32, #tpu.memory_space<vmem>> -> memref<1x80xi32, #tpu.memory_space<vmem>>
    %dma_wait3A_256 = tpu.memref_squeeze %dma_wait3A_255 : memref<1x80xi32, #tpu.memory_space<vmem>> -> memref<80xi32, #tpu.memory_space<vmem>>
    %dma_wait3A_257 = arith.constant 0 : i32
    %dma_wait3A_258 = arith.constant 0 : i32
    %dma_wait3A_259 = tpu.memref_slice %arg10[%dma_wait3A_257, %dma_wait3A_258] : memref<10000x64xf32, #tpu.memory_space<vmem_shared>> -> memref<10000x64xf32, #tpu.memory_space<vmem_shared>>
    tpu.wait_indirect_dma semaphore(%arg17 : memref<!tpu.dma_semaphore, #tpu.memory_space<semaphore_mem>>) src(%dma_wait3A_253 : memref<80x64xf32, #tpu.memory_space<vmem>>) dst(%dma_wait3A_259 : memref<10000x64xf32, #tpu.memory_space<vmem_shared>>)
    %dma_wait3A_260 = arith.constant 1 : i32
    %dma_wait3A_261 = arith.constant 0 : i32
    %dma_wait3A_262 = arith.constant 0 : i32
    %dma_wait3A_263 = arith.constant 0 : i32
    %dma_wait3A_264 = tpu.memref_slice %arg8[%dma_wait3A_260, %dma_wait3A_262, %dma_wait3A_263] : memref<5x80x64xf32, #tpu.memory_space<vmem>> -> memref<1x80x64xf32, #tpu.memory_space<vmem>>
    %dma_wait3A_265 = tpu.memref_squeeze %dma_wait3A_264 : memref<1x80x64xf32, #tpu.memory_space<vmem>> -> memref<80x64xf32, #tpu.memory_space<vmem>>
    %dma_wait3A_266 = arith.constant 0 : i32
    %dma_wait3A_267 = tpu.memref_slice %arg7[%dma_wait3A_261, %dma_wait3A_266] : memref<250x80xi32, #tpu.memory_space<vmem>> -> memref<1x80xi32, #tpu.memory_space<vmem>>
    %dma_wait3A_268 = tpu.memref_squeeze %dma_wait3A_267 : memref<1x80xi32, #tpu.memory_space<vmem>> -> memref<80xi32, #tpu.memory_space<vmem>>
    %dma_wait3A_269 = arith.constant 0 : i32
    %dma_wait3A_270 = arith.constant 0 : i32
    %dma_wait3A_271 = tpu.memref_slice %arg10[%dma_wait3A_269, %dma_wait3A_270] : memref<10000x64xf32, #tpu.memory_space<vmem_shared>> -> memref<10000x64xf32, #tpu.memory_space<vmem_shared>>
    tpu.wait_indirect_dma semaphore(%arg18 : memref<!tpu.dma_semaphore, #tpu.memory_space<semaphore_mem>>) src(%dma_wait3A_265 : memref<80x64xf32, #tpu.memory_space<vmem>>) dst(%dma_wait3A_271 : memref<10000x64xf32, #tpu.memory_space<vmem_shared>>)
    %dma_wait3A_272 = arith.constant 2 : i32
    %dma_wait3A_273 = arith.constant 0 : i32
    %dma_wait3A_274 = arith.constant 0 : i32
    %dma_wait3A_275 = arith.constant 0 : i32
    %dma_wait3A_276 = tpu.memref_slice %arg8[%dma_wait3A_272, %dma_wait3A_274, %dma_wait3A_275] : memref<5x80x64xf32, #tpu.memory_space<vmem>> -> memref<1x80x64xf32, #tpu.memory_space<vmem>>
    %dma_wait3A_277 = tpu.memref_squeeze %dma_wait3A_276 : memref<1x80x64xf32, #tpu.memory_space<vmem>> -> memref<80x64xf32, #tpu.memory_space<vmem>>
    %dma_wait3A_278 = arith.constant 0 : i32
    %dma_wait3A_279 = tpu.memref_slice %arg7[%dma_wait3A_273, %dma_wait3A_278] : memref<250x80xi32, #tpu.memory_space<vmem>> -> memref<1x80xi32, #tpu.memory_space<vmem>>
    %dma_wait3A_280 = tpu.memref_squeeze %dma_wait3A_279 : memref<1x80xi32, #tpu.memory_space<vmem>> -> memref<80xi32, #tpu.memory_space<vmem>>
    %dma_wait3A_281 = arith.constant 0 : i32
    %dma_wait3A_282 = arith.constant 0 : i32
    %dma_wait3A_283 = tpu.memref_slice %arg10[%dma_wait3A_281, %dma_wait3A_282] : memref<10000x64xf32, #tpu.memory_space<vmem_shared>> -> memref<10000x64xf32, #tpu.memory_space<vmem_shared>>
    tpu.wait_indirect_dma semaphore(%arg19 : memref<!tpu.dma_semaphore, #tpu.memory_space<semaphore_mem>>) src(%dma_wait3A_277 : memref<80x64xf32, #tpu.memory_space<vmem>>) dst(%dma_wait3A_283 : memref<10000x64xf32, #tpu.memory_space<vmem_shared>>)
    %dma_wait3A_284 = arith.constant 3 : i32
    %dma_wait3A_285 = arith.constant 0 : i32
    %dma_wait3A_286 = arith.constant 0 : i32
    %dma_wait3A_287 = arith.constant 0 : i32
    %dma_wait3A_288 = tpu.memref_slice %arg8[%dma_wait3A_284, %dma_wait3A_286, %dma_wait3A_287] : memref<5x80x64xf32, #tpu.memory_space<vmem>> -> memref<1x80x64xf32, #tpu.memory_space<vmem>>
    %dma_wait3A_289 = tpu.memref_squeeze %dma_wait3A_288 : memref<1x80x64xf32, #tpu.memory_space<vmem>> -> memref<80x64xf32, #tpu.memory_space<vmem>>
    %dma_wait3A_290 = arith.constant 0 : i32
    %dma_wait3A_291 = tpu.memref_slice %arg7[%dma_wait3A_285, %dma_wait3A_290] : memref<250x80xi32, #tpu.memory_space<vmem>> -> memref<1x80xi32, #tpu.memory_space<vmem>>
    %dma_wait3A_292 = tpu.memref_squeeze %dma_wait3A_291 : memref<1x80xi32, #tpu.memory_space<vmem>> -> memref<80xi32, #tpu.memory_space<vmem>>
    %dma_wait3A_293 = arith.constant 0 : i32
    %dma_wait3A_294 = arith.constant 0 : i32
    %dma_wait3A_295 = tpu.memref_slice %arg10[%dma_wait3A_293, %dma_wait3A_294] : memref<10000x64xf32, #tpu.memory_space<vmem_shared>> -> memref<10000x64xf32, #tpu.memory_space<vmem_shared>>
    tpu.wait_indirect_dma semaphore(%arg20 : memref<!tpu.dma_semaphore, #tpu.memory_space<semaphore_mem>>) src(%dma_wait3A_289 : memref<80x64xf32, #tpu.memory_space<vmem>>) dst(%dma_wait3A_295 : memref<10000x64xf32, #tpu.memory_space<vmem_shared>>)
    %dma_wait3A_296 = arith.constant 4 : i32
    %dma_wait3A_297 = arith.constant 0 : i32
    %dma_wait3A_298 = arith.constant 0 : i32
    %dma_wait3A_299 = arith.constant 0 : i32
    %dma_wait3A_300 = tpu.memref_slice %arg8[%dma_wait3A_296, %dma_wait3A_298, %dma_wait3A_299] : memref<5x80x64xf32, #tpu.memory_space<vmem>> -> memref<1x80x64xf32, #tpu.memory_space<vmem>>
    %dma_wait3A_301 = tpu.memref_squeeze %dma_wait3A_300 : memref<1x80x64xf32, #tpu.memory_space<vmem>> -> memref<80x64xf32, #tpu.memory_space<vmem>>
    %dma_wait3A_302 = arith.constant 0 : i32
    %dma_wait3A_303 = tpu.memref_slice %arg7[%dma_wait3A_297, %dma_wait3A_302] : memref<250x80xi32, #tpu.memory_space<vmem>> -> memref<1x80xi32, #tpu.memory_space<vmem>>
    %dma_wait3A_304 = tpu.memref_squeeze %dma_wait3A_303 : memref<1x80xi32, #tpu.memory_space<vmem>> -> memref<80xi32, #tpu.memory_space<vmem>>
    %dma_wait3A_305 = arith.constant 0 : i32
    %dma_wait3A_306 = arith.constant 0 : i32
    %dma_wait3A_307 = tpu.memref_slice %arg10[%dma_wait3A_305, %dma_wait3A_306] : memref<10000x64xf32, #tpu.memory_space<vmem_shared>> -> memref<10000x64xf32, #tpu.memory_space<vmem_shared>>
    tpu.wait_indirect_dma semaphore(%arg21 : memref<!tpu.dma_semaphore, #tpu.memory_space<semaphore_mem>>) src(%dma_wait3A_301 : memref<80x64xf32, #tpu.memory_space<vmem>>) dst(%dma_wait3A_307 : memref<10000x64xf32, #tpu.memory_space<vmem_shared>>)
    %barrier3A_308 = arith.constant 0 : index
    tpu.barrier barrier_id(%barrier3A_308)
    %mul3A_309 = arith.constant 625 : i32
    %mul3A_310 = arith.muli %arg1, %mul3A_309 : i32
    %mul3A_311 = arith.constant 625 : i32
    %mul3A_312 = arith.muli %arg1, %mul3A_311 : i32
    "tpu.region"() ({
      %run_scoped3A = tpu.sem_alloc : memref<!tpu.dma_semaphore, #tpu.memory_space<semaphore_mem>>
      %dma_start3A_313 = arith.constant 0 : i32
      %dma_start3A_314 = tpu.memref_slice %arg5[%arg0, %mul3A_312, %dma_start3A_313] : memref<2x10000x64xf32, #tpu.memory_space<hbm>> -> memref<1x625x64xf32, #tpu.memory_space<hbm>>
      %dma_start3A_315 = tpu.memref_squeeze %dma_start3A_314 : memref<1x625x64xf32, #tpu.memory_space<hbm>> -> memref<625x64xf32, #tpu.memory_space<hbm>>
      %dma_start3A_316 = arith.constant 0 : i32
      %dma_start3A_317 = tpu.memref_slice %arg10[%mul3A_310, %dma_start3A_316] : memref<10000x64xf32, #tpu.memory_space<vmem_shared>> -> memref<625x64xf32, #tpu.memory_space<vmem_shared>>
      tpu.enqueue_dma source(%dma_start3A_317 : memref<625x64xf32, #tpu.memory_space<vmem_shared>>) target(%dma_start3A_315 : memref<625x64xf32, #tpu.memory_space<hbm>>) target_semaphore(%run_scoped3A : memref<!tpu.dma_semaphore, #tpu.memory_space<semaphore_mem>>)
      %dma_wait3A_318 = arith.constant 0 : i32
      %dma_wait3A_319 = tpu.memref_slice %arg5[%arg0, %mul3A_312, %dma_wait3A_318] : memref<2x10000x64xf32, #tpu.memory_space<hbm>> -> memref<1x625x64xf32, #tpu.memory_space<hbm>>
      %dma_wait3A_320 = tpu.memref_squeeze %dma_wait3A_319 : memref<1x625x64xf32, #tpu.memory_space<hbm>> -> memref<625x64xf32, #tpu.memory_space<hbm>>
      %dma_wait3A_321 = arith.constant 0 : i32
      %dma_wait3A_322 = tpu.memref_slice %arg10[%mul3A_310, %dma_wait3A_321] : memref<10000x64xf32, #tpu.memory_space<vmem_shared>> -> memref<625x64xf32, #tpu.memory_space<vmem_shared>>
      tpu.wait_dma2 semaphore(%run_scoped3A : memref<!tpu.dma_semaphore, #tpu.memory_space<semaphore_mem>>) src(%dma_wait3A_322 : memref<625x64xf32, #tpu.memory_space<vmem_shared>>) dst(%dma_wait3A_320 : memref<625x64xf32, #tpu.memory_space<hbm>>)
      tpu.yield
    }) : () -> ()
    return
  }
}

#map = affine_map<(d0, d1) -> (0, 0, 0)>
module attributes {stable_mosaic.version = 14 : i64} {
  func.func @_sc_count_body(%arg0: i32, %arg1: i32, %arg2: memref<32x125x80xi32, #tpu.memory_space<hbm>>, %arg3: memref<2x10000x16xf32, #tpu.memory_space<hbm>>, %arg4: memref<125x80xi32, #tpu.memory_space<vmem>>, %arg5: memref<80x16xf32, #tpu.memory_space<vmem>>, %arg6: memref<625x16xf32, #tpu.memory_space<vmem>>, %arg7: memref<10000x16xf32, #tpu.memory_space<vmem_shared>>, %arg8: memref<!tpu.dma_semaphore, #tpu.memory_space<semaphore_mem>>) attributes {dimension_semantics = [#tpu.dimension_semantics<core_parallel>, #tpu.dimension_semantics<subcore_parallel>], iteration_bounds = array<i64: 2, 16>, scalar_prefetch = 0 : i64, scratch_operands = 5 : i64, tpu.core_type = #tpu.core_type<sc_vector_subcore>, window_params = [{transform_indices = #map}, {transform_indices = #map}]} {
    %mul3A = arith.constant 16 : i32
    %mul3A_0 = arith.muli %arg0, %mul3A : i32
    %add3A = arith.addi %mul3A_0, %arg1 : i32
    %dma_start3A = arith.constant 0 : i32
    %dma_start3A_1 = arith.constant 0 : i32
    %dma_start3A_2 = tpu.memref_slice %arg2[%add3A, %dma_start3A, %dma_start3A_1] : memref<32x125x80xi32, #tpu.memory_space<hbm>> -> memref<1x125x80xi32, #tpu.memory_space<hbm>>
    %dma_start3A_3 = tpu.memref_squeeze %dma_start3A_2 : memref<1x125x80xi32, #tpu.memory_space<hbm>> -> memref<125x80xi32, #tpu.memory_space<hbm>>
    %dma_start3A_4 = arith.constant 0 : i32
    %dma_start3A_5 = arith.constant 0 : i32
    %dma_start3A_6 = tpu.memref_slice %arg2[%add3A, %dma_start3A_4, %dma_start3A_5] : memref<32x125x80xi32, #tpu.memory_space<hbm>> -> memref<1x125x80xi32, #tpu.memory_space<hbm>>
    %dma_start3A_7 = tpu.memref_squeeze %dma_start3A_6 : memref<1x125x80xi32, #tpu.memory_space<hbm>> -> memref<125x80xi32, #tpu.memory_space<hbm>>
    tpu.enqueue_dma source(%dma_start3A_7 : memref<125x80xi32, #tpu.memory_space<hbm>>) target(%arg4 : memref<125x80xi32, #tpu.memory_space<vmem>>) target_semaphore(%arg8 : memref<!tpu.dma_semaphore, #tpu.memory_space<semaphore_mem>>)
    %broadcast_in_dim3A = arith.constant 0.000000e+00 : f32
    %broadcast_in_dim3A_8 = vector.broadcast %broadcast_in_dim3A : f32 to vector<16xf32>
    %broadcast_in_dim3A_9 = arith.constant 1.000000e+00 : f32
    %broadcast_in_dim3A_10 = vector.broadcast %broadcast_in_dim3A_9 : f32 to vector<16xf32>
    %scan3A = arith.constant 0 : i32
    %scan3A_11 = arith.constant 0 : i32
    %scan3A_12 = arith.constant 80 : i32
    %scan3A_13 = arith.addi %scan3A_11, %scan3A_12 : i32
    %scan3A_14 = arith.constant 1 : i32
    scf.for %scan3A_42 = %scan3A_11 to %scan3A_13 step %scan3A_14  : i32 {
      %swap3A = arith.index_cast %scan3A_42 : i32 to index
      %swap3A_43 = arith.constant 0 : index
      %swap3A_44 = tpu.vector_load %arg5[%swap3A, %swap3A_43] {strides = array<i32>} : memref<80x16xf32, #tpu.memory_space<vmem>>, vector<1x16xf32>,
      %swap3A_45 = vector.shape_cast %swap3A_44 : vector<1x16xf32> to vector<16xf32>
      %swap3A_46 = vector.shape_cast %broadcast_in_dim3A_10 : vector<16xf32> to vector<1x16xf32>
      tpu.vector_store %arg5[%swap3A, %swap3A_43], %swap3A_46 {strides = array<i32>} : memref<80x16xf32, #tpu.memory_space<vmem>>, vector<1x16xf32>,
    }
    %scan3A_15 = arith.constant 80 : i32
    %scan3A_16 = arith.constant 0 : i32
    %scan3A_17 = arith.constant 0 : i32
    %scan3A_18 = arith.constant 625 : i32
    %scan3A_19 = arith.addi %scan3A_17, %scan3A_18 : i32
    %scan3A_20 = arith.constant 1 : i32
    scf.for %scan3A_42 = %scan3A_17 to %scan3A_19 step %scan3A_20  : i32 {
      %swap3A = arith.index_cast %scan3A_42 : i32 to index
      %swap3A_43 = arith.constant 0 : index
      %swap3A_44 = tpu.vector_load %arg6[%swap3A, %swap3A_43] {strides = array<i32>} : memref<625x16xf32, #tpu.memory_space<vmem>>, vector<1x16xf32>,
      %swap3A_45 = vector.shape_cast %swap3A_44 : vector<1x16xf32> to vector<16xf32>
      %swap3A_46 = vector.shape_cast %broadcast_in_dim3A_8 : vector<16xf32> to vector<1x16xf32>
      tpu.vector_store %arg6[%swap3A, %swap3A_43], %swap3A_46 {strides = array<i32>} : memref<625x16xf32, #tpu.memory_space<vmem>>, vector<1x16xf32>,
    }
    %scan3A_21 = arith.constant 625 : i32
    %mul3A_22 = arith.constant 625 : i32
    %mul3A_23 = arith.muli %arg1, %mul3A_22 : i32
    "tpu.region"() ({
      %run_scoped3A = tpu.sem_alloc : memref<!tpu.dma_semaphore, #tpu.memory_space<semaphore_mem>>
      %dma_start3A_42 = arith.constant 0 : i32
      %dma_start3A_43 = tpu.memref_slice %arg7[%mul3A_23, %dma_start3A_42] : memref<10000x16xf32, #tpu.memory_space<vmem_shared>> -> memref<625x16xf32, #tpu.memory_space<vmem_shared>>
      %dma_start3A_44 = arith.constant 0 : i32
      %dma_start3A_45 = tpu.memref_slice %arg7[%mul3A_23, %dma_start3A_44] : memref<10000x16xf32, #tpu.memory_space<vmem_shared>> -> memref<625x16xf32, #tpu.memory_space<vmem_shared>>
      tpu.enqueue_dma source(%arg6 : memref<625x16xf32, #tpu.memory_space<vmem>>) target(%dma_start3A_45 : memref<625x16xf32, #tpu.memory_space<vmem_shared>>) target_semaphore(%run_scoped3A : memref<!tpu.dma_semaphore, #tpu.memory_space<semaphore_mem>>)
      %dma_wait3A_46 = arith.constant 0 : i32
      %dma_wait3A_47 = tpu.memref_slice %arg7[%mul3A_23, %dma_wait3A_46] : memref<10000x16xf32, #tpu.memory_space<vmem_shared>> -> memref<625x16xf32, #tpu.memory_space<vmem_shared>>
      %dma_wait3A_48 = arith.constant 0 : i32
      %dma_wait3A_49 = tpu.memref_slice %arg7[%mul3A_23, %dma_wait3A_48] : memref<10000x16xf32, #tpu.memory_space<vmem_shared>> -> memref<625x16xf32, #tpu.memory_space<vmem_shared>>
      tpu.wait_dma2 semaphore(%run_scoped3A : memref<!tpu.dma_semaphore, #tpu.memory_space<semaphore_mem>>) src(%arg6 : memref<625x16xf32, #tpu.memory_space<vmem>>) dst(%dma_wait3A_49 : memref<625x16xf32, #tpu.memory_space<vmem_shared>>)
      tpu.yield
    }) : () -> ()
    %dma_wait3A = arith.constant 0 : i32
    %dma_wait3A_24 = arith.constant 0 : i32
    %dma_wait3A_25 = tpu.memref_slice %arg2[%add3A, %dma_wait3A, %dma_wait3A_24] : memref<32x125x80xi32, #tpu.memory_space<hbm>> -> memref<1x125x80xi32, #tpu.memory_space<hbm>>
    %dma_wait3A_26 = tpu.memref_squeeze %dma_wait3A_25 : memref<1x125x80xi32, #tpu.memory_space<hbm>> -> memref<125x80xi32, #tpu.memory_space<hbm>>
    %dma_wait3A_27 = arith.constant 0 : i32
    %dma_wait3A_28 = arith.constant 0 : i32
    %dma_wait3A_29 = tpu.memref_slice %arg2[%add3A, %dma_wait3A_27, %dma_wait3A_28] : memref<32x125x80xi32, #tpu.memory_space<hbm>> -> memref<1x125x80xi32, #tpu.memory_space<hbm>>
    %dma_wait3A_30 = tpu.memref_squeeze %dma_wait3A_29 : memref<1x125x80xi32, #tpu.memory_space<hbm>> -> memref<125x80xi32, #tpu.memory_space<hbm>>
    tpu.wait_dma2 semaphore(%arg8 : memref<!tpu.dma_semaphore, #tpu.memory_space<semaphore_mem>>) src(%dma_wait3A_30 : memref<125x80xi32, #tpu.memory_space<hbm>>) dst(%arg4 : memref<125x80xi32, #tpu.memory_space<vmem>>)
    %barrier3A = arith.constant 0 : index
    tpu.barrier barrier_id(%barrier3A)
    %scan3A_31 = arith.constant 0 : i32
    %scan3A_32 = arith.constant 0 : i32
    %scan3A_33 = arith.constant 25 : i32
    %scan3A_34 = arith.addi %scan3A_32, %scan3A_33 : i32
    %scan3A_35 = arith.constant 1 : i32
    scf.for %scan3A_42 = %scan3A_32 to %scan3A_34 step %scan3A_35  : i32 {
      %mul3A_43 = arith.constant 5 : i32
      %mul3A_44 = arith.muli %scan3A_42, %mul3A_43 : i32
      %add3A_45 = arith.constant 0 : i32
      %add3A_46 = arith.addi %mul3A_44, %add3A_45 : i32
      %dma_start3A_47 = arith.constant 0 : i32
      %dma_start3A_48 = tpu.memref_slice %arg4[%add3A_46, %dma_start3A_47] : memref<125x80xi32, #tpu.memory_space<vmem>> -> memref<1x80xi32, #tpu.memory_space<vmem>>
      %dma_start3A_49 = tpu.memref_squeeze %dma_start3A_48 : memref<1x80xi32, #tpu.memory_space<vmem>> -> memref<80xi32, #tpu.memory_space<vmem>>
      %dma_start3A_50 = arith.constant 0 : i32
      %dma_start3A_51 = arith.constant 0 : i32
      %dma_start3A_52 = tpu.memref_slice %arg7[%dma_start3A_50, %dma_start3A_51] : memref<10000x16xf32, #tpu.memory_space<vmem_shared>> -> memref<10000x16xf32, #tpu.memory_space<vmem_shared>>
      tpu.enqueue_indirect_dma source(%arg5 : memref<80x16xf32, #tpu.memory_space<vmem>>) target(%dma_start3A_52 : memref<10000x16xf32, #tpu.memory_space<vmem_shared>>) offsets(%dma_start3A_49 : memref<80xi32, #tpu.memory_space<vmem>>) semaphore(%arg8 : memref<!tpu.dma_semaphore, #tpu.memory_space<semaphore_mem>>) {add = true}
      %mul3A_53 = arith.constant 5 : i32
      %mul3A_54 = arith.muli %scan3A_42, %mul3A_53 : i32
      %add3A_55 = arith.constant 1 : i32
      %add3A_56 = arith.addi %mul3A_54, %add3A_55 : i32
      %dma_start3A_57 = arith.constant 0 : i32
      %dma_start3A_58 = tpu.memref_slice %arg4[%add3A_56, %dma_start3A_57] : memref<125x80xi32, #tpu.memory_space<vmem>> -> memref<1x80xi32, #tpu.memory_space<vmem>>
      %dma_start3A_59 = tpu.memref_squeeze %dma_start3A_58 : memref<1x80xi32, #tpu.memory_space<vmem>> -> memref<80xi32, #tpu.memory_space<vmem>>
      %dma_start3A_60 = arith.constant 0 : i32
      %dma_start3A_61 = arith.constant 0 : i32
      %dma_start3A_62 = tpu.memref_slice %arg7[%dma_start3A_60, %dma_start3A_61] : memref<10000x16xf32, #tpu.memory_space<vmem_shared>> -> memref<10000x16xf32, #tpu.memory_space<vmem_shared>>
      tpu.enqueue_indirect_dma source(%arg5 : memref<80x16xf32, #tpu.memory_space<vmem>>) target(%dma_start3A_62 : memref<10000x16xf32, #tpu.memory_space<vmem_shared>>) offsets(%dma_start3A_59 : memref<80xi32, #tpu.memory_space<vmem>>) semaphore(%arg8 : memref<!tpu.dma_semaphore, #tpu.memory_space<semaphore_mem>>) {add = true}
      %mul3A_63 = arith.constant 5 : i32
      %mul3A_64 = arith.muli %scan3A_42, %mul3A_63 : i32
      %add3A_65 = arith.constant 2 : i32
      %add3A_66 = arith.addi %mul3A_64, %add3A_65 : i32
      %dma_start3A_67 = arith.constant 0 : i32
      %dma_start3A_68 = tpu.memref_slice %arg4[%add3A_66, %dma_start3A_67] : memref<125x80xi32, #tpu.memory_space<vmem>> -> memref<1x80xi32, #tpu.memory_space<vmem>>
      %dma_start3A_69 = tpu.memref_squeeze %dma_start3A_68 : memref<1x80xi32, #tpu.memory_space<vmem>> -> memref<80xi32, #tpu.memory_space<vmem>>
      %dma_start3A_70 = arith.constant 0 : i32
      %dma_start3A_71 = arith.constant 0 : i32
      %dma_start3A_72 = tpu.memref_slice %arg7[%dma_start3A_70, %dma_start3A_71] : memref<10000x16xf32, #tpu.memory_space<vmem_shared>> -> memref<10000x16xf32, #tpu.memory_space<vmem_shared>>
      tpu.enqueue_indirect_dma source(%arg5 : memref<80x16xf32, #tpu.memory_space<vmem>>) target(%dma_start3A_72 : memref<10000x16xf32, #tpu.memory_space<vmem_shared>>) offsets(%dma_start3A_69 : memref<80xi32, #tpu.memory_space<vmem>>) semaphore(%arg8 : memref<!tpu.dma_semaphore, #tpu.memory_space<semaphore_mem>>) {add = true}
      %mul3A_73 = arith.constant 5 : i32
      %mul3A_74 = arith.muli %scan3A_42, %mul3A_73 : i32
      %add3A_75 = arith.constant 3 : i32
      %add3A_76 = arith.addi %mul3A_74, %add3A_75 : i32
      %dma_start3A_77 = arith.constant 0 : i32
      %dma_start3A_78 = tpu.memref_slice %arg4[%add3A_76, %dma_start3A_77] : memref<125x80xi32, #tpu.memory_space<vmem>> -> memref<1x80xi32, #tpu.memory_space<vmem>>
      %dma_start3A_79 = tpu.memref_squeeze %dma_start3A_78 : memref<1x80xi32, #tpu.memory_space<vmem>> -> memref<80xi32, #tpu.memory_space<vmem>>
      %dma_start3A_80 = arith.constant 0 : i32
      %dma_start3A_81 = arith.constant 0 : i32
      %dma_start3A_82 = tpu.memref_slice %arg7[%dma_start3A_80, %dma_start3A_81] : memref<10000x16xf32, #tpu.memory_space<vmem_shared>> -> memref<10000x16xf32, #tpu.memory_space<vmem_shared>>
      tpu.enqueue_indirect_dma source(%arg5 : memref<80x16xf32, #tpu.memory_space<vmem>>) target(%dma_start3A_82 : memref<10000x16xf32, #tpu.memory_space<vmem_shared>>) offsets(%dma_start3A_79 : memref<80xi32, #tpu.memory_space<vmem>>) semaphore(%arg8 : memref<!tpu.dma_semaphore, #tpu.memory_space<semaphore_mem>>) {add = true}
      %mul3A_83 = arith.constant 5 : i32
      %mul3A_84 = arith.muli %scan3A_42, %mul3A_83 : i32
      %add3A_85 = arith.constant 4 : i32
      %add3A_86 = arith.addi %mul3A_84, %add3A_85 : i32
      %dma_start3A_87 = arith.constant 0 : i32
      %dma_start3A_88 = tpu.memref_slice %arg4[%add3A_86, %dma_start3A_87] : memref<125x80xi32, #tpu.memory_space<vmem>> -> memref<1x80xi32, #tpu.memory_space<vmem>>
      %dma_start3A_89 = tpu.memref_squeeze %dma_start3A_88 : memref<1x80xi32, #tpu.memory_space<vmem>> -> memref<80xi32, #tpu.memory_space<vmem>>
      %dma_start3A_90 = arith.constant 0 : i32
      %dma_start3A_91 = arith.constant 0 : i32
      %dma_start3A_92 = tpu.memref_slice %arg7[%dma_start3A_90, %dma_start3A_91] : memref<10000x16xf32, #tpu.memory_space<vmem_shared>> -> memref<10000x16xf32, #tpu.memory_space<vmem_shared>>
      tpu.enqueue_indirect_dma source(%arg5 : memref<80x16xf32, #tpu.memory_space<vmem>>) target(%dma_start3A_92 : memref<10000x16xf32, #tpu.memory_space<vmem_shared>>) offsets(%dma_start3A_89 : memref<80xi32, #tpu.memory_space<vmem>>) semaphore(%arg8 : memref<!tpu.dma_semaphore, #tpu.memory_space<semaphore_mem>>) {add = true}
      %dma_wait3A_93 = arith.constant 0 : i32
      %dma_wait3A_94 = arith.constant 0 : i32
      %dma_wait3A_95 = tpu.memref_slice %arg4[%dma_wait3A_93, %dma_wait3A_94] : memref<125x80xi32, #tpu.memory_space<vmem>> -> memref<1x80xi32, #tpu.memory_space<vmem>>
      %dma_wait3A_96 = tpu.memref_squeeze %dma_wait3A_95 : memref<1x80xi32, #tpu.memory_space<vmem>> -> memref<80xi32, #tpu.memory_space<vmem>>
      %dma_wait3A_97 = arith.constant 0 : i32
      %dma_wait3A_98 = arith.constant 0 : i32
      %dma_wait3A_99 = tpu.memref_slice %arg7[%dma_wait3A_97, %dma_wait3A_98] : memref<10000x16xf32, #tpu.memory_space<vmem_shared>> -> memref<10000x16xf32, #tpu.memory_space<vmem_shared>>
      tpu.wait_indirect_dma semaphore(%arg8 : memref<!tpu.dma_semaphore, #tpu.memory_space<semaphore_mem>>) src(%arg5 : memref<80x16xf32, #tpu.memory_space<vmem>>) dst(%dma_wait3A_99 : memref<10000x16xf32, #tpu.memory_space<vmem_shared>>)
      %dma_wait3A_100 = arith.constant 0 : i32
      %dma_wait3A_101 = arith.constant 0 : i32
      %dma_wait3A_102 = tpu.memref_slice %arg4[%dma_wait3A_100, %dma_wait3A_101] : memref<125x80xi32, #tpu.memory_space<vmem>> -> memref<1x80xi32, #tpu.memory_space<vmem>>
      %dma_wait3A_103 = tpu.memref_squeeze %dma_wait3A_102 : memref<1x80xi32, #tpu.memory_space<vmem>> -> memref<80xi32, #tpu.memory_space<vmem>>
      %dma_wait3A_104 = arith.constant 0 : i32
      %dma_wait3A_105 = arith.constant 0 : i32
      %dma_wait3A_106 = tpu.memref_slice %arg7[%dma_wait3A_104, %dma_wait3A_105] : memref<10000x16xf32, #tpu.memory_space<vmem_shared>> -> memref<10000x16xf32, #tpu.memory_space<vmem_shared>>
      tpu.wait_indirect_dma semaphore(%arg8 : memref<!tpu.dma_semaphore, #tpu.memory_space<semaphore_mem>>) src(%arg5 : memref<80x16xf32, #tpu.memory_space<vmem>>) dst(%dma_wait3A_106 : memref<10000x16xf32, #tpu.memory_space<vmem_shared>>)
      %dma_wait3A_107 = arith.constant 0 : i32
      %dma_wait3A_108 = arith.constant 0 : i32
      %dma_wait3A_109 = tpu.memref_slice %arg4[%dma_wait3A_107, %dma_wait3A_108] : memref<125x80xi32, #tpu.memory_space<vmem>> -> memref<1x80xi32, #tpu.memory_space<vmem>>
      %dma_wait3A_110 = tpu.memref_squeeze %dma_wait3A_109 : memref<1x80xi32, #tpu.memory_space<vmem>> -> memref<80xi32, #tpu.memory_space<vmem>>
      %dma_wait3A_111 = arith.constant 0 : i32
      %dma_wait3A_112 = arith.constant 0 : i32
      %dma_wait3A_113 = tpu.memref_slice %arg7[%dma_wait3A_111, %dma_wait3A_112] : memref<10000x16xf32, #tpu.memory_space<vmem_shared>> -> memref<10000x16xf32, #tpu.memory_space<vmem_shared>>
      tpu.wait_indirect_dma semaphore(%arg8 : memref<!tpu.dma_semaphore, #tpu.memory_space<semaphore_mem>>) src(%arg5 : memref<80x16xf32, #tpu.memory_space<vmem>>) dst(%dma_wait3A_113 : memref<10000x16xf32, #tpu.memory_space<vmem_shared>>)
      %dma_wait3A_114 = arith.constant 0 : i32
      %dma_wait3A_115 = arith.constant 0 : i32
      %dma_wait3A_116 = tpu.memref_slice %arg4[%dma_wait3A_114, %dma_wait3A_115] : memref<125x80xi32, #tpu.memory_space<vmem>> -> memref<1x80xi32, #tpu.memory_space<vmem>>
      %dma_wait3A_117 = tpu.memref_squeeze %dma_wait3A_116 : memref<1x80xi32, #tpu.memory_space<vmem>> -> memref<80xi32, #tpu.memory_space<vmem>>
      %dma_wait3A_118 = arith.constant 0 : i32
      %dma_wait3A_119 = arith.constant 0 : i32
      %dma_wait3A_120 = tpu.memref_slice %arg7[%dma_wait3A_118, %dma_wait3A_119] : memref<10000x16xf32, #tpu.memory_space<vmem_shared>> -> memref<10000x16xf32, #tpu.memory_space<vmem_shared>>
      tpu.wait_indirect_dma semaphore(%arg8 : memref<!tpu.dma_semaphore, #tpu.memory_space<semaphore_mem>>) src(%arg5 : memref<80x16xf32, #tpu.memory_space<vmem>>) dst(%dma_wait3A_120 : memref<10000x16xf32, #tpu.memory_space<vmem_shared>>)
      %dma_wait3A_121 = arith.constant 0 : i32
      %dma_wait3A_122 = arith.constant 0 : i32
      %dma_wait3A_123 = tpu.memref_slice %arg4[%dma_wait3A_121, %dma_wait3A_122] : memref<125x80xi32, #tpu.memory_space<vmem>> -> memref<1x80xi32, #tpu.memory_space<vmem>>
      %dma_wait3A_124 = tpu.memref_squeeze %dma_wait3A_123 : memref<1x80xi32, #tpu.memory_space<vmem>> -> memref<80xi32, #tpu.memory_space<vmem>>
      %dma_wait3A_125 = arith.constant 0 : i32
      %dma_wait3A_126 = arith.constant 0 : i32
      %dma_wait3A_127 = tpu.memref_slice %arg7[%dma_wait3A_125, %dma_wait3A_126] : memref<10000x16xf32, #tpu.memory_space<vmem_shared>> -> memref<10000x16xf32, #tpu.memory_space<vmem_shared>>
      tpu.wait_indirect_dma semaphore(%arg8 : memref<!tpu.dma_semaphore, #tpu.memory_space<semaphore_mem>>) src(%arg5 : memref<80x16xf32, #tpu.memory_space<vmem>>) dst(%dma_wait3A_127 : memref<10000x16xf32, #tpu.memory_space<vmem_shared>>)
    }
    %scan3A_36 = arith.constant 25 : i32
    %barrier3A_37 = arith.constant 0 : index
    tpu.barrier barrier_id(%barrier3A_37)
    %mul3A_38 = arith.constant 625 : i32
    %mul3A_39 = arith.muli %arg1, %mul3A_38 : i32
    %mul3A_40 = arith.constant 625 : i32
    %mul3A_41 = arith.muli %arg1, %mul3A_40 : i32
    "tpu.region"() ({
      %run_scoped3A = tpu.sem_alloc : memref<!tpu.dma_semaphore, #tpu.memory_space<semaphore_mem>>
      %dma_start3A_42 = arith.constant 0 : i32
      %dma_start3A_43 = tpu.memref_slice %arg3[%arg0, %mul3A_41, %dma_start3A_42] : memref<2x10000x16xf32, #tpu.memory_space<hbm>> -> memref<1x625x16xf32, #tpu.memory_space<hbm>>
      %dma_start3A_44 = tpu.memref_squeeze %dma_start3A_43 : memref<1x625x16xf32, #tpu.memory_space<hbm>> -> memref<625x16xf32, #tpu.memory_space<hbm>>
      %dma_start3A_45 = arith.constant 0 : i32
      %dma_start3A_46 = tpu.memref_slice %arg7[%mul3A_39, %dma_start3A_45] : memref<10000x16xf32, #tpu.memory_space<vmem_shared>> -> memref<625x16xf32, #tpu.memory_space<vmem_shared>>
      tpu.enqueue_dma source(%dma_start3A_46 : memref<625x16xf32, #tpu.memory_space<vmem_shared>>) target(%dma_start3A_44 : memref<625x16xf32, #tpu.memory_space<hbm>>) target_semaphore(%run_scoped3A : memref<!tpu.dma_semaphore, #tpu.memory_space<semaphore_mem>>)
      %dma_wait3A_47 = arith.constant 0 : i32
      %dma_wait3A_48 = tpu.memref_slice %arg3[%arg0, %mul3A_41, %dma_wait3A_47] : memref<2x10000x16xf32, #tpu.memory_space<hbm>> -> memref<1x625x16xf32, #tpu.memory_space<hbm>>
      %dma_wait3A_49 = tpu.memref_squeeze %dma_wait3A_48 : memref<1x625x16xf32, #tpu.memory_space<hbm>> -> memref<625x16xf32, #tpu.memory_space<hbm>>
      %dma_wait3A_50 = arith.constant 0 : i32
      %dma_wait3A_51 = tpu.memref_slice %arg7[%mul3A_39, %dma_wait3A_50] : memref<10000x16xf32, #tpu.memory_space<vmem_shared>> -> memref<625x16xf32, #tpu.memory_space<vmem_shared>>
      tpu.wait_dma2 semaphore(%run_scoped3A : memref<!tpu.dma_semaphore, #tpu.memory_space<semaphore_mem>>) src(%dma_wait3A_51 : memref<625x16xf32, #tpu.memory_space<vmem_shared>>) dst(%dma_wait3A_49 : memref<625x16xf32, #tpu.memory_space<hbm>>)
      tpu.yield
    }) : () -> ()
    return
  }
}

module attributes {stable_mosaic.version = 14 : i64} {
  func.func @_tc_pre_body(%arg0: memref<10000x128xf32, #tpu.memory_space<vmem>>, %arg1: memref<128x128xf32, #tpu.memory_space<vmem>>, %arg2: memref<1x128xf32, #tpu.memory_space<vmem>>, %arg3: memref<2x10000x64xf32, #tpu.memory_space<vmem>>) attributes {dimension_semantics = [], scalar_prefetch = 0 : i64, scratch_operands = 0 : i64, tpu.core_type = #tpu.core_type<tc>} {
    %get3A = arith.constant 0 : index
    %get3A_0 = arith.constant 0 : index
    %get3A_1 = vector.load %arg0[%get3A, %get3A_0] : memref<10000x128xf32, #tpu.memory_space<vmem>>, vector<10000x128xf32>
    %get3A_2 = arith.constant 0 : index
    %get3A_3 = arith.constant 0 : index
    %get3A_4 = vector.load %arg1[%get3A_2, %get3A_3] : memref<128x128xf32, #tpu.memory_space<vmem>>, vector<128x128xf32>
    %dot_general3A = arith.constant dense<0.000000e+00> : vector<10000x128xf32>
    %dot_general3A_5 = tpu.matmul %get3A_1, %get3A_4, %dot_general3A {dimension_numbers = #tpu.dot_dimension_numbers<[1], [1], [0], [0], [0, 0, 1, 0], [], []>, transpose_lhs_hint = false} : vector<10000x128xf32>, vector<128x128xf32>, vector<10000x128xf32> -> vector<10000x128xf32>
    %get3A_6 = arith.constant 0 : index
    %get3A_7 = arith.constant 0 : index
    %get3A_8 = vector.load %arg2[%get3A_6, %get3A_7] : memref<1x128xf32, #tpu.memory_space<vmem>>, vector<1x128xf32>
    %add3A = vector.broadcast %get3A_8 : vector<1x128xf32> to vector<10000x128xf32>
    %add3A_9 = arith.addf %dot_general3A_5, %add3A : vector<10000x128xf32>
    %slice3A = vector.extract_strided_slice %add3A_9 {offsets = [0, 0], sizes = [10000, 64], strides = [1, 1]} : vector<10000x128xf32> to vector<10000x64xf32>
    %swap3A = arith.constant 0 : index
    %swap3A_10 = arith.constant 0 : index
    %swap3A_11 = arith.constant 0 : index
    %swap3A_12 = vector.load %arg3[%swap3A, %swap3A_10, %swap3A_11] : memref<2x10000x64xf32, #tpu.memory_space<vmem>>, vector<1x10000x64xf32>
    %swap3A_13 = vector.shape_cast %swap3A_12 : vector<1x10000x64xf32> to vector<10000x64xf32>
    %swap3A_14 = vector.shape_cast %slice3A : vector<10000x64xf32> to vector<1x10000x64xf32>
    tpu.vector_store %arg3[%swap3A, %swap3A_10, %swap3A_11], %swap3A_14 {strides = array<i32>} : memref<2x10000x64xf32, #tpu.memory_space<vmem>>, vector<1x10000x64xf32>,
    %slice3A_15 = vector.extract_strided_slice %add3A_9 {offsets = [0, 64], sizes = [10000, 64], strides = [1, 1]} : vector<10000x128xf32> to vector<10000x64xf32>
    %swap3A_16 = arith.constant 1 : index
    %swap3A_17 = arith.constant 0 : index
    %swap3A_18 = arith.constant 0 : index
    %swap3A_19 = vector.load %arg3[%swap3A_16, %swap3A_17, %swap3A_18] : memref<2x10000x64xf32, #tpu.memory_space<vmem>>, vector<1x10000x64xf32>
    %swap3A_20 = vector.shape_cast %swap3A_19 : vector<1x10000x64xf32> to vector<10000x64xf32>
    %swap3A_21 = vector.shape_cast %slice3A_15 : vector<10000x64xf32> to vector<1x10000x64xf32>
    tpu.vector_store %arg3[%swap3A_16, %swap3A_17, %swap3A_18], %swap3A_21 {strides = array<i32>} : memref<2x10000x64xf32, #tpu.memory_space<vmem>>, vector<1x10000x64xf32>,
    return
  }
}

module attributes {stable_mosaic.version = 14 : i64} {
  func.func @_tc_combine_body(%arg0: memref<2x10000x64xf32, #tpu.memory_space<vmem>>, %arg1: memref<2x10000x16xf32, #tpu.memory_space<vmem>>, %arg2: memref<2x10000x64xf32, #tpu.memory_space<vmem>>, %arg3: memref<128x128xf32, #tpu.memory_space<vmem>>, %arg4: memref<1x128xf32, #tpu.memory_space<vmem>>, %arg5: memref<128x128xf32, #tpu.memory_space<vmem>>, %arg6: memref<2x10000x64xf32, #tpu.memory_space<vmem>>) attributes {dimension_semantics = [], scalar_prefetch = 0 : i64, scratch_operands = 0 : i64, tpu.core_type = #tpu.core_type<tc>} {
    %get3A = arith.constant 0 : index
    %get3A_0 = arith.constant 0 : index
    %get3A_1 = arith.constant 0 : index
    %get3A_2 = vector.load %arg0[%get3A, %get3A_0, %get3A_1] : memref<2x10000x64xf32, #tpu.memory_space<vmem>>, vector<1x10000x64xf32>
    %get3A_3 = vector.shape_cast %get3A_2 : vector<1x10000x64xf32> to vector<10000x64xf32>
    %get3A_4 = arith.constant 1 : index
    %get3A_5 = arith.constant 0 : index
    %get3A_6 = arith.constant 0 : index
    %get3A_7 = vector.load %arg0[%get3A_4, %get3A_5, %get3A_6] : memref<2x10000x64xf32, #tpu.memory_space<vmem>>, vector<1x10000x64xf32>
    %get3A_8 = vector.shape_cast %get3A_7 : vector<1x10000x64xf32> to vector<10000x64xf32>
    %concatenate3A = tpu.concatenate %get3A_3, %get3A_8 in 1 : vector<10000x64xf32>, vector<10000x64xf32> -> vector<10000x128xf32>
    %get3A_9 = arith.constant 0 : index
    %get3A_10 = arith.constant 0 : index
    %get3A_11 = arith.constant 0 : index
    %get3A_12 = vector.load %arg1[%get3A_9, %get3A_10, %get3A_11] : memref<2x10000x16xf32, #tpu.memory_space<vmem>>, vector<1x10000x1xf32>
    %get3A_13 = vector.shape_cast %get3A_12 : vector<1x10000x1xf32> to vector<10000x1xf32>
    %get3A_14 = arith.constant 1 : index
    %get3A_15 = arith.constant 0 : index
    %get3A_16 = arith.constant 0 : index
    %get3A_17 = vector.load %arg1[%get3A_14, %get3A_15, %get3A_16] : memref<2x10000x16xf32, #tpu.memory_space<vmem>>, vector<1x10000x1xf32>
    %get3A_18 = vector.shape_cast %get3A_17 : vector<1x10000x1xf32> to vector<10000x1xf32>
    %add3A = arith.addf %get3A_13, %get3A_18 : vector<10000x1xf32>
    %max3A = arith.constant 1.000000e+00 : f32
    %max3A_19 = vector.broadcast %max3A : f32 to vector<10000x1xf32>
    %max3A_20 = arith.maximumf %add3A, %max3A_19 : vector<10000x1xf32>
    %div3A = vector.broadcast %max3A_20 : vector<10000x1xf32> to vector<10000x128xf32>
    %div3A_21 = arith.divf %concatenate3A, %div3A : vector<10000x128xf32>
    %get3A_22 = arith.constant 0 : index
    %get3A_23 = arith.constant 0 : index
    %get3A_24 = arith.constant 0 : index
    %get3A_25 = vector.load %arg2[%get3A_22, %get3A_23, %get3A_24] : memref<2x10000x64xf32, #tpu.memory_space<vmem>>, vector<1x10000x64xf32>
    %get3A_26 = vector.shape_cast %get3A_25 : vector<1x10000x64xf32> to vector<10000x64xf32>
    %get3A_27 = arith.constant 1 : index
    %get3A_28 = arith.constant 0 : index
    %get3A_29 = arith.constant 0 : index
    %get3A_30 = vector.load %arg2[%get3A_27, %get3A_28, %get3A_29] : memref<2x10000x64xf32, #tpu.memory_space<vmem>>, vector<1x10000x64xf32>
    %get3A_31 = vector.shape_cast %get3A_30 : vector<1x10000x64xf32> to vector<10000x64xf32>
    %concatenate3A_32 = tpu.concatenate %get3A_26, %get3A_31 in 1 : vector<10000x64xf32>, vector<10000x64xf32> -> vector<10000x128xf32>
    %get3A_33 = arith.constant 0 : index
    %get3A_34 = arith.constant 0 : index
    %get3A_35 = vector.load %arg3[%get3A_33, %get3A_34] : memref<128x128xf32, #tpu.memory_space<vmem>>, vector<128x128xf32>
    %dot_general3A = arith.constant dense<0.000000e+00> : vector<10000x128xf32>
    %dot_general3A_36 = tpu.matmul %div3A_21, %get3A_35, %dot_general3A {dimension_numbers = #tpu.dot_dimension_numbers<[1], [1], [0], [0], [0, 0, 1, 0], [], []>, transpose_lhs_hint = false} : vector<10000x128xf32>, vector<128x128xf32>, vector<10000x128xf32> -> vector<10000x128xf32>
    %get3A_37 = arith.constant 0 : index
    %get3A_38 = arith.constant 0 : index
    %get3A_39 = vector.load %arg4[%get3A_37, %get3A_38] : memref<1x128xf32, #tpu.memory_space<vmem>>, vector<1x128xf32>
    %add3A_40 = vector.broadcast %get3A_39 : vector<1x128xf32> to vector<10000x128xf32>
    %add3A_41 = arith.addf %dot_general3A_36, %add3A_40 : vector<10000x128xf32>
    %get3A_42 = arith.constant 0 : index
    %get3A_43 = arith.constant 0 : index
    %get3A_44 = vector.load %arg5[%get3A_42, %get3A_43] : memref<128x128xf32, #tpu.memory_space<vmem>>, vector<128x128xf32>
    %dot_general3A_45 = arith.constant dense<0.000000e+00> : vector<10000x128xf32>
    %dot_general3A_46 = tpu.matmul %concatenate3A_32, %get3A_44, %dot_general3A_45 {dimension_numbers = #tpu.dot_dimension_numbers<[1], [1], [0], [0], [0, 0, 1, 0], [], []>, transpose_lhs_hint = false} : vector<10000x128xf32>, vector<128x128xf32>, vector<10000x128xf32> -> vector<10000x128xf32>
    %add3A_47 = arith.addf %add3A_41, %dot_general3A_46 : vector<10000x128xf32>
    %max3A_48 = arith.constant 0.000000e+00 : f32
    %max3A_49 = vector.broadcast %max3A_48 : f32 to vector<10000x128xf32>
    %max3A_50 = arith.maximumf %add3A_47, %max3A_49 : vector<10000x128xf32>
    %slice3A = vector.extract_strided_slice %max3A_50 {offsets = [0, 0], sizes = [10000, 64], strides = [1, 1]} : vector<10000x128xf32> to vector<10000x64xf32>
    %swap3A = arith.constant 0 : index
    %swap3A_51 = arith.constant 0 : index
    %swap3A_52 = arith.constant 0 : index
    %swap3A_53 = vector.load %arg6[%swap3A, %swap3A_51, %swap3A_52] : memref<2x10000x64xf32, #tpu.memory_space<vmem>>, vector<1x10000x64xf32>
    %swap3A_54 = vector.shape_cast %swap3A_53 : vector<1x10000x64xf32> to vector<10000x64xf32>
    %swap3A_55 = vector.shape_cast %slice3A : vector<10000x64xf32> to vector<1x10000x64xf32>
    tpu.vector_store %arg6[%swap3A, %swap3A_51, %swap3A_52], %swap3A_55 {strides = array<i32>} : memref<2x10000x64xf32, #tpu.memory_space<vmem>>, vector<1x10000x64xf32>,
    %slice3A_56 = vector.extract_strided_slice %max3A_50 {offsets = [0, 64], sizes = [10000, 64], strides = [1, 1]} : vector<10000x128xf32> to vector<10000x64xf32>
    %swap3A_57 = arith.constant 1 : index
    %swap3A_58 = arith.constant 0 : index
    %swap3A_59 = arith.constant 0 : index
    %swap3A_60 = vector.load %arg6[%swap3A_57, %swap3A_58, %swap3A_59] : memref<2x10000x64xf32, #tpu.memory_space<vmem>>, vector<1x10000x64xf32>
    %swap3A_61 = vector.shape_cast %swap3A_60 : vector<1x10000x64xf32> to vector<10000x64xf32>
    %swap3A_62 = vector.shape_cast %slice3A_56 : vector<10000x64xf32> to vector<1x10000x64xf32>
    tpu.vector_store %arg6[%swap3A_57, %swap3A_58, %swap3A_59], %swap3A_62 {strides = array<i32>} : memref<2x10000x64xf32, #tpu.memory_space<vmem>>, vector<1x10000x64xf32>,
    return
  }
}

module attributes {stable_mosaic.version = 14 : i64} {
  func.func @_tc_final_body(%arg0: memref<2x10000x64xf32, #tpu.memory_space<vmem>>, %arg1: memref<2x10000x16xf32, #tpu.memory_space<vmem>>, %arg2: memref<2x10000x64xf32, #tpu.memory_space<vmem>>, %arg3: memref<128x128xf32, #tpu.memory_space<vmem>>, %arg4: memref<1x128xf32, #tpu.memory_space<vmem>>, %arg5: memref<128x128xf32, #tpu.memory_space<vmem>>, %arg6: memref<40x128xf32, #tpu.memory_space<vmem>>, %arg7: memref<1x40xf32, #tpu.memory_space<vmem>>, %arg8: memref<10000x40xf32, #tpu.memory_space<vmem>>) attributes {dimension_semantics = [], scalar_prefetch = 0 : i64, scratch_operands = 0 : i64, tpu.core_type = #tpu.core_type<tc>} {
    %get3A = arith.constant 0 : index
    %get3A_0 = arith.constant 0 : index
    %get3A_1 = arith.constant 0 : index
    %get3A_2 = vector.load %arg0[%get3A, %get3A_0, %get3A_1] : memref<2x10000x64xf32, #tpu.memory_space<vmem>>, vector<1x10000x64xf32>
    %get3A_3 = vector.shape_cast %get3A_2 : vector<1x10000x64xf32> to vector<10000x64xf32>
    %get3A_4 = arith.constant 1 : index
    %get3A_5 = arith.constant 0 : index
    %get3A_6 = arith.constant 0 : index
    %get3A_7 = vector.load %arg0[%get3A_4, %get3A_5, %get3A_6] : memref<2x10000x64xf32, #tpu.memory_space<vmem>>, vector<1x10000x64xf32>
    %get3A_8 = vector.shape_cast %get3A_7 : vector<1x10000x64xf32> to vector<10000x64xf32>
    %concatenate3A = tpu.concatenate %get3A_3, %get3A_8 in 1 : vector<10000x64xf32>, vector<10000x64xf32> -> vector<10000x128xf32>
    %get3A_9 = arith.constant 0 : index
    %get3A_10 = arith.constant 0 : index
    %get3A_11 = arith.constant 0 : index
    %get3A_12 = vector.load %arg1[%get3A_9, %get3A_10, %get3A_11] : memref<2x10000x16xf32, #tpu.memory_space<vmem>>, vector<1x10000x1xf32>
    %get3A_13 = vector.shape_cast %get3A_12 : vector<1x10000x1xf32> to vector<10000x1xf32>
    %get3A_14 = arith.constant 1 : index
    %get3A_15 = arith.constant 0 : index
    %get3A_16 = arith.constant 0 : index
    %get3A_17 = vector.load %arg1[%get3A_14, %get3A_15, %get3A_16] : memref<2x10000x16xf32, #tpu.memory_space<vmem>>, vector<1x10000x1xf32>
    %get3A_18 = vector.shape_cast %get3A_17 : vector<1x10000x1xf32> to vector<10000x1xf32>
    %add3A = arith.addf %get3A_13, %get3A_18 : vector<10000x1xf32>
    %max3A = arith.constant 1.000000e+00 : f32
    %max3A_19 = vector.broadcast %max3A : f32 to vector<10000x1xf32>
    %max3A_20 = arith.maximumf %add3A, %max3A_19 : vector<10000x1xf32>
    %div3A = vector.broadcast %max3A_20 : vector<10000x1xf32> to vector<10000x128xf32>
    %div3A_21 = arith.divf %concatenate3A, %div3A : vector<10000x128xf32>
    %get3A_22 = arith.constant 0 : index
    %get3A_23 = arith.constant 0 : index
    %get3A_24 = arith.constant 0 : index
    %get3A_25 = vector.load %arg2[%get3A_22, %get3A_23, %get3A_24] : memref<2x10000x64xf32, #tpu.memory_space<vmem>>, vector<1x10000x64xf32>
    %get3A_26 = vector.shape_cast %get3A_25 : vector<1x10000x64xf32> to vector<10000x64xf32>
    %get3A_27 = arith.constant 1 : index
    %get3A_28 = arith.constant 0 : index
    %get3A_29 = arith.constant 0 : index
    %get3A_30 = vector.load %arg2[%get3A_27, %get3A_28, %get3A_29] : memref<2x10000x64xf32, #tpu.memory_space<vmem>>, vector<1x10000x64xf32>
    %get3A_31 = vector.shape_cast %get3A_30 : vector<1x10000x64xf32> to vector<10000x64xf32>
    %concatenate3A_32 = tpu.concatenate %get3A_26, %get3A_31 in 1 : vector<10000x64xf32>, vector<10000x64xf32> -> vector<10000x128xf32>
    %get3A_33 = arith.constant 0 : index
    %get3A_34 = arith.constant 0 : index
    %get3A_35 = vector.load %arg3[%get3A_33, %get3A_34] : memref<128x128xf32, #tpu.memory_space<vmem>>, vector<128x128xf32>
    %dot_general3A = arith.constant dense<0.000000e+00> : vector<10000x128xf32>
    %dot_general3A_36 = tpu.matmul %div3A_21, %get3A_35, %dot_general3A {dimension_numbers = #tpu.dot_dimension_numbers<[1], [1], [0], [0], [0, 0, 1, 0], [], []>, transpose_lhs_hint = false} : vector<10000x128xf32>, vector<128x128xf32>, vector<10000x128xf32> -> vector<10000x128xf32>
    %get3A_37 = arith.constant 0 : index
    %get3A_38 = arith.constant 0 : index
    %get3A_39 = vector.load %arg4[%get3A_37, %get3A_38] : memref<1x128xf32, #tpu.memory_space<vmem>>, vector<1x128xf32>
    %add3A_40 = vector.broadcast %get3A_39 : vector<1x128xf32> to vector<10000x128xf32>
    %add3A_41 = arith.addf %dot_general3A_36, %add3A_40 : vector<10000x128xf32>
    %get3A_42 = arith.constant 0 : index
    %get3A_43 = arith.constant 0 : index
    %get3A_44 = vector.load %arg5[%get3A_42, %get3A_43] : memref<128x128xf32, #tpu.memory_space<vmem>>, vector<128x128xf32>
    %dot_general3A_45 = arith.constant dense<0.000000e+00> : vector<10000x128xf32>
    %dot_general3A_46 = tpu.matmul %concatenate3A_32, %get3A_44, %dot_general3A_45 {dimension_numbers = #tpu.dot_dimension_numbers<[1], [1], [0], [0], [0, 0, 1, 0], [], []>, transpose_lhs_hint = false} : vector<10000x128xf32>, vector<128x128xf32>, vector<10000x128xf32> -> vector<10000x128xf32>
    %add3A_47 = arith.addf %add3A_41, %dot_general3A_46 : vector<10000x128xf32>
    %max3A_48 = arith.constant 0.000000e+00 : f32
    %max3A_49 = vector.broadcast %max3A_48 : f32 to vector<10000x128xf32>
    %max3A_50 = arith.maximumf %add3A_47, %max3A_49 : vector<10000x128xf32>
    %get3A_51 = arith.constant 0 : index
    %get3A_52 = arith.constant 0 : index
    %get3A_53 = vector.load %arg6[%get3A_51, %get3A_52] : memref<40x128xf32, #tpu.memory_space<vmem>>, vector<40x128xf32>
    %dot_general3A_54 = arith.constant dense<0.000000e+00> : vector<10000x40xf32>
    %dot_general3A_55 = tpu.matmul %max3A_50, %get3A_53, %dot_general3A_54 {dimension_numbers = #tpu.dot_dimension_numbers<[1], [1], [0], [0], [0, 0, 1, 0], [], []>, transpose_lhs_hint = false} : vector<10000x128xf32>, vector<40x128xf32>, vector<10000x40xf32> -> vector<10000x40xf32>
    %get3A_56 = arith.constant 0 : index
    %get3A_57 = arith.constant 0 : index
    %get3A_58 = vector.load %arg7[%get3A_56, %get3A_57] : memref<1x40xf32, #tpu.memory_space<vmem>>, vector<1x40xf32>
    %add3A_59 = vector.broadcast %get3A_58 : vector<1x40xf32> to vector<10000x40xf32>
    %add3A_60 = arith.addf %dot_general3A_55, %add3A_59 : vector<10000x40xf32>
    %reduce_max3A = arith.constant dense<0xFF800000> : vector<10000xf32>
    %reduce_max3A_61 = vector.multi_reduction <maximumf>, %add3A_60, %reduce_max3A [1] : vector<10000x40xf32> to vector<10000xf32>
    %broadcast_in_dim3A = vector.shape_cast %reduce_max3A_61 : vector<10000xf32> to vector<10000x1xf32>
    %sub3A = vector.broadcast %broadcast_in_dim3A : vector<10000x1xf32> to vector<10000x40xf32>
    %sub3A_62 = arith.subf %add3A_60, %sub3A : vector<10000x40xf32>
    %exp3A = math.exp %sub3A_62 : vector<10000x40xf32>
    %reduce_sum3A = arith.constant dense<0.000000e+00> : vector<10000xf32>
    %reduce_sum3A_63 = vector.multi_reduction <add>, %exp3A, %reduce_sum3A [1] : vector<10000x40xf32> to vector<10000xf32>
    %broadcast_in_dim3A_64 = vector.shape_cast %reduce_sum3A_63 : vector<10000xf32> to vector<10000x1xf32>
    %log3A = math.log %broadcast_in_dim3A_64 : vector<10000x1xf32>
    %add3A_65 = arith.addf %log3A, %broadcast_in_dim3A : vector<10000x1xf32>
    %sub3A_66 = vector.broadcast %add3A_65 : vector<10000x1xf32> to vector<10000x40xf32>
    %sub3A_67 = arith.subf %add3A_60, %sub3A_66 : vector<10000x40xf32>
    %swap3A = arith.constant 0 : index
    %swap3A_68 = arith.constant 0 : index
    %swap3A_69 = vector.load %arg8[%swap3A, %swap3A_68] : memref<10000x40xf32, #tpu.memory_space<vmem>>, vector<10000x40xf32>
    tpu.vector_store %arg8[%swap3A, %swap3A_68], %sub3A_67 {strides = array<i32>} : memref<10000x40xf32, #tpu.memory_space<vmem>>, vector<10000x40xf32>,
    return
  }
}

</mosaic_0001>

<sc_bundles>
// kernel: kernel.11.cloned.1.call-start
scs
__scs_entry_jumppad:
0x0: {  	(pc) =	sbr.rel $0x88, $3  }
0x1: {  	(tag) =	ssettag $0x0;
	lr =	simm.s32 $0x1  }
0x2: {  	[smem:$0x3F95] =	sst lr;
	_ =	strace $0xD0000000  }
0x3: {  	_ = 	snop  }
0x4: {  	_ = 	snop  }
0x5: {  	_ = 	snop  }
0x6: {  	_ = 	snop  }
0x7: {  	_ = 	snop  }
__scs_overlays_trampoline_lowered:
0x8: {  	[smem:$0x3FA4] =	sst s0  }
0x9: {  	[smem:$0x3FA5] =	sst s1  }
0xa: {  	[smem:$0x3FA6] =	sst s2  }
0xb: {  	[smem:$0x3FA7] =	sst s3  }
0xc: {  	[smem:$0x3FA8] =	sst s4  }
0xd: {  	[smem:$0x3FA9] =	sst s5  }
0xe: {  	[smem:$0x3FAA] =	sst s6  }
0xf: {  	[smem:$0x3FAB] =	sst s7  }
0x10: {  	[smem:$0x3FAC] =	sst s8  }
0x11: {  	[smem:$0x3FAD] =	sst s9;
	s0 =	simm.s32 @!p0 $0x0  }
0x12: {  	s1 =	sld [smem:$0x3F93];
	s0 =	simm.s32 @p0 $0x1  }
0x13: {  	[smem:$0x3FAE] =	sst s0;
	s0 =	simm.s32 @!p1 $0x0  }
0x14: {  	s2 =	sld [smem:$0x3F92];
	s0 =	simm.s32 @p1 $0x1  }
0x15: {  	[smem:$0x3FAF] =	sst s0;
	s0 =	simm.s32 @!p2 $0x0  }
0x16: {  	s3 =	sld [smem:$0x3FDB];
	s0 =	simm.s32 @p2 $0x1  }
0x17: {  	s4 =	simm.s32 $0x1BF5;
	[smem:$0x3FB1] =	sst s0  }
0x18: {  	s0 =	sld [smem:$0x3F94];
	_ =	swait.ge [sflag:s4], $0x0  }
0x19: {  	s7 =	sld [smem:$0x3F95]  }
0x1a: {  	s8 =	sadd.s32 $0xFFFFE003, lr  }
0x1b: {  	s9 =	sadd.s32 $0xFFFFFEF7, lr;
	s5 =	simm.s32 $0xFFFFFFFF;
	p2 =	slt.u32 s8, $0xFFFFF086  }
0x1c: {  	p1 =	slt.u32 s9, $0xF7A;
	s5 =	simm.s32 @!p2 $0x0  }
0x1d: {  	s5 =	simm.s32 @p1 $0x1;
	p0 =	seq.s32 s7, s2  }
0x1e: {  	s7 =	smul.u32 @!p0 $0xF7A, s2;
	p2 =	seq.s32 @!p0 s5, $0x0  }
0x1f: {  	s9 =	smul.u32 $0xF7A, s1;
	s8 =	simm.s32 @!p0 $0x1BF5;
	p2 =	por !p2, p0  }
0x20: {  	[sflag:s8] =	ssyncset.s32 @!p0 $0xFFFFF086;
	s6 =	sadd.s32 @!p0 s3, s7;
	s7 =	simm.s32 @!p0 $0x108  }
0x21: {  	s3 =	sadd.s32 s3, s9;
	s6 =	sadd.s32 @!p0 $0x88, s6;
	s7 =	simm.s32 @p2 $0x1082  }
0x22: {  	[simem:s7], [sflag:s8] =	dma.local @!p0 [hbm:s6], $0xF7A  }
0x23: {  	s9 =	sor.u32 $0xD0000000, s2;
	s6 =	simm.s32 $0x108;
	_ =	swait.ge @!p0 [sflag:s8], $0x0  }
0x24: {  	s3 =	sadd.s32 $0x88, s3;
	s6 =	simm.s32 @!p1 $0x1082;
	[sflag:s4] =	ssyncset.s32 $0xFFFFF086  }
0x25: {  	[simem:s6], [sflag:s4] =	dma.local [hbm:s3], $0xF7A  }
0x26: {  	[smem:$0x3F95] =	sst s1;
	(tag) =	ssettag s2;
	_ =	strace s9  }
0x27: {  	s1 =	sld [smem:$0x3FA5]  }
0x28: {  	s2 =	sld [smem:$0x3FA6]  }
0x29: {  	s4 =	sld [smem:$0x3FA8]  }
0x2a: {  	p0 =	seq.s32 s5, $0x0;
	s5 =	sld [smem:$0x3FA9]  }
0x2b: {  	s6 =	sld [smem:$0x3FAA]  }
0x2c: {  	s7 =	sld [smem:$0x3FAB]  }
0x2d: {  	s3 =	simm.s32 $0x108;
	s8 =	sld [smem:$0x3FAC]  }
0x2e: {  	s3 =	simm.s32 @!p0 $0x1082;
	s9 =	sld [smem:$0x3FAD]  }
0x2f: {  	lr =	sadd.s32 s0, s3;
	s0 =	sld [smem:$0x3FA4]  }
0x30: {  	s3 =	sld [smem:$0x3FA7]  }
0x31: {  	[smem:$0x3FB0] =	sst s10  }
0x32: {  	s10 =	sld [smem:$0x3FAE];
	_ =	sdelay $0x3  }
0x33: {  	p0 =	seq.s32 s10, $0x1;
	s10 =	sld [smem:$0x3FB0];
	_ =	sdelay $0x3  }
0x34: {  	[smem:$0x3FB0] =	sst s10  }
0x35: {  	s10 =	sld [smem:$0x3FAF];
	_ =	sdelay $0x3  }
0x36: {  	p1 =	seq.s32 s10, $0x1;
	s10 =	sld [smem:$0x3FB0];
	_ =	sdelay $0x3  }
0x37: {  	[smem:$0x3FB0] =	sst s10  }
0x38: {  	s10 =	sld [smem:$0x3FB1]  }
0x39: {  	_ = 	snop;
	(pc) =	sbr.ind lr, $3  }
0x3a: {  	_ = 	snop  }
0x3b: {  	_ = 	snop  }
0x3c: {  	p2 =	seq.s32 s10, $0x1;
	s10 =	sld [smem:$0x3FB0]  }
0x3d: {  	_ =	shalt  }
0x3e: {  	_ =	shalt  }
0x3f: {  	_ =	shalt  }
0x40: {  	_ =	shalt  }
0x41: {  	_ =	shalt  }
0x42: {  	_ =	shalt  }
0x43: {  	_ =	shalt  }
0x44: {  	_ =	shalt  }
0x45: {  	_ =	shalt  }
0x46: {  	_ =	shalt  }
0x47: {  	_ =	shalt  }
0x48: {  	_ =	shalt  }
0x49: {  	_ =	shalt  }
0x4a: {  	_ =	shalt  }
0x4b: {  	_ =	shalt  }
0x4c: {  	_ =	shalt  }
0x4d: {  	_ =	shalt  }
0x4e: {  	_ =	shalt  }
0x4f: {  	_ =	shalt  }
0x50: {  	_ =	shalt  }
0x51: {  	_ =	shalt  }
0x52: {  	_ =	shalt  }
0x53: {  	_ =	shalt  }
0x54: {  	_ =	shalt  }
0x55: {  	_ =	shalt  }
0x56: {  	_ =	shalt  }
0x57: {  	_ =	shalt  }
0x58: {  	_ =	shalt  }
0x59: {  	_ =	shalt  }
0x5a: {  	_ =	shalt  }
0x5b: {  	_ =	shalt  }
0x5c: {  	_ =	shalt  }
0x5d: {  	_ =	shalt  }
0x5e: {  	_ =	shalt  }
0x5f: {  	_ =	shalt  }
0x60: {  	_ =	shalt  }
0x61: {  	_ =	shalt  }
0x62: {  	_ =	shalt  }
0x63: {  	_ =	shalt  }
0x64: {  	_ =	shalt  }
0x65: {  	_ =	shalt  }
0x66: {  	_ =	shalt  }
0x67: {  	_ =	shalt  }
0x68: {  	_ =	shalt  }
0x69: {  	_ =	shalt  }
0x6a: {  	_ =	shalt  }
0x6b: {  	_ =	shalt  }
0x6c: {  	_ =	shalt  }
0x6d: {  	_ =	shalt  }
0x6e: {  	_ =	shalt  }
0x6f: {  	_ =	shalt  }
0x70: {  	_ =	shalt  }
0x71: {  	_ =	shalt  }
0x72: {  	_ =	shalt  }
0x73: {  	_ =	shalt  }
0x74: {  	_ =	shalt  }
0x75: {  	_ =	shalt  }
0x76: {  	_ =	shalt  }
0x77: {  	_ =	shalt  }
0x78: {  	_ =	shalt  }
0x79: {  	_ =	shalt  }
0x7a: {  	_ =	shalt  }
0x7b: {  	_ =	shalt  }
0x7c: {  	_ =	shalt  }
0x7d: {  	_ =	shalt  }
0x7e: {  	_ =	shalt  }
0x7f: {  	_ =	shalt  }
0x80: {  	_ =	shalt  }
0x81: {  	_ =	shalt  }
0x82: {  	_ =	shalt  }
0x83: {  	_ =	shalt  }
0x84: {  	_ =	shalt  }
0x85: {  	_ =	shalt  }
0x86: {  	_ =	shalt  }
0x87: {  	_ =	shalt  }
.Lfunc_end0:
.L_simem_size_0:
called_computation.1_lowered:
.L_overlay_start_0:
0x88: {  	s2 =	sld [smem:$0x3FD9]  }
0x89: {  	s3 =	sld [smem:$0x3FFE];
	_ =	sdelay $0x1  }
0x8a: {  	s1 =	srdreg.scid  }
0x8b: {  	s0 =	sand.u32 $0x1, s1  }
0x8c: {  	s17 =	sshll.u32 s0, $0xA;
	s2 =	sadd.s32 s3, s2  }
0x8d: {  	s2 =	sadd.s32 s2, s17  }
0x8e: {  	[smem:$0x3FBC] =	sst s2  }
0x8f: {  	_ = 	snop  }
0x90: {  	s18 =	sld [smem:$0x3FD0];
	(tm) =	ssettm $0x1  }
0x91: {  	s19 =	sld [smem:$0x3FFB];
	_ =	sdelay $0x3  }
0x92: {  	_ =	strace s19  }
0x93: {  	s2 =	sld [smem:$0x3FFC];
	_ =	sdelay $0x3  }
0x94: {  	_ =	strace s2  }
0x95: {  	s2 =	sld [smem:$0x3FFD];
	_ =	sdelay $0x3  }
0x96: {  	_ =	strace s2  }
0x97: {  	_ =	strace $0x8FFFFFFF  }
0x98: {  	s20 =	sld [smem:$0x3FDB];
	_ =	sdelay $0x1  }
0x99: {  	s4 =	simm.s32 $_scs_section_size  }
0x9a: {  	s5 =	simm.s32 $_size__tile_overlayer_lowered;
	s6 =	simm.s32 $_tile_overlayer_lowered  }
0x9b: {  	s7 =	simm.s32 $0x1BFF;
	s21 =	sshll.u32 s6, $0x1;
	s4 =	sadd.s32 s4, s20  }
0x9c: {  	s22 =	simm.s32 $0x0;
	s5 =	sshll.u32 s5, $0x1;
	s6 =	sadd.s32 s21, s4  }
0x9d: {  	[timem:s22], [sflag:s7] =	dma.local [hbm:s6], s5  }
0x9e: {  	_ =	swait.ge [sflag:s7], s5  }
0x9f: {  	s5 =	ssub.s32 $0x0, s5;
	[sflag:s7] =	ssyncset.done $0x0  }
0xa0: {  	[sflag:s7] =	ssyncadd.s32 s5;
	_ =	sdelay $0x1  }
0xa1: {  	s23 =	simm.s32 $0x1B8B  }
0xa2: {  	_ =	swait.ge [sflag:s23], $0x1  }
0xa3: {  	[sflag:s23] =	ssyncset.done $0x0  }
0xa4: {  	[sflag:s23] =	ssyncadd.s32 $0xFFFFFFFF  }
0xa5: {  	s5 =	sld [smem:$0x0]  }
0xa6: {  	s6 =	sand.u32 $0xFFFFFFFE, s1  }
0xa7: {  	p0 =	sne.s32 s1, s6  }
0xa8: {  	s6 =	sshll.u32 @p0 s6, $0xE  }
0xa9: {  	s6 =	sadd.s32 @p0 $0x11B8D, s6;
	s7 =	sshll.u32 @p0 s5, $0x11  }
0xaa: {  	s6 =	sor.u32 @p0 s7, s6  }
0xab: {  	[sflag:s6] =	ssyncadd.remote.s32 @p0 $0x1;
	_ =	sdelay $0x1  }
0xac: {  	s6 =	simm.s32 @p0 $0x1B8D  }
0xad: {  	_ =	swait.eq @p0 [sflag:s6], $0x1  }
0xae: {  	[sflag:s6] =	ssyncadd.s32 @p0 $0xFFFFFFFF  }
0xaf: {  	s7 =	sshll.u32 @!p0 s1, $0xE  }
0xb0: {  	s7 =	sor.u32 @!p0 $0x4000, s7;
	s6 =	simm.s32 @!p0 $0x1B8D  }
0xb1: {  	s5 =	sshll.u32 @!p0 s5, $0x11;
	s7 =	sadd.s32 @!p0 $0x11B8D, s7;
	_ =	swait.eq @!p0 [sflag:s6], $0x1  }
0xb2: {  	s5 =	sor.u32 @!p0 s5, s7;
	[sflag:s6] =	ssyncadd.s32 @!p0 $0xFFFFFFFF  }
0xb3: {  	s25 =	simm.s32 $0x1B8E;
	s24 =	sld [smem:$0x3FFE];
	[sflag:s5] =	ssyncadd.remote.s32 @!p0 $0x1  }
0xb4: {  	s26 =	simm.s32 $execute0_lowered;
	[smem:$0x3FD2] =	sst s25  }
0xb5: {  	s6 =	sshll.u32 s26, $0x1;
	_ =	strace $0x80000049;
	[dreg:$0x1] =	wrdreg $0xFFFFFFFF  }
0xb6: {  	s28 =	simm.s32 $_size_execute0_lowered;
	s4 =	sadd.s32 s4, s6;
	[dreg:$0x0] =	wrdreg $0x0  }
0xb7: {  	s6 =	sshll.u32 s28, $0x1;
	[dreg:$0x2] =	wrdreg s4  }
0xb8: {  	[dreg:$0x3] =	wrdreg s6  }
0xb9: {  	[dreg:$0x4] =	wrdreg $0xC0  }
0xba: {  	_ =	task [dreg:s22], $0x5FFFF  }
0xbb: {  	[dreg:$0x1] =	wrdreg $0xFFFFFFFF  }
0xbc: {  	[dreg:$0x0] =	wrdreg $0x60  }
0xbd: {  	[dreg:$0x2] =	wrdreg s24  }
0xbe: {  	[dreg:$0x3] =	wrdreg s18  }
0xbf: {  	[dreg:$0x4] =	wrdreg $0x11F800  }
0xc0: {  	[dreg:$0x5] =	wrdreg $0xA  }
0xc1: {  	_ =	task.clear_ibuf [dreg:s22], $0x6FFFF;
	_ =	strace $0x90000049  }
0xc2: {  	s29 =	simm.s32 $0xA;
	_ =	strace $0x8000004B  }
0xc3: {  	_ =	swait.ge [sflag:s29], $0x1  }
0xc4: {  	[sflag:s29] =	ssyncadd.s32 $0xFFFFFFFF  }
0xc5: {  	_ =	strace $0x9000004B  }
0xc6: {  	_ =	sfence  }
0xc7: {  	s30 =	sld [smem:$0x0];
	_ =	sdelay $0x2  }
0xc8: {  	s31 =	sshll.u32 s1, $0xD;
	s1 =	sshrl.u32 s1, $0x2  }
0xc9: {  	s4 =	sand.u32 $0x4000, s31;
	s1 =	sadd.s32 s1, s30  }
0xca: {  	s0 =	sor.u32 s4, s0;
	s1 =	sshll.u32 s1, $0x11  }
0xcb: {  	s0 =	sor.u32 s1, s0  }
0xcc: {  	s0 =	sadd.s32 $0x8F2B, s0  }
0xcd: {  	[sflag:s0] =	ssyncadd.remote.s32 $0x1  }
0xce: {  	_ =	sfence.sel $0xFFFF  }
0xcf: {  	[dreg:$0x0] =	wrdreg $0xFFFFFFFF;
	(pc) =	sbr.abs _section_cstart, $3  }
0xd0: {  	[dreg:$0x1] =	wrdreg $0xFFFFFFFF  }
0xd1: {  	_ =	task.clear_ibuf [dreg:s22], $0x2FFFF;
	_ =	strace $0x9FFFFFFF  }
0xd2: {  	(tm) =	ssettm $0x7FFFFFFF  }
0xd3: {  	_ =	shalt  }
tec
execute0_lowered:
.L_overlay_start_1:
0x0: {  	(tag) =	ssettag $0x1  }
0x1: {  	s0 =	rddreg [dreg:$0x0]  }
0x2: {  	s1 =	rddreg [dreg:$0x1]  }
0x3: {  	s2 =	rddreg [dreg:$0x2];
	s10 =	stileid.u32  }
0x4: {  	s4 =	srdreg.scid;
	s3 =	simm.s32 $0x0;
	s15 =	simm.s32 $0x10040  }
0x5: {  	s16 =	simm.s32 $0xC;
	s17 =	simm.s32 $0x1;
	s18 =	simm.s32 $0x50  }
0x6: {  	s19 =	simm.s32 $0x9C40;
	s20 =	simm.s32 $0xB040;
	s28 =	simm.s32 $0x2  }
0x7: {  	s29 =	simm.s32 $0x3;
	s30 =	simm.s32 $0x4;
	s6 =	smul.u32 $0x9C40, s10  }
0x8: {  	s31 =	simm.s32 $0x5;
	s14 =	simm.s32 $0x7;
	s8 =	smul.u32 $0x9C4, s10  }
0x9: {  	s5 =	sand.u32 $0x1, s4;
	[smem:$0x7FF] =	sst s3;
	s10 =	smul.u32 $0x27100, s10  }
0xa: {  	s4 =	sadd.s32 $0x64200, s0;
	s7 =	smul.u32 $0x9C400, s5;
	_ =	strace $0x8000004A  }
0xb: {  	s9 =	ssub.s32 $0x2, s5;
	s5 =	smul.u32 $0x2710, s5;
	s11 =	sadd.s32 s8, s0  }
0xc: {  	s21 =	sshrl.u32 s9, $0x1;
	s10 =	sshrl.u32 s10, $0x2;
	s1 =	sadd.s32 s1, s8  }
0xd: {  	s7 =	sadd.s32 s6, s7;
	s9 =	ssub.s32 s9, s21;
	s22 =	sadd.s32 $0x2400, s11  }
0xe: {  	[dreg:$0x5] =	wrdreg s1;
	s23 =	sadd.s32 s10, s2;
	s21 =	simm.s32 $0x8  }
0xf: {  	s1 =	simm.s32 $0x9;
	v0 =	vmov s5;
	s5 =	simm.s32 $0x0;
	s7 =	sshrl.u32 s7, $0x3  }
0x10: {  	[dreg:$0x4] =	wrdreg s22;
	s24 =	sadd.s32 $0x1F40, s23;
	s25 =	sadd.s32 $0x3E80, s23  }
0x11: {  	s26 =	sadd.s32 $0x5DC0, s23;
	s11 =	sadd.s32 $0x7D00, s23;
	s13 =	smax.u32 s9, $0x1  }
0x12: {  	s22 =	simm.s32 $0xC440;
	s23 =	simm.s32 $0xA;
	[dreg:$0x6] =	wrdreg s24  }
0x13: {  	s0 =	sadd.s32 s7, s0;
	s7 =	sadd.s32 s6, s2;
	[dreg:$0x7] =	wrdreg s25  }
0x14: {  	[dreg:$0x8] =	wrdreg s26;
	s24 =	simm.s32 $0xD840;
	s26 =	simm.s32 $0xEC40  }
0x15: {  	v1 =	vimm.f32 $0.0e+00;
	s25 =	simm.s32 $0xB;
	s12 =	sadd.s32 $0x8B400, s0;
	s0 =	simm.s32 $0x6  }
.LBB2_1:
0x16: {  	s6 =	rddreg [dreg:$0x4]  }
0x17: {  	[tilespmem:s3], [sflag:$0x1] =	stream.linear.gather [hbm4b:s6+s3], $0x4E20, $0x38;
	[tilespmem:$0x1BBC0] =	vst v63  }
0x18: {  	s10 =	rddreg [dreg:$0x5];
	s8 =	simm.s32 $0x4E20;
	s9 =	sand.u32 $0x7F00, s3  }
0x19: {  	[tilespmem:s8], [sflag:$0x1] =	stream.linear.gather [hbm4b:s10+s3], $0x4E20, $0x38;
	[tilespmem:$0x1BBC0] =	vst v63  }
0x1a: {  	s9 =	sshrl.u32 s9, $0x2;
	s10 =	sand.u32 $0x30, s3  }
0x1b: {  	s6 =	simm.s32 $0x40;
	s8 =	simm.s32 $0x0;
	s9 =	sor.u32 s10, s9  }
.LBB2_2:
0x1c: {  	p0 =	sne.s32 s6, $0x7CC0  }
0x1d: {  	[tilespmem:s9+$0x10040] =	vst v1;
	s8 =	sadd.s32 $0x10, s8;
	s9 =	smov.u32 s6;
	s6 =	sadd.s32 $0x40, s6  }
.Ltmp0:
0x1e: {  	(pc) =	sbr.rel @p0 .LBB2_2-.Ltmp0, $4  }
0x1f: {  	_ = 	snop  }
0x20: {  	s9 =	sand.u32 $0x7F00, s9  }
0x21: {  	s10 =	sand.u32 $0x30, s8;
	s9 =	sshrl.u32 s9, $0x2  }
0x22: {  	s9 =	sor.u32 s10, s9  }
0x23: {  	[tilespmem:s9+$0x10040] =	vst v1  }
0x24: {  	[spmem:s7] =	stream.linear.scatter [tilespmem:s15], [sflag:$0xC], $0x1F40, $0x38;
	[tilespmem:$0x1BBC0] =	vst v63  }
0x25: {  	_ =	swait.ge [sflag:s16], $0x1F40  }
0x26: {  	[sflag:s16] =	ssyncset.done $0x0  }
0x27: {  	s6 =	rddreg [dreg:$0x6];
	[sflag:s16] =	ssyncadd.s32 $0xFFFFE0C0  }
0x28: {  	[spmem:s6] =	stream.linear.scatter [tilespmem:s15], [sflag:$0xC], $0x1F40, $0x38;
	[tilespmem:$0x1BBC0] =	vst v63  }
0x29: {  	_ =	swait.ge [sflag:s16], $0x1F40  }
0x2a: {  	[sflag:s16] =	ssyncset.done $0x0  }
0x2b: {  	s9 =	rddreg [dreg:$0x7];
	[sflag:s16] =	ssyncadd.s32 $0xFFFFE0C0  }
0x2c: {  	[spmem:s9] =	stream.linear.scatter [tilespmem:s15], [sflag:$0xC], $0x1F40, $0x38;
	[tilespmem:$0x1BBC0] =	vst v63  }
0x2d: {  	_ =	swait.ge [sflag:s16], $0x1F40  }
0x2e: {  	[sflag:s16] =	ssyncset.done $0x0  }
0x2f: {  	s10 =	rddreg [dreg:$0x8];
	[sflag:s16] =	ssyncadd.s32 $0xFFFFE0C0  }
0x30: {  	[spmem:s10] =	stream.linear.scatter [tilespmem:s15], [sflag:$0xC], $0x1F40, $0x38;
	[tilespmem:$0x1BBC0] =	vst v63  }
0x31: {  	_ =	swait.ge [sflag:s16], $0x1F40  }
0x32: {  	[sflag:s16] =	ssyncset.done $0x0  }
0x33: {  	[sflag:s16] =	ssyncadd.s32 $0xFFFFE0C0  }
0x34: {  	[spmem:s11] =	stream.linear.scatter [tilespmem:s15], [sflag:$0xC], $0x1F40, $0x38;
	[tilespmem:$0x1BBC0] =	vst v63  }
0x35: {  	_ =	swait.ge [sflag:s16], $0x1F40  }
0x36: {  	[sflag:s16] =	ssyncset.done $0x0  }
0x37: {  	[sflag:s16] =	ssyncadd.s32 $0xFFFFE0C0  }
0x38: {  	_ =	swait.ge [sflag:s17], $0x4E20  }
0x39: {  	[sflag:s17] =	ssyncset.done $0x0  }
0x3a: {  	[sflag:s17] =	ssyncadd.s32 $0xFFFFB1E0  }
0x3b: {  	_ =	swait.ge [sflag:s17], $0x4E20  }
0x3c: {  	[sflag:s17] =	ssyncset.done $0x0  }
0x3d: {  	s6 =	simm.s32 $0x0;
	[sflag:s17] =	ssyncadd.s32 $0xFFFFB1E0  }
0x3e: {  	v5 =	vld [tilespmem:s6+$0x0]  }
0x3f: {  	v4 =	vld [tilespmem:s6+$0x10]  }
0x40: {  	v3 =	vld [tilespmem:s6+$0x20]  }
0x41: {  	s8 =	simm.s32 $0x140;
	v2 =	vld [tilespmem:s6+$0x30]  }
.LBB2_4:
0x42: {  	p0 =	sne.s32 s8, $0x13740;
	v6 =	vld [tilespmem:s6+$0x40]  }
0x43: {  	v5 =	vadd.s32 v0, v5  }
.Ltmp1:
0x44: {  	s9 =	sshra.s32 s8, $0x2;
	[tilespmem:s6+$0x0] =	vst v5;
	v4 =	vadd.s32 v0, v4;
	(pc) =	sbr.rel @p0 .LBB2_4-.Ltmp1, $4  }
0x45: {  	v5 =	vld [tilespmem:s9+$0x0];
	[tilespmem:s6+$0x10] =	vst v4;
	v3 =	vadd.s32 v0, v3  }
0x46: {  	v4 =	vld [tilespmem:s9+$0x10];
	[tilespmem:s6+$0x20] =	vst v3;
	v2 =	vadd.s32 v0, v2  }
0x47: {  	v3 =	vld [tilespmem:s9+$0x20];
	[tilespmem:s6+$0x30] =	vst v2;
	v6 =	vadd.s32 v0, v6  }
0x48: {  	s8 =	sadd.s32 $0x140, s8;
	v2 =	vld [tilespmem:s9+$0x30];
	[tilespmem:s6+$0x40] =	vst v6;
	s6 =	smov.u32 s9  }
0x49: {  	v6 =	vld [tilespmem:s6+$0x40]  }
0x4a: {  	v5 =	vadd.s32 v0, v5  }
0x4b: {  	[tilespmem:s6+$0x0] =	vst v5;
	v4 =	vadd.s32 v0, v4  }
0x4c: {  	[tilespmem:s6+$0x10] =	vst v4;
	v3 =	vadd.s32 v0, v3  }
0x4d: {  	[tilespmem:s6+$0x20] =	vst v3;
	v2 =	vadd.s32 v0, v2  }
0x4e: {  	[tilespmem:s6+$0x30] =	vst v2;
	v2 =	vadd.s32 v0, v6  }
0x4f: {  	[tilespmem:s6+$0x40] =	vst v2  }
0x50: {  	s10 =	simm.s32 $0x0;
	[bflag:$0x0] =	sbarrier.arrive $0xFFFF  }
0x51: {  	[tilespmem:s19], [sflag:$0x2] =	stream.indirect.gather [hbm4b:s4+s18], $0x40, s10, s18, $0xb8;
	[tilespmem:$0x1BBC0] =	vst v63  }
0x52: {  	_ = 	snop  }
0x53: {  	[tilespmem:s20], [sflag:$0x3] =	stream.indirect.gather [hbm4b:s4+s18], $0x40, s18, s18, $0xb8;
	[tilespmem:$0x1BBC0] =	vst v63  }
0x54: {  	s8 =	simm.s32 $0xA0  }
0x55: {  	[tilespmem:s22], [sflag:$0x4] =	stream.indirect.gather [hbm4b:s4+s18], $0x40, s8, s18, $0xb8;
	[tilespmem:$0x1BBC0] =	vst v63  }
0x56: {  	s9 =	simm.s32 $0xF0  }
0x57: {  	[tilespmem:s24], [sflag:$0x5] =	stream.indirect.gather [hbm4b:s4+s18], $0x40, s9, s18, $0xb8;
	[tilespmem:$0x1BBC0] =	vst v63  }
0x58: {  	s10 =	simm.s32 $0x140  }
0x59: {  	[tilespmem:s26], [sflag:$0x6] =	stream.indirect.gather [hbm4b:s4+s18], $0x40, s10, s18, $0xb8;
	[tilespmem:$0x1BBC0] =	vst v63  }
0x5a: {  	_ =	swait.ge [sflag:s28], $0x1400  }
0x5b: {  	[sflag:s28] =	ssyncset.done $0x0  }
0x5c: {  	s8 =	simm.s32 $0x4E20;
	[sflag:s28] =	ssyncadd.s32 $0xFFFFEC00  }
0x5d: {  	[spmem:s2] =	stream.indirect.scatter.add.f32 [tilespmem:s19], [sflag:$0x7], $0x40, s8, s18, $0xb8;
	[tilespmem:$0x1BBC0] =	vst v63  }
0x5e: {  	_ =	swait.ge [sflag:s29], $0x1400  }
0x5f: {  	[sflag:s29] =	ssyncset.done $0x0  }
0x60: {  	s9 =	simm.s32 $0x4E70;
	[sflag:s29] =	ssyncadd.s32 $0xFFFFEC00  }
0x61: {  	[spmem:s2] =	stream.indirect.scatter.add.f32 [tilespmem:s20], [sflag:$0x8], $0x40, s9, s18, $0xb8;
	[tilespmem:$0x1BBC0] =	vst v63  }
0x62: {  	_ =	swait.ge [sflag:s30], $0x1400  }
0x63: {  	[sflag:s30] =	ssyncset.done $0x0  }
0x64: {  	s10 =	simm.s32 $0x4EC0;
	[sflag:s30] =	ssyncadd.s32 $0xFFFFEC00  }
0x65: {  	[spmem:s2] =	stream.indirect.scatter.add.f32 [tilespmem:s22], [sflag:$0x9], $0x40, s10, s18, $0xb8;
	[tilespmem:$0x1BBC0] =	vst v63  }
0x66: {  	_ =	swait.ge [sflag:s31], $0x1400  }
0x67: {  	[sflag:s31] =	ssyncset.done $0x0  }
0x68: {  	s8 =	simm.s32 $0x4F10;
	[sflag:s31] =	ssyncadd.s32 $0xFFFFEC00  }
0x69: {  	[spmem:s2] =	stream.indirect.scatter.add.f32 [tilespmem:s24], [sflag:$0xA], $0x40, s8, s18, $0xb8;
	[tilespmem:$0x1BBC0] =	vst v63  }
0x6a: {  	_ =	swait.ge [sflag:s0], $0x1400  }
0x6b: {  	[sflag:s0] =	ssyncset.done $0x0  }
0x6c: {  	s9 =	simm.s32 $0x4F60;
	[sflag:s0] =	ssyncadd.s32 $0xFFFFEC00  }
0x6d: {  	[spmem:s2] =	stream.indirect.scatter.add.f32 [tilespmem:s26], [sflag:$0xB], $0x40, s9, s18, $0xb8;
	[tilespmem:$0x1BBC0] =	vst v63  }
0x6e: {  	_ =	swait.ge [sflag:s14], $0x1400  }
0x6f: {  	[sflag:s14] =	ssyncset.done $0x0  }
0x70: {  	s10 =	simm.s32 $0x190;
	[sflag:s14] =	ssyncadd.s32 $0xFFFFEC00  }
0x71: {  	[tilespmem:s19], [sflag:$0x2] =	stream.indirect.gather [hbm4b:s4+s18], $0x40, s10, s18, $0xb8;
	[tilespmem:$0x1BBC0] =	vst v63  }
0x72: {  	_ =	swait.ge [sflag:s21], $0x1400  }
0x73: {  	[sflag:s21] =	ssyncset.done $0x0  }
0x74: {  	s8 =	simm.s32 $0x1E0;
	[sflag:s21] =	ssyncadd.s32 $0xFFFFEC00  }
0x75: {  	[tilespmem:s20], [sflag:$0x3] =	stream.indirect.gather [hbm4b:s4+s18], $0x40, s8, s18, $0xb8;
	[tilespmem:$0x1BBC0] =	vst v63  }
0x76: {  	_ =	swait.ge [sflag:s1], $0x1400  }
0x77: {  	[sflag:s1] =	ssyncset.done $0x0  }
0x78: {  	s9 =	simm.s32 $0x230;
	[sflag:s1] =	ssyncadd.s32 $0xFFFFEC00  }
0x79: {  	[tilespmem:s22], [sflag:$0x4] =	stream.indirect.gather [hbm4b:s4+s18], $0x40, s9, s18, $0xb8;
	[tilespmem:$0x1BBC0] =	vst v63  }
0x7a: {  	_ =	swait.ge [sflag:s23], $0x1400  }
0x7b: {  	[sflag:s23] =	ssyncset.done $0x0  }
0x7c: {  	s10 =	simm.s32 $0x280;
	[sflag:s23] =	ssyncadd.s32 $0xFFFFEC00  }
0x7d: {  	[tilespmem:s24], [sflag:$0x5] =	stream.indirect.gather [hbm4b:s4+s18], $0x40, s10, s18, $0xb8;
	[tilespmem:$0x1BBC0] =	vst v63  }
0x7e: {  	_ =	swait.ge [sflag:s25], $0x1400  }
0x7f: {  	[sflag:s25] =	ssyncset.done $0x0  }
0x80: {  	s6 =	simm.s32 $0x640;
	s8 =	simm.s32 $0x2D0;
	[sflag:s25] =	ssyncadd.s32 $0xFFFFEC00  }
.LBB2_6:
0x81: {  	[tilespmem:s26], [sflag:$0x6] =	stream.indirect.gather [hbm4b:s4+s18], $0x40, s8, s18, $0xb8;
	[tilespmem:$0x1BBC0] =	vst v63  }
0x82: {  	s8 =	smov.u32 s6  }
0x83: {  	p0 =	sne.s32 s6, $0x12C00;
	s6 =	sadd.s32 $0x640, s6;
	_ =	swait.ge [sflag:s28], $0x1400  }
0x84: {  	s8 =	sshra.s32 s8, $0x2;
	[sflag:s28] =	ssyncset.done $0x0  }
0x85: {  	s9 =	sadd.s32 $0x4E20, s8;
	[sflag:s28] =	ssyncadd.s32 $0xFFFFEC00  }
0x86: {  	[spmem:s2] =	stream.indirect.scatter.add.f32 [tilespmem:s19], [sflag:$0x7], $0x40, s9, s18, $0xb8;
	[tilespmem:$0x1BBC0] =	vst v63  }
0x87: {  	_ =	swait.ge [sflag:s29], $0x1400  }
0x88: {  	[sflag:s29] =	ssyncset.done $0x0  }
0x89: {  	s9 =	sadd.s32 $0x4E70, s8;
	[sflag:s29] =	ssyncadd.s32 $0xFFFFEC00  }
0x8a: {  	[spmem:s2] =	stream.indirect.scatter.add.f32 [tilespmem:s20], [sflag:$0x8], $0x40, s9, s18, $0xb8;
	[tilespmem:$0x1BBC0] =	vst v63  }
0x8b: {  	_ =	swait.ge [sflag:s30], $0x1400  }
0x8c: {  	[sflag:s30] =	ssyncset.done $0x0  }
0x8d: {  	s9 =	sadd.s32 $0x4EC0, s8;
	[sflag:s30] =	ssyncadd.s32 $0xFFFFEC00  }
0x8e: {  	[spmem:s2] =	stream.indirect.scatter.add.f32 [tilespmem:s22], [sflag:$0x9], $0x40, s9, s18, $0xb8;
	[tilespmem:$0x1BBC0] =	vst v63  }
0x8f: {  	_ =	swait.ge [sflag:s31], $0x1400  }
0x90: {  	[sflag:s31] =	ssyncset.done $0x0  }
0x91: {  	s9 =	sadd.s32 $0x4F10, s8;
	[sflag:s31] =	ssyncadd.s32 $0xFFFFEC00  }
0x92: {  	[spmem:s2] =	stream.indirect.scatter.add.f32 [tilespmem:s24], [sflag:$0xA], $0x40, s9, s18, $0xb8;
	[tilespmem:$0x1BBC0] =	vst v63  }
0x93: {  	_ =	swait.ge [sflag:s0], $0x1400  }
0x94: {  	[sflag:s0] =	ssyncset.done $0x0  }
0x95: {  	s9 =	sadd.s32 $0x4F60, s8;
	[sflag:s0] =	ssyncadd.s32 $0xFFFFEC00  }
0x96: {  	[spmem:s2] =	stream.indirect.scatter.add.f32 [tilespmem:s26], [sflag:$0xB], $0x40, s9, s18, $0xb8;
	[tilespmem:$0x1BBC0] =	vst v63  }
0x97: {  	_ =	swait.ge [sflag:s14], $0x1400  }
0x98: {  	[sflag:s14] =	ssyncset.done $0x0  }
0x99: {  	s9 =	sadd.s32 $0x190, s8;
	[sflag:s14] =	ssyncadd.s32 $0xFFFFEC00  }
0x9a: {  	[tilespmem:s19], [sflag:$0x2] =	stream.indirect.gather [hbm4b:s4+s18], $0x40, s9, s18, $0xb8;
	[tilespmem:$0x1BBC0] =	vst v63  }
0x9b: {  	_ =	swait.ge [sflag:s21], $0x1400  }
0x9c: {  	[sflag:s21] =	ssyncset.done $0x0  }
0x9d: {  	s9 =	sadd.s32 $0x1E0, s8;
	[sflag:s21] =	ssyncadd.s32 $0xFFFFEC00  }
0x9e: {  	[tilespmem:s20], [sflag:$0x3] =	stream.indirect.gather [hbm4b:s4+s18], $0x40, s9, s18, $0xb8;
	[tilespmem:$0x1BBC0] =	vst v63  }
0x9f: {  	_ =	swait.ge [sflag:s1], $0x1400  }
0xa0: {  	[sflag:s1] =	ssyncset.done $0x0  }
0xa1: {  	s9 =	sadd.s32 $0x230, s8;
	[sflag:s1] =	ssyncadd.s32 $0xFFFFEC00  }
0xa2: {  	[tilespmem:s22], [sflag:$0x4] =	stream.indirect.gather [hbm4b:s4+s18], $0x40, s9, s18, $0xb8;
	[tilespmem:$0x1BBC0] =	vst v63  }
0xa3: {  	_ =	swait.ge [sflag:s23], $0x1400  }
0xa4: {  	[sflag:s23] =	ssyncset.done $0x0  }
.Ltmp2:
0xa5: {  	s9 =	sadd.s32 $0x280, s8;
	[sflag:s23] =	ssyncadd.s32 $0xFFFFEC00;
	(pc) =	sbr.rel @p0 .LBB2_6-.Ltmp2, $4  }
0xa6: {  	[tilespmem:s24], [sflag:$0x5] =	stream.indirect.gather [hbm4b:s4+s18], $0x40, s9, s18, $0xb8;
	[tilespmem:$0x1BBC0] =	vst v63  }
0xa7: {  	_ =	swait.ge [sflag:s25], $0x1400  }
0xa8: {  	[sflag:s25] =	ssyncset.done $0x0  }
0xa9: {  	s8 =	sadd.s32 $0x2D0, s8;
	[sflag:s25] =	ssyncadd.s32 $0xFFFFEC00  }
0xaa: {  	[tilespmem:s26], [sflag:$0x6] =	stream.indirect.gather [hbm4b:s4+s18], $0x40, s8, s18, $0xb8;
	[tilespmem:$0x1BBC0] =	vst v63  }
0xab: {  	_ =	swait.ge [sflag:s28], $0x1400  }
0xac: {  	[sflag:s28] =	ssyncset.done $0x0  }
0xad: {  	s6 =	simm.s32 $0x9AB0;
	[sflag:s28] =	ssyncadd.s32 $0xFFFFEC00  }
0xae: {  	[spmem:s2] =	stream.indirect.scatter.add.f32 [tilespmem:s19], [sflag:$0x7], $0x40, s6, s18, $0xb8;
	[tilespmem:$0x1BBC0] =	vst v63  }
0xaf: {  	_ =	swait.ge [sflag:s29], $0x1400  }
0xb0: {  	[sflag:s29] =	ssyncset.done $0x0  }
0xb1: {  	s8 =	simm.s32 $0x9B00;
	[sflag:s29] =	ssyncadd.s32 $0xFFFFEC00  }
0xb2: {  	[spmem:s2] =	stream.indirect.scatter.add.f32 [tilespmem:s20], [sflag:$0x8], $0x40, s8, s18, $0xb8;
	[tilespmem:$0x1BBC0] =	vst v63  }
0xb3: {  	_ =	swait.ge [sflag:s30], $0x1400  }
0xb4: {  	[sflag:s30] =	ssyncset.done $0x0  }
0xb5: {  	s9 =	simm.s32 $0x9B50;
	[sflag:s30] =	ssyncadd.s32 $0xFFFFEC00  }
0xb6: {  	[spmem:s2] =	stream.indirect.scatter.add.f32 [tilespmem:s22], [sflag:$0x9], $0x40, s9, s18, $0xb8;
	[tilespmem:$0x1BBC0] =	vst v63  }
0xb7: {  	_ =	swait.ge [sflag:s31], $0x1400  }
0xb8: {  	[sflag:s31] =	ssyncset.done $0x0  }
0xb9: {  	s10 =	simm.s32 $0x9BA0;
	[sflag:s31] =	ssyncadd.s32 $0xFFFFEC00  }
0xba: {  	[spmem:s2] =	stream.indirect.scatter.add.f32 [tilespmem:s24], [sflag:$0xA], $0x40, s10, s18, $0xb8;
	[tilespmem:$0x1BBC0] =	vst v63  }
0xbb: {  	_ =	swait.ge [sflag:s0], $0x1400  }
0xbc: {  	[sflag:s0] =	ssyncset.done $0x0  }
0xbd: {  	s8 =	simm.s32 $0x9BF0;
	[sflag:s0] =	ssyncadd.s32 $0xFFFFEC00  }
0xbe: {  	[spmem:s2] =	stream.indirect.scatter.add.f32 [tilespmem:s26], [sflag:$0xB], $0x40, s8, s18, $0xb8;
	[tilespmem:$0x1BBC0] =	vst v63  }
0xbf: {  	_ =	swait.ge [sflag:s14], $0x1400  }
0xc0: {  	[sflag:s14] =	ssyncset.done $0x0  }
0xc1: {  	[sflag:s14] =	ssyncadd.s32 $0xFFFFEC00  }
0xc2: {  	_ =	swait.ge [sflag:s21], $0x1400  }
0xc3: {  	[sflag:s21] =	ssyncset.done $0x0  }
0xc4: {  	[sflag:s21] =	ssyncadd.s32 $0xFFFFEC00  }
0xc5: {  	_ =	swait.ge [sflag:s1], $0x1400  }
0xc6: {  	[sflag:s1] =	ssyncset.done $0x0  }
0xc7: {  	[sflag:s1] =	ssyncadd.s32 $0xFFFFEC00  }
0xc8: {  	_ =	swait.ge [sflag:s23], $0x1400  }
0xc9: {  	[sflag:s23] =	ssyncset.done $0x0  }
0xca: {  	[sflag:s23] =	ssyncadd.s32 $0xFFFFEC00  }
0xcb: {  	s9 =	stileid.u32;
	_ =	swait.ge [sflag:s25], $0x1400  }
0xcc: {  	s5 =	sadd.s32 $0x1, s5;
	s6 =	sshll.u32 s9, $0x6;
	[sflag:s25] =	ssyncset.done $0x0  }
0xcd: {  	p0 =	sne.s32 s5, s13;
	s6 =	sor.u32 $0x1C0C, s6;
	[sflag:s25] =	ssyncadd.s32 $0xFFFFEC00  }
.Ltmp3:
0xce: {  	s10 =	sshrl.u32 s7, $0x3;
	[bflag:$0x0] =	sbarrier.arrive $0xFFFF;
	(pc) =	sbr.rel @p0 .LBB2_1-.Ltmp3, $4  }
0xcf: {  	[hbm:s12], [sflag:s6] =	dma.local [spmem:s10], $0x1388  }
0xd0: {  	_ =	swait.ge [sflag:s16], $0x1388  }
0xd1: {  	[sflag:s16] =	ssyncset.done $0x0  }
0xd2: {  	[sflag:s16] =	ssyncadd.s32 $0xFFFFEC78  }
0xd3: {  	_ =	sfence.sel $0x180000  }
0xd4: {  	[bflag:$0x0] =	sbarrier.arrive $0xFFFF  }
0xd5: {  	_ =	strace $0x9000004A  }
0xd6: {  	s0 =	stileid.u32;
	[bflag:$0x2] =	sbarrier.arrive $0xFFFF  }
0xd7: {  	p0 =	sne.s32 s0, $0x0;
	s0 =	rddreg [dreg:$0x3]  }
0xd8: {  	s0 =	sadd.s32 @!p0 $0x100000, s0  }
0xd9: {  	[sflag:s0] =	ssyncadd.tile.s32 @!p0 $0x1;
	_ =	shalt  }
.Lfunc_end2:
_tile_overlayer_lowered:
.L_overlay_start_2:
0xda: {  	(tag) =	ssettag $0x2  }
0xdb: {  	s0 =	rddreg [dreg:$0x0];
	s2 =	stileid.u32  }
0xdc: {  	s1 =	rddreg [dreg:$0x1];
	p0 =	sne.s32 s2, $0x0  }
0xdd: {  	s3 =	rddreg [dreg:$0x2];
	[bflag:$0x3] =	sbarrier.arrive $0xFFFF;
	s2 =	simm.s32 @!p0 $0x1C0C  }
0xde: {  	[timem:s3], [sflag:s2] =	dma.local @!p0 [hbm:s0], s1  }
0xdf: {  	s0 =	simm.s32 @!p0 $0xC  }
0xe0: {  	_ =	swait.ge @!p0 [sflag:s0], s1  }
0xe1: {  	s1 =	ssub.s32 @!p0 $0x0, s1;
	[sflag:s0] =	ssyncset.done @!p0 $0x0  }
0xe2: {  	[sflag:s0] =	ssyncadd.s32 @!p0 s1  }
0xe3: {  	[bflag:$0x3] =	sbarrier.arrive $0xFFFF  }
0xe4: {  	_ =	shalt  }

// kernel: kernel.14.cloned.1.call-start
scs
__scs_entry_jumppad:
0x0: {  	(pc) =	sbr.rel $0x88, $3  }
0x1: {  	(tag) =	ssettag $0x0;
	lr =	simm.s32 $0x1  }
0x2: {  	[smem:$0x3F95] =	sst lr;
	_ =	strace $0xD0000000  }
0x3: {  	_ = 	snop  }
0x4: {  	_ = 	snop  }
0x5: {  	_ = 	snop  }
0x6: {  	_ = 	snop  }
0x7: {  	_ = 	snop  }
__scs_overlays_trampoline_lowered:
0x8: {  	[smem:$0x3FA4] =	sst s0  }
0x9: {  	[smem:$0x3FA5] =	sst s1  }
0xa: {  	[smem:$0x3FA6] =	sst s2  }
0xb: {  	[smem:$0x3FA7] =	sst s3  }
0xc: {  	[smem:$0x3FA8] =	sst s4  }
0xd: {  	[smem:$0x3FA9] =	sst s5  }
0xe: {  	[smem:$0x3FAA] =	sst s6  }
0xf: {  	[smem:$0x3FAB] =	sst s7  }
0x10: {  	[smem:$0x3FAC] =	sst s8  }
0x11: {  	[smem:$0x3FAD] =	sst s9;
	s0 =	simm.s32 @!p0 $0x0  }
0x12: {  	s1 =	sld [smem:$0x3F93];
	s0 =	simm.s32 @p0 $0x1  }
0x13: {  	[smem:$0x3FAE] =	sst s0;
	s0 =	simm.s32 @!p1 $0x0  }
0x14: {  	s2 =	sld [smem:$0x3F92];
	s0 =	simm.s32 @p1 $0x1  }
0x15: {  	[smem:$0x3FAF] =	sst s0;
	s0 =	simm.s32 @!p2 $0x0  }
0x16: {  	s3 =	sld [smem:$0x3FDB];
	s0 =	simm.s32 @p2 $0x1  }
0x17: {  	s4 =	simm.s32 $0x1BF5;
	[smem:$0x3FB1] =	sst s0  }
0x18: {  	s0 =	sld [smem:$0x3F94];
	_ =	swait.ge [sflag:s4], $0x0  }
0x19: {  	s7 =	sld [smem:$0x3F95]  }
0x1a: {  	s8 =	sadd.s32 $0xFFFFE003, lr  }
0x1b: {  	s9 =	sadd.s32 $0xFFFFFEF7, lr;
	s5 =	simm.s32 $0xFFFFFFFF;
	p2 =	slt.u32 s8, $0xFFFFF086  }
0x1c: {  	p1 =	slt.u32 s9, $0xF7A;
	s5 =	simm.s32 @!p2 $0x0  }
0x1d: {  	s5 =	simm.s32 @p1 $0x1;
	p0 =	seq.s32 s7, s2  }
0x1e: {  	s7 =	smul.u32 @!p0 $0xF7A, s2;
	p2 =	seq.s32 @!p0 s5, $0x0  }
0x1f: {  	s9 =	smul.u32 $0xF7A, s1;
	s8 =	simm.s32 @!p0 $0x1BF5;
	p2 =	por !p2, p0  }
0x20: {  	[sflag:s8] =	ssyncset.s32 @!p0 $0xFFFFF086;
	s6 =	sadd.s32 @!p0 s3, s7;
	s7 =	simm.s32 @!p0 $0x108  }
0x21: {  	s3 =	sadd.s32 s3, s9;
	s6 =	sadd.s32 @!p0 $0x88, s6;
	s7 =	simm.s32 @p2 $0x1082  }
0x22: {  	[simem:s7], [sflag:s8] =	dma.local @!p0 [hbm:s6], $0xF7A  }
0x23: {  	s9 =	sor.u32 $0xD0000000, s2;
	s6 =	simm.s32 $0x108;
	_ =	swait.ge @!p0 [sflag:s8], $0x0  }
0x24: {  	s3 =	sadd.s32 $0x88, s3;
	s6 =	simm.s32 @!p1 $0x1082;
	[sflag:s4] =	ssyncset.s32 $0xFFFFF086  }
0x25: {  	[simem:s6], [sflag:s4] =	dma.local [hbm:s3], $0xF7A  }
0x26: {  	[smem:$0x3F95] =	sst s1;
	(tag) =	ssettag s2;
	_ =	strace s9  }
0x27: {  	s1 =	sld [smem:$0x3FA5]  }
0x28: {  	s2 =	sld [smem:$0x3FA6]  }
0x29: {  	s4 =	sld [smem:$0x3FA8]  }
0x2a: {  	p0 =	seq.s32 s5, $0x0;
	s5 =	sld [smem:$0x3FA9]  }
0x2b: {  	s6 =	sld [smem:$0x3FAA]  }
0x2c: {  	s7 =	sld [smem:$0x3FAB]  }
0x2d: {  	s3 =	simm.s32 $0x108;
	s8 =	sld [smem:$0x3FAC]  }
0x2e: {  	s3 =	simm.s32 @!p0 $0x1082;
	s9 =	sld [smem:$0x3FAD]  }
0x2f: {  	lr =	sadd.s32 s0, s3;
	s0 =	sld [smem:$0x3FA4]  }
0x30: {  	s3 =	sld [smem:$0x3FA7]  }
0x31: {  	[smem:$0x3FB0] =	sst s10  }
0x32: {  	s10 =	sld [smem:$0x3FAE];
	_ =	sdelay $0x3  }
0x33: {  	p0 =	seq.s32 s10, $0x1;
	s10 =	sld [smem:$0x3FB0];
	_ =	sdelay $0x3  }
0x34: {  	[smem:$0x3FB0] =	sst s10  }
0x35: {  	s10 =	sld [smem:$0x3FAF];
	_ =	sdelay $0x3  }
0x36: {  	p1 =	seq.s32 s10, $0x1;
	s10 =	sld [smem:$0x3FB0];
	_ =	sdelay $0x3  }
0x37: {  	[smem:$0x3FB0] =	sst s10  }
0x38: {  	s10 =	sld [smem:$0x3FB1]  }
0x39: {  	_ = 	snop;
	(pc) =	sbr.ind lr, $3  }
0x3a: {  	_ = 	snop  }
0x3b: {  	_ = 	snop  }
0x3c: {  	p2 =	seq.s32 s10, $0x1;
	s10 =	sld [smem:$0x3FB0]  }
0x3d: {  	_ =	shalt  }
0x3e: {  	_ =	shalt  }
0x3f: {  	_ =	shalt  }
0x40: {  	_ =	shalt  }
0x41: {  	_ =	shalt  }
0x42: {  	_ =	shalt  }
0x43: {  	_ =	shalt  }
0x44: {  	_ =	shalt  }
0x45: {  	_ =	shalt  }
0x46: {  	_ =	shalt  }
0x47: {  	_ =	shalt  }
0x48: {  	_ =	shalt  }
0x49: {  	_ =	shalt  }
0x4a: {  	_ =	shalt  }
0x4b: {  	_ =	shalt  }
0x4c: {  	_ =	shalt  }
0x4d: {  	_ =	shalt  }
0x4e: {  	_ =	shalt  }
0x4f: {  	_ =	shalt  }
0x50: {  	_ =	shalt  }
0x51: {  	_ =	shalt  }
0x52: {  	_ =	shalt  }
0x53: {  	_ =	shalt  }
0x54: {  	_ =	shalt  }
0x55: {  	_ =	shalt  }
0x56: {  	_ =	shalt  }
0x57: {  	_ =	shalt  }
0x58: {  	_ =	shalt  }
0x59: {  	_ =	shalt  }
0x5a: {  	_ =	shalt  }
0x5b: {  	_ =	shalt  }
0x5c: {  	_ =	shalt  }
0x5d: {  	_ =	shalt  }
0x5e: {  	_ =	shalt  }
0x5f: {  	_ =	shalt  }
0x60: {  	_ =	shalt  }
0x61: {  	_ =	shalt  }
0x62: {  	_ =	shalt  }
0x63: {  	_ =	shalt  }
0x64: {  	_ =	shalt  }
0x65: {  	_ =	shalt  }
0x66: {  	_ =	shalt  }
0x67: {  	_ =	shalt  }
0x68: {  	_ =	shalt  }
0x69: {  	_ =	shalt  }
0x6a: {  	_ =	shalt  }
0x6b: {  	_ =	shalt  }
0x6c: {  	_ =	shalt  }
0x6d: {  	_ =	shalt  }
0x6e: {  	_ =	shalt  }
0x6f: {  	_ =	shalt  }
0x70: {  	_ =	shalt  }
0x71: {  	_ =	shalt  }
0x72: {  	_ =	shalt  }
0x73: {  	_ =	shalt  }
0x74: {  	_ =	shalt  }
0x75: {  	_ =	shalt  }
0x76: {  	_ =	shalt  }
0x77: {  	_ =	shalt  }
0x78: {  	_ =	shalt  }
0x79: {  	_ =	shalt  }
0x7a: {  	_ =	shalt  }
0x7b: {  	_ =	shalt  }
0x7c: {  	_ =	shalt  }
0x7d: {  	_ =	shalt  }
0x7e: {  	_ =	shalt  }
0x7f: {  	_ =	shalt  }
0x80: {  	_ =	shalt  }
0x81: {  	_ =	shalt  }
0x82: {  	_ =	shalt  }
0x83: {  	_ =	shalt  }
0x84: {  	_ =	shalt  }
0x85: {  	_ =	shalt  }
0x86: {  	_ =	shalt  }
0x87: {  	_ =	shalt  }
.Lfunc_end0:
.L_simem_size_0:
called_computation.2_lowered:
.L_overlay_start_0:
0x88: {  	s2 =	sld [smem:$0x3FD9]  }
0x89: {  	s3 =	sld [smem:$0x3FFE];
	_ =	sdelay $0x1  }
0x8a: {  	s1 =	srdreg.scid  }
0x8b: {  	s0 =	sand.u32 $0x1, s1  }
0x8c: {  	s17 =	sshll.u32 s0, $0xA;
	s2 =	sadd.s32 s3, s2  }
0x8d: {  	s2 =	sadd.s32 s2, s17  }
0x8e: {  	[smem:$0x3FBC] =	sst s2  }
0x8f: {  	_ = 	snop  }
0x90: {  	s2 =	sld [smem:$0x3FD0];
	(tm) =	ssettm $0x1  }
0x91: {  	s18 =	sld [smem:$0x3FFB];
	_ =	sdelay $0x3  }
0x92: {  	_ =	strace s18  }
0x93: {  	s3 =	sld [smem:$0x3FFC];
	_ =	sdelay $0x3  }
0x94: {  	_ =	strace s3  }
0x95: {  	s3 =	sld [smem:$0x3FFD];
	_ =	sdelay $0x3  }
0x96: {  	_ =	strace s3  }
0x97: {  	_ =	strace $0x8FFFFFFF  }
0x98: {  	s19 =	sld [smem:$0x3FDB];
	_ =	sdelay $0x1  }
0x99: {  	s4 =	simm.s32 $_scs_section_size  }
0x9a: {  	s5 =	simm.s32 $_size__tile_overlayer_lowered;
	s6 =	simm.s32 $_tile_overlayer_lowered  }
0x9b: {  	s22 =	simm.s32 $0x1BFF;
	s21 =	sshll.u32 s6, $0x1;
	s3 =	sadd.s32 s4, s19  }
0x9c: {  	s7 =	simm.s32 $0x0;
	s20 =	sshll.u32 s5, $0x1;
	s5 =	sadd.s32 s21, s3  }
0x9d: {  	[timem:s7], [sflag:s22] =	dma.local [hbm:s5], s20  }
0x9e: {  	_ =	swait.ge [sflag:s22], s20  }
0x9f: {  	s4 =	ssub.s32 $0x0, s20;
	[sflag:s22] =	ssyncset.done $0x0  }
0xa0: {  	[sflag:s22] =	ssyncadd.s32 s4;
	_ =	sdelay $0x1  }
0xa1: {  	s23 =	simm.s32 $0x1B8B  }
0xa2: {  	_ =	swait.ge [sflag:s23], $0x1  }
0xa3: {  	[sflag:s23] =	ssyncset.done $0x0  }
0xa4: {  	s25 =	simm.s32 $0x1B8E;
	s24 =	sld [smem:$0x3FFE];
	[sflag:s23] =	ssyncadd.s32 $0xFFFFFFFF  }
0xa5: {  	s26 =	simm.s32 $execute0_lowered;
	[smem:$0x3FD2] =	sst s25  }
0xa6: {  	s5 =	sshll.u32 s26, $0x1;
	_ =	strace $0x8000004C;
	[dreg:$0x1] =	wrdreg $0xFFFFFFFF  }
0xa7: {  	s28 =	simm.s32 $_size_execute0_lowered;
	s3 =	sadd.s32 s3, s5;
	[dreg:$0x0] =	wrdreg $0x0  }
0xa8: {  	s5 =	sshll.u32 s28, $0x1;
	[dreg:$0x2] =	wrdreg s3  }
0xa9: {  	[dreg:$0x3] =	wrdreg s5  }
0xaa: {  	[dreg:$0x4] =	wrdreg $0xC0  }
0xab: {  	_ =	task [dreg:s7], $0x5FFFF  }
0xac: {  	[dreg:$0x1] =	wrdreg $0xFFFFFFFF  }
0xad: {  	[dreg:$0x0] =	wrdreg $0x60  }
0xae: {  	[dreg:$0x2] =	wrdreg s24  }
0xaf: {  	[dreg:$0x3] =	wrdreg s2  }
0xb0: {  	[dreg:$0x4] =	wrdreg $0x11F800  }
0xb1: {  	[dreg:$0x5] =	wrdreg $0x9  }
0xb2: {  	_ =	task.clear_ibuf [dreg:s7], $0x6FFFF;
	_ =	strace $0x9000004C  }
0xb3: {  	s29 =	simm.s32 $0x9;
	_ =	strace $0x8000004E  }
0xb4: {  	_ =	swait.ge [sflag:s29], $0x1  }
0xb5: {  	[sflag:s29] =	ssyncadd.s32 $0xFFFFFFFF  }
0xb6: {  	_ =	strace $0x9000004E  }
0xb7: {  	_ =	sfence  }
0xb8: {  	s30 =	sld [smem:$0x0];
	_ =	sdelay $0x2  }
0xb9: {  	s31 =	sshll.u32 s1, $0xD;
	s1 =	sshrl.u32 s1, $0x2  }
0xba: {  	s3 =	sand.u32 $0x4000, s31;
	s1 =	sadd.s32 s1, s30  }
0xbb: {  	s0 =	sor.u32 s3, s0;
	s1 =	sshll.u32 s1, $0x11  }
0xbc: {  	s0 =	sor.u32 s1, s0  }
0xbd: {  	s0 =	sadd.s32 $0x8F2B, s0  }
0xbe: {  	[sflag:s0] =	ssyncadd.remote.s32 $0x1  }
0xbf: {  	_ =	sfence.sel $0xFFFF  }
0xc0: {  	[dreg:$0x0] =	wrdreg $0xFFFFFFFF;
	(pc) =	sbr.abs _section_cstart, $3  }
0xc1: {  	[dreg:$0x1] =	wrdreg $0xFFFFFFFF  }
0xc2: {  	_ =	task.clear_ibuf [dreg:s7], $0x2FFFF;
	_ =	strace $0x9FFFFFFF  }
0xc3: {  	(tm) =	ssettm $0x7FFFFFFF  }
tec
execute0_lowered:
.L_overlay_start_1:
0x0: {  	(tag) =	ssettag $0x1  }
0x1: {  	s0 =	rddreg [dreg:$0x0]  }
0x2: {  	s1 =	rddreg [dreg:$0x1]  }
0x3: {  	s2 =	rddreg [dreg:$0x2];
	s10 =	stileid.u32  }
0x4: {  	s4 =	srdreg.scid;
	s3 =	simm.s32 $0x0;
	s15 =	simm.s32 $0x10040  }
0x5: {  	s16 =	simm.s32 $0xC;
	s17 =	simm.s32 $0x1;
	s18 =	simm.s32 $0x50  }
0x6: {  	s19 =	simm.s32 $0x9C40;
	s20 =	simm.s32 $0xB040;
	s28 =	simm.s32 $0x2  }
0x7: {  	s29 =	simm.s32 $0x3;
	s30 =	simm.s32 $0x4;
	s6 =	smul.u32 $0x9C40, s10  }
0x8: {  	s31 =	simm.s32 $0x5;
	s14 =	simm.s32 $0x7;
	s8 =	smul.u32 $0x9C4, s10  }
0x9: {  	s5 =	sand.u32 $0x1, s4;
	[smem:$0x7FF] =	sst s3;
	s10 =	smul.u32 $0x27100, s10  }
0xa: {  	s4 =	sadd.s32 $0x5A400, s0;
	s7 =	smul.u32 $0x9C400, s5;
	_ =	strace $0x8000004D  }
0xb: {  	s9 =	ssub.s32 $0x2, s5;
	s5 =	smul.u32 $0x2710, s5;
	s11 =	sadd.s32 s8, s0  }
0xc: {  	s21 =	sshrl.u32 s9, $0x1;
	s10 =	sshrl.u32 s10, $0x2;
	s1 =	sadd.s32 s1, s8  }
0xd: {  	s7 =	sadd.s32 s6, s7;
	s9 =	ssub.s32 s9, s21;
	s22 =	sadd.s32 $0x2400, s11  }
0xe: {  	[dreg:$0x5] =	wrdreg s1;
	s23 =	sadd.s32 s10, s2;
	s21 =	simm.s32 $0x8  }
0xf: {  	s1 =	simm.s32 $0x9;
	v0 =	vmov s5;
	s5 =	simm.s32 $0x0;
	s7 =	sshrl.u32 s7, $0x3  }
0x10: {  	[dreg:$0x4] =	wrdreg s22;
	s24 =	sadd.s32 $0x1F40, s23;
	s25 =	sadd.s32 $0x3E80, s23  }
0x11: {  	s26 =	sadd.s32 $0x5DC0, s23;
	s11 =	sadd.s32 $0x7D00, s23;
	s13 =	smax.u32 s9, $0x1  }
0x12: {  	s22 =	simm.s32 $0xC440;
	s23 =	simm.s32 $0xA;
	[dreg:$0x6] =	wrdreg s24  }
0x13: {  	s0 =	sadd.s32 s7, s0;
	s7 =	sadd.s32 s6, s2;
	[dreg:$0x7] =	wrdreg s25  }
0x14: {  	[dreg:$0x8] =	wrdreg s26;
	s24 =	simm.s32 $0xD840;
	s26 =	simm.s32 $0xEC40  }
0x15: {  	v1 =	vimm.f32 $0.0e+00;
	s25 =	simm.s32 $0xB;
	s12 =	sadd.s32 $0x81600, s0;
	s0 =	simm.s32 $0x6  }
.LBB2_1:
0x16: {  	s6 =	rddreg [dreg:$0x4]  }
0x17: {  	[tilespmem:s3], [sflag:$0x1] =	stream.linear.gather [hbm4b:s6+s3], $0x4E20, $0x38;
	[tilespmem:$0x1BBC0] =	vst v63  }
0x18: {  	s10 =	rddreg [dreg:$0x5];
	s8 =	simm.s32 $0x4E20;
	s9 =	sand.u32 $0x7F00, s3  }
0x19: {  	[tilespmem:s8], [sflag:$0x1] =	stream.linear.gather [hbm4b:s10+s3], $0x4E20, $0x38;
	[tilespmem:$0x1BBC0] =	vst v63  }
0x1a: {  	s9 =	sshrl.u32 s9, $0x2;
	s10 =	sand.u32 $0x30, s3  }
0x1b: {  	s6 =	simm.s32 $0x40;
	s8 =	simm.s32 $0x0;
	s9 =	sor.u32 s10, s9  }
.LBB2_2:
0x1c: {  	p0 =	sne.s32 s6, $0x7CC0  }
0x1d: {  	[tilespmem:s9+$0x10040] =	vst v1;
	s8 =	sadd.s32 $0x10, s8;
	s9 =	smov.u32 s6;
	s6 =	sadd.s32 $0x40, s6  }
.Ltmp0:
0x1e: {  	(pc) =	sbr.rel @p0 .LBB2_2-.Ltmp0, $4  }
0x1f: {  	_ = 	snop  }
0x20: {  	s9 =	sand.u32 $0x7F00, s9  }
0x21: {  	s10 =	sand.u32 $0x30, s8;
	s9 =	sshrl.u32 s9, $0x2  }
0x22: {  	s9 =	sor.u32 s10, s9  }
0x23: {  	[tilespmem:s9+$0x10040] =	vst v1  }
0x24: {  	[spmem:s7] =	stream.linear.scatter [tilespmem:s15], [sflag:$0xC], $0x1F40, $0x38;
	[tilespmem:$0x1BBC0] =	vst v63  }
0x25: {  	_ =	swait.ge [sflag:s16], $0x1F40  }
0x26: {  	[sflag:s16] =	ssyncset.done $0x0  }
0x27: {  	s6 =	rddreg [dreg:$0x6];
	[sflag:s16] =	ssyncadd.s32 $0xFFFFE0C0  }
0x28: {  	[spmem:s6] =	stream.linear.scatter [tilespmem:s15], [sflag:$0xC], $0x1F40, $0x38;
	[tilespmem:$0x1BBC0] =	vst v63  }
0x29: {  	_ =	swait.ge [sflag:s16], $0x1F40  }
0x2a: {  	[sflag:s16] =	ssyncset.done $0x0  }
0x2b: {  	s9 =	rddreg [dreg:$0x7];
	[sflag:s16] =	ssyncadd.s32 $0xFFFFE0C0  }
0x2c: {  	[spmem:s9] =	stream.linear.scatter [tilespmem:s15], [sflag:$0xC], $0x1F40, $0x38;
	[tilespmem:$0x1BBC0] =	vst v63  }
0x2d: {  	_ =	swait.ge [sflag:s16], $0x1F40  }
0x2e: {  	[sflag:s16] =	ssyncset.done $0x0  }
0x2f: {  	s10 =	rddreg [dreg:$0x8];
	[sflag:s16] =	ssyncadd.s32 $0xFFFFE0C0  }
0x30: {  	[spmem:s10] =	stream.linear.scatter [tilespmem:s15], [sflag:$0xC], $0x1F40, $0x38;
	[tilespmem:$0x1BBC0] =	vst v63  }
0x31: {  	_ =	swait.ge [sflag:s16], $0x1F40  }
0x32: {  	[sflag:s16] =	ssyncset.done $0x0  }
0x33: {  	[sflag:s16] =	ssyncadd.s32 $0xFFFFE0C0  }
0x34: {  	[spmem:s11] =	stream.linear.scatter [tilespmem:s15], [sflag:$0xC], $0x1F40, $0x38;
	[tilespmem:$0x1BBC0] =	vst v63  }
0x35: {  	_ =	swait.ge [sflag:s16], $0x1F40  }
0x36: {  	[sflag:s16] =	ssyncset.done $0x0  }
0x37: {  	[sflag:s16] =	ssyncadd.s32 $0xFFFFE0C0  }
0x38: {  	_ =	swait.ge [sflag:s17], $0x4E20  }
0x39: {  	[sflag:s17] =	ssyncset.done $0x0  }
0x3a: {  	[sflag:s17] =	ssyncadd.s32 $0xFFFFB1E0  }
0x3b: {  	_ =	swait.ge [sflag:s17], $0x4E20  }
0x3c: {  	[sflag:s17] =	ssyncset.done $0x0  }
0x3d: {  	s6 =	simm.s32 $0x0;
	[sflag:s17] =	ssyncadd.s32 $0xFFFFB1E0  }
0x3e: {  	v5 =	vld [tilespmem:s6+$0x0]  }
0x3f: {  	v4 =	vld [tilespmem:s6+$0x10]  }
0x40: {  	v3 =	vld [tilespmem:s6+$0x20]  }
0x41: {  	s8 =	simm.s32 $0x140;
	v2 =	vld [tilespmem:s6+$0x30]  }
.LBB2_4:
0x42: {  	p0 =	sne.s32 s8, $0x13740;
	v6 =	vld [tilespmem:s6+$0x40]  }
0x43: {  	v5 =	vadd.s32 v0, v5  }
.Ltmp1:
0x44: {  	s9 =	sshra.s32 s8, $0x2;
	[tilespmem:s6+$0x0] =	vst v5;
	v4 =	vadd.s32 v0, v4;
	(pc) =	sbr.rel @p0 .LBB2_4-.Ltmp1, $4  }
0x45: {  	v5 =	vld [tilespmem:s9+$0x0];
	[tilespmem:s6+$0x10] =	vst v4;
	v3 =	vadd.s32 v0, v3  }
0x46: {  	v4 =	vld [tilespmem:s9+$0x10];
	[tilespmem:s6+$0x20] =	vst v3;
	v2 =	vadd.s32 v0, v2  }
0x47: {  	v3 =	vld [tilespmem:s9+$0x20];
	[tilespmem:s6+$0x30] =	vst v2;
	v6 =	vadd.s32 v0, v6  }
0x48: {  	s8 =	sadd.s32 $0x140, s8;
	v2 =	vld [tilespmem:s9+$0x30];
	[tilespmem:s6+$0x40] =	vst v6;
	s6 =	smov.u32 s9  }
0x49: {  	v6 =	vld [tilespmem:s6+$0x40]  }
0x4a: {  	v5 =	vadd.s32 v0, v5  }
0x4b: {  	[tilespmem:s6+$0x0] =	vst v5;
	v4 =	vadd.s32 v0, v4  }
0x4c: {  	[tilespmem:s6+$0x10] =	vst v4;
	v3 =	vadd.s32 v0, v3  }
0x4d: {  	[tilespmem:s6+$0x20] =	vst v3;
	v2 =	vadd.s32 v0, v2  }
0x4e: {  	[tilespmem:s6+$0x30] =	vst v2;
	v2 =	vadd.s32 v0, v6  }
0x4f: {  	[tilespmem:s6+$0x40] =	vst v2  }
0x50: {  	s10 =	simm.s32 $0x0;
	[bflag:$0x0] =	sbarrier.arrive $0xFFFF  }
0x51: {  	[tilespmem:s19], [sflag:$0x2] =	stream.indirect.gather [hbm4b:s4+s18], $0x40, s10, s18, $0xb8;
	[tilespmem:$0x1BBC0] =	vst v63  }
0x52: {  	_ = 	snop  }
0x53: {  	[tilespmem:s20], [sflag:$0x3] =	stream.indirect.gather [hbm4b:s4+s18], $0x40, s18, s18, $0xb8;
	[tilespmem:$0x1BBC0] =	vst v63  }
0x54: {  	s8 =	simm.s32 $0xA0  }
0x55: {  	[tilespmem:s22], [sflag:$0x4] =	stream.indirect.gather [hbm4b:s4+s18], $0x40, s8, s18, $0xb8;
	[tilespmem:$0x1BBC0] =	vst v63  }
0x56: {  	s9 =	simm.s32 $0xF0  }
0x57: {  	[tilespmem:s24], [sflag:$0x5] =	stream.indirect.gather [hbm4b:s4+s18], $0x40, s9, s18, $0xb8;
	[tilespmem:$0x1BBC0] =	vst v63  }
0x58: {  	s10 =	simm.s32 $0x140  }
0x59: {  	[tilespmem:s26], [sflag:$0x6] =	stream.indirect.gather [hbm4b:s4+s18], $0x40, s10, s18, $0xb8;
	[tilespmem:$0x1BBC0] =	vst v63  }
0x5a: {  	_ =	swait.ge [sflag:s28], $0x1400  }
0x5b: {  	[sflag:s28] =	ssyncset.done $0x0  }
0x5c: {  	s8 =	simm.s32 $0x4E20;
	[sflag:s28] =	ssyncadd.s32 $0xFFFFEC00  }
0x5d: {  	[spmem:s2] =	stream.indirect.scatter.add.f32 [tilespmem:s19], [sflag:$0x7], $0x40, s8, s18, $0xb8;
	[tilespmem:$0x1BBC0] =	vst v63  }
0x5e: {  	_ =	swait.ge [sflag:s29], $0x1400  }
0x5f: {  	[sflag:s29] =	ssyncset.done $0x0  }
0x60: {  	s9 =	simm.s32 $0x4E70;
	[sflag:s29] =	ssyncadd.s32 $0xFFFFEC00  }
0x61: {  	[spmem:s2] =	stream.indirect.scatter.add.f32 [tilespmem:s20], [sflag:$0x8], $0x40, s9, s18, $0xb8;
	[tilespmem:$0x1BBC0] =	vst v63  }
0x62: {  	_ =	swait.ge [sflag:s30], $0x1400  }
0x63: {  	[sflag:s30] =	ssyncset.done $0x0  }
0x64: {  	s10 =	simm.s32 $0x4EC0;
	[sflag:s30] =	ssyncadd.s32 $0xFFFFEC00  }
0x65: {  	[spmem:s2] =	stream.indirect.scatter.add.f32 [tilespmem:s22], [sflag:$0x9], $0x40, s10, s18, $0xb8;
	[tilespmem:$0x1BBC0] =	vst v63  }
0x66: {  	_ =	swait.ge [sflag:s31], $0x1400  }
0x67: {  	[sflag:s31] =	ssyncset.done $0x0  }
0x68: {  	s8 =	simm.s32 $0x4F10;
	[sflag:s31] =	ssyncadd.s32 $0xFFFFEC00  }
0x69: {  	[spmem:s2] =	stream.indirect.scatter.add.f32 [tilespmem:s24], [sflag:$0xA], $0x40, s8, s18, $0xb8;
	[tilespmem:$0x1BBC0] =	vst v63  }
0x6a: {  	_ =	swait.ge [sflag:s0], $0x1400  }
0x6b: {  	[sflag:s0] =	ssyncset.done $0x0  }
0x6c: {  	s9 =	simm.s32 $0x4F60;
	[sflag:s0] =	ssyncadd.s32 $0xFFFFEC00  }
0x6d: {  	[spmem:s2] =	stream.indirect.scatter.add.f32 [tilespmem:s26], [sflag:$0xB], $0x40, s9, s18, $0xb8;
	[tilespmem:$0x1BBC0] =	vst v63  }
0x6e: {  	_ =	swait.ge [sflag:s14], $0x1400  }
0x6f: {  	[sflag:s14] =	ssyncset.done $0x0  }
0x70: {  	s10 =	simm.s32 $0x190;
	[sflag:s14] =	ssyncadd.s32 $0xFFFFEC00  }
0x71: {  	[tilespmem:s19], [sflag:$0x2] =	stream.indirect.gather [hbm4b:s4+s18], $0x40, s10, s18, $0xb8;
	[tilespmem:$0x1BBC0] =	vst v63  }
0x72: {  	_ =	swait.ge [sflag:s21], $0x1400  }
0x73: {  	[sflag:s21] =	ssyncset.done $0x0  }
0x74: {  	s8 =	simm.s32 $0x1E0;
	[sflag:s21] =	ssyncadd.s32 $0xFFFFEC00  }
0x75: {  	[tilespmem:s20], [sflag:$0x3] =	stream.indirect.gather [hbm4b:s4+s18], $0x40, s8, s18, $0xb8;
	[tilespmem:$0x1BBC0] =	vst v63  }
0x76: {  	_ =	swait.ge [sflag:s1], $0x1400  }
0x77: {  	[sflag:s1] =	ssyncset.done $0x0  }
0x78: {  	s9 =	simm.s32 $0x230;
	[sflag:s1] =	ssyncadd.s32 $0xFFFFEC00  }
0x79: {  	[tilespmem:s22], [sflag:$0x4] =	stream.indirect.gather [hbm4b:s4+s18], $0x40, s9, s18, $0xb8;
	[tilespmem:$0x1BBC0] =	vst v63  }
0x7a: {  	_ =	swait.ge [sflag:s23], $0x1400  }
0x7b: {  	[sflag:s23] =	ssyncset.done $0x0  }
0x7c: {  	s10 =	simm.s32 $0x280;
	[sflag:s23] =	ssyncadd.s32 $0xFFFFEC00  }
0x7d: {  	[tilespmem:s24], [sflag:$0x5] =	stream.indirect.gather [hbm4b:s4+s18], $0x40, s10, s18, $0xb8;
	[tilespmem:$0x1BBC0] =	vst v63  }
0x7e: {  	_ =	swait.ge [sflag:s25], $0x1400  }
0x7f: {  	[sflag:s25] =	ssyncset.done $0x0  }
0x80: {  	s6 =	simm.s32 $0x640;
	s8 =	simm.s32 $0x2D0;
	[sflag:s25] =	ssyncadd.s32 $0xFFFFEC00  }
.LBB2_6:
0x81: {  	[tilespmem:s26], [sflag:$0x6] =	stream.indirect.gather [hbm4b:s4+s18], $0x40, s8, s18, $0xb8;
	[tilespmem:$0x1BBC0] =	vst v63  }
0x82: {  	s8 =	smov.u32 s6  }
0x83: {  	p0 =	sne.s32 s6, $0x12C00;
	s6 =	sadd.s32 $0x640, s6;
	_ =	swait.ge [sflag:s28], $0x1400  }
0x84: {  	s8 =	sshra.s32 s8, $0x2;
	[sflag:s28] =	ssyncset.done $0x0  }
0x85: {  	s9 =	sadd.s32 $0x4E20, s8;
	[sflag:s28] =	ssyncadd.s32 $0xFFFFEC00  }
0x86: {  	[spmem:s2] =	stream.indirect.scatter.add.f32 [tilespmem:s19], [sflag:$0x7], $0x40, s9, s18, $0xb8;
	[tilespmem:$0x1BBC0] =	vst v63  }
0x87: {  	_ =	swait.ge [sflag:s29], $0x1400  }
0x88: {  	[sflag:s29] =	ssyncset.done $0x0  }
0x89: {  	s9 =	sadd.s32 $0x4E70, s8;
	[sflag:s29] =	ssyncadd.s32 $0xFFFFEC00  }
0x8a: {  	[spmem:s2] =	stream.indirect.scatter.add.f32 [tilespmem:s20], [sflag:$0x8], $0x40, s9, s18, $0xb8;
	[tilespmem:$0x1BBC0] =	vst v63  }
0x8b: {  	_ =	swait.ge [sflag:s30], $0x1400  }
0x8c: {  	[sflag:s30] =	ssyncset.done $0x0  }
0x8d: {  	s9 =	sadd.s32 $0x4EC0, s8;
	[sflag:s30] =	ssyncadd.s32 $0xFFFFEC00  }
0x8e: {  	[spmem:s2] =	stream.indirect.scatter.add.f32 [tilespmem:s22], [sflag:$0x9], $0x40, s9, s18, $0xb8;
	[tilespmem:$0x1BBC0] =	vst v63  }
0x8f: {  	_ =	swait.ge [sflag:s31], $0x1400  }
0x90: {  	[sflag:s31] =	ssyncset.done $0x0  }
0x91: {  	s9 =	sadd.s32 $0x4F10, s8;
	[sflag:s31] =	ssyncadd.s32 $0xFFFFEC00  }
0x92: {  	[spmem:s2] =	stream.indirect.scatter.add.f32 [tilespmem:s24], [sflag:$0xA], $0x40, s9, s18, $0xb8;
	[tilespmem:$0x1BBC0] =	vst v63  }
0x93: {  	_ =	swait.ge [sflag:s0], $0x1400  }
0x94: {  	[sflag:s0] =	ssyncset.done $0x0  }
0x95: {  	s9 =	sadd.s32 $0x4F60, s8;
	[sflag:s0] =	ssyncadd.s32 $0xFFFFEC00  }
0x96: {  	[spmem:s2] =	stream.indirect.scatter.add.f32 [tilespmem:s26], [sflag:$0xB], $0x40, s9, s18, $0xb8;
	[tilespmem:$0x1BBC0] =	vst v63  }
0x97: {  	_ =	swait.ge [sflag:s14], $0x1400  }
0x98: {  	[sflag:s14] =	ssyncset.done $0x0  }
0x99: {  	s9 =	sadd.s32 $0x190, s8;
	[sflag:s14] =	ssyncadd.s32 $0xFFFFEC00  }
0x9a: {  	[tilespmem:s19], [sflag:$0x2] =	stream.indirect.gather [hbm4b:s4+s18], $0x40, s9, s18, $0xb8;
	[tilespmem:$0x1BBC0] =	vst v63  }
0x9b: {  	_ =	swait.ge [sflag:s21], $0x1400  }
0x9c: {  	[sflag:s21] =	ssyncset.done $0x0  }
0x9d: {  	s9 =	sadd.s32 $0x1E0, s8;
	[sflag:s21] =	ssyncadd.s32 $0xFFFFEC00  }
0x9e: {  	[tilespmem:s20], [sflag:$0x3] =	stream.indirect.gather [hbm4b:s4+s18], $0x40, s9, s18, $0xb8;
	[tilespmem:$0x1BBC0] =	vst v63  }
0x9f: {  	_ =	swait.ge [sflag:s1], $0x1400  }
0xa0: {  	[sflag:s1] =	ssyncset.done $0x0  }
0xa1: {  	s9 =	sadd.s32 $0x230, s8;
	[sflag:s1] =	ssyncadd.s32 $0xFFFFEC00  }
0xa2: {  	[tilespmem:s22], [sflag:$0x4] =	stream.indirect.gather [hbm4b:s4+s18], $0x40, s9, s18, $0xb8;
	[tilespmem:$0x1BBC0] =	vst v63  }
0xa3: {  	_ =	swait.ge [sflag:s23], $0x1400  }
0xa4: {  	[sflag:s23] =	ssyncset.done $0x0  }
.Ltmp2:
0xa5: {  	s9 =	sadd.s32 $0x280, s8;
	[sflag:s23] =	ssyncadd.s32 $0xFFFFEC00;
	(pc) =	sbr.rel @p0 .LBB2_6-.Ltmp2, $4  }
0xa6: {  	[tilespmem:s24], [sflag:$0x5] =	stream.indirect.gather [hbm4b:s4+s18], $0x40, s9, s18, $0xb8;
	[tilespmem:$0x1BBC0] =	vst v63  }
0xa7: {  	_ =	swait.ge [sflag:s25], $0x1400  }
0xa8: {  	[sflag:s25] =	ssyncset.done $0x0  }
0xa9: {  	s8 =	sadd.s32 $0x2D0, s8;
	[sflag:s25] =	ssyncadd.s32 $0xFFFFEC00  }
0xaa: {  	[tilespmem:s26], [sflag:$0x6] =	stream.indirect.gather [hbm4b:s4+s18], $0x40, s8, s18, $0xb8;
	[tilespmem:$0x1BBC0] =	vst v63  }
0xab: {  	_ =	swait.ge [sflag:s28], $0x1400  }
0xac: {  	[sflag:s28] =	ssyncset.done $0x0  }
0xad: {  	s6 =	simm.s32 $0x9AB0;
	[sflag:s28] =	ssyncadd.s32 $0xFFFFEC00  }
0xae: {  	[spmem:s2] =	stream.indirect.scatter.add.f32 [tilespmem:s19], [sflag:$0x7], $0x40, s6, s18, $0xb8;
	[tilespmem:$0x1BBC0] =	vst v63  }
0xaf: {  	_ =	swait.ge [sflag:s29], $0x1400  }
0xb0: {  	[sflag:s29] =	ssyncset.done $0x0  }
0xb1: {  	s8 =	simm.s32 $0x9B00;
	[sflag:s29] =	ssyncadd.s32 $0xFFFFEC00  }
0xb2: {  	[spmem:s2] =	stream.indirect.scatter.add.f32 [tilespmem:s20], [sflag:$0x8], $0x40, s8, s18, $0xb8;
	[tilespmem:$0x1BBC0] =	vst v63  }
0xb3: {  	_ =	swait.ge [sflag:s30], $0x1400  }
0xb4: {  	[sflag:s30] =	ssyncset.done $0x0  }
0xb5: {  	s9 =	simm.s32 $0x9B50;
	[sflag:s30] =	ssyncadd.s32 $0xFFFFEC00  }
0xb6: {  	[spmem:s2] =	stream.indirect.scatter.add.f32 [tilespmem:s22], [sflag:$0x9], $0x40, s9, s18, $0xb8;
	[tilespmem:$0x1BBC0] =	vst v63  }
0xb7: {  	_ =	swait.ge [sflag:s31], $0x1400  }
0xb8: {  	[sflag:s31] =	ssyncset.done $0x0  }
0xb9: {  	s10 =	simm.s32 $0x9BA0;
	[sflag:s31] =	ssyncadd.s32 $0xFFFFEC00  }
0xba: {  	[spmem:s2] =	stream.indirect.scatter.add.f32 [tilespmem:s24], [sflag:$0xA], $0x40, s10, s18, $0xb8;
	[tilespmem:$0x1BBC0] =	vst v63  }
0xbb: {  	_ =	swait.ge [sflag:s0], $0x1400  }
0xbc: {  	[sflag:s0] =	ssyncset.done $0x0  }
0xbd: {  	s8 =	simm.s32 $0x9BF0;
	[sflag:s0] =	ssyncadd.s32 $0xFFFFEC00  }
0xbe: {  	[spmem:s2] =	stream.indirect.scatter.add.f32 [tilespmem:s26], [sflag:$0xB], $0x40, s8, s18, $0xb8;
	[tilespmem:$0x1BBC0] =	vst v63  }
0xbf: {  	_ =	swait.ge [sflag:s14], $0x1400  }
0xc0: {  	[sflag:s14] =	ssyncset.done $0x0  }
0xc1: {  	[sflag:s14] =	ssyncadd.s32 $0xFFFFEC00  }
0xc2: {  	_ =	swait.ge [sflag:s21], $0x1400  }
0xc3: {  	[sflag:s21] =	ssyncset.done $0x0  }
0xc4: {  	[sflag:s21] =	ssyncadd.s32 $0xFFFFEC00  }
0xc5: {  	_ =	swait.ge [sflag:s1], $0x1400  }
0xc6: {  	[sflag:s1] =	ssyncset.done $0x0  }
0xc7: {  	[sflag:s1] =	ssyncadd.s32 $0xFFFFEC00  }
0xc8: {  	_ =	swait.ge [sflag:s23], $0x1400  }
0xc9: {  	[sflag:s23] =	ssyncset.done $0x0  }
0xca: {  	[sflag:s23] =	ssyncadd.s32 $0xFFFFEC00  }
0xcb: {  	s9 =	stileid.u32;
	_ =	swait.ge [sflag:s25], $0x1400  }
0xcc: {  	s5 =	sadd.s32 $0x1, s5;
	s6 =	sshll.u32 s9, $0x6;
	[sflag:s25] =	ssyncset.done $0x0  }
0xcd: {  	p0 =	sne.s32 s5, s13;
	s6 =	sor.u32 $0x1C0C, s6;
	[sflag:s25] =	ssyncadd.s32 $0xFFFFEC00  }
.Ltmp3:
0xce: {  	s10 =	sshrl.u32 s7, $0x3;
	[bflag:$0x0] =	sbarrier.arrive $0xFFFF;
	(pc) =	sbr.rel @p0 .LBB2_1-.Ltmp3, $4  }
0xcf: {  	[hbm:s12], [sflag:s6] =	dma.local [spmem:s10], $0x1388  }
0xd0: {  	_ =	swait.ge [sflag:s16], $0x1388  }
0xd1: {  	[sflag:s16] =	ssyncset.done $0x0  }
0xd2: {  	[sflag:s16] =	ssyncadd.s32 $0xFFFFEC78  }
0xd3: {  	_ =	sfence.sel $0x180000  }
0xd4: {  	[bflag:$0x0] =	sbarrier.arrive $0xFFFF  }
0xd5: {  	_ =	strace $0x9000004D  }
0xd6: {  	s0 =	stileid.u32;
	[bflag:$0x2] =	sbarrier.arrive $0xFFFF  }
0xd7: {  	p0 =	sne.s32 s0, $0x0;
	s0 =	rddreg [dreg:$0x3]  }
0xd8: {  	s0 =	sadd.s32 @!p0 $0x100000, s0  }
0xd9: {  	[sflag:s0] =	ssyncadd.tile.s32 @!p0 $0x1;
	_ =	shalt  }
.Lfunc_end2:
_tile_overlayer_lowered:
.L_overlay_start_2:
0xda: {  	(tag) =	ssettag $0x2  }
0xdb: {  	s0 =	rddreg [dreg:$0x0];
	s2 =	stileid.u32  }
0xdc: {  	s1 =	rddreg [dreg:$0x1];
	p0 =	sne.s32 s2, $0x0  }
0xdd: {  	s3 =	rddreg [dreg:$0x2];
	[bflag:$0x3] =	sbarrier.arrive $0xFFFF;
	s2 =	simm.s32 @!p0 $0x1C0C  }
0xde: {  	[timem:s3], [sflag:s2] =	dma.local @!p0 [hbm:s0], s1  }
0xdf: {  	s0 =	simm.s32 @!p0 $0xC  }
0xe0: {  	_ =	swait.ge @!p0 [sflag:s0], s1  }
0xe1: {  	s1 =	ssub.s32 @!p0 $0x0, s1;
	[sflag:s0] =	ssyncset.done @!p0 $0x0  }
0xe2: {  	[sflag:s0] =	ssyncadd.s32 @!p0 s1  }
0xe3: {  	[bflag:$0x3] =	sbarrier.arrive $0xFFFF  }
0xe4: {  	_ =	shalt  }

// kernel: kernel.8.cloned.1.call-start
scs
__scs_entry_jumppad:
0x0: {  	(pc) =	sbr.rel $0x88, $3  }
0x1: {  	(tag) =	ssettag $0x0;
	lr =	simm.s32 $0x1  }
0x2: {  	[smem:$0x3F95] =	sst lr;
	_ =	strace $0xD0000000  }
0x3: {  	_ = 	snop  }
0x4: {  	_ = 	snop  }
0x5: {  	_ = 	snop  }
0x6: {  	_ = 	snop  }
0x7: {  	_ = 	snop  }
__scs_overlays_trampoline_lowered:
0x8: {  	[smem:$0x3FA4] =	sst s0  }
0x9: {  	[smem:$0x3FA5] =	sst s1  }
0xa: {  	[smem:$0x3FA6] =	sst s2  }
0xb: {  	[smem:$0x3FA7] =	sst s3  }
0xc: {  	[smem:$0x3FA8] =	sst s4  }
0xd: {  	[smem:$0x3FA9] =	sst s5  }
0xe: {  	[smem:$0x3FAA] =	sst s6  }
0xf: {  	[smem:$0x3FAB] =	sst s7  }
0x10: {  	[smem:$0x3FAC] =	sst s8  }
0x11: {  	[smem:$0x3FAD] =	sst s9;
	s0 =	simm.s32 @!p0 $0x0  }
0x12: {  	s1 =	sld [smem:$0x3F93];
	s0 =	simm.s32 @p0 $0x1  }
0x13: {  	[smem:$0x3FAE] =	sst s0;
	s0 =	simm.s32 @!p1 $0x0  }
0x14: {  	s2 =	sld [smem:$0x3F92];
	s0 =	simm.s32 @p1 $0x1  }
0x15: {  	[smem:$0x3FAF] =	sst s0;
	s0 =	simm.s32 @!p2 $0x0  }
0x16: {  	s3 =	sld [smem:$0x3FDB];
	s0 =	simm.s32 @p2 $0x1  }
0x17: {  	s4 =	simm.s32 $0x1BF5;
	[smem:$0x3FB1] =	sst s0  }
0x18: {  	s0 =	sld [smem:$0x3F94];
	_ =	swait.ge [sflag:s4], $0x0  }
0x19: {  	s7 =	sld [smem:$0x3F95]  }
0x1a: {  	s8 =	sadd.s32 $0xFFFFE003, lr  }
0x1b: {  	s9 =	sadd.s32 $0xFFFFFEF7, lr;
	s5 =	simm.s32 $0xFFFFFFFF;
	p2 =	slt.u32 s8, $0xFFFFF086  }
0x1c: {  	p1 =	slt.u32 s9, $0xF7A;
	s5 =	simm.s32 @!p2 $0x0  }
0x1d: {  	s5 =	simm.s32 @p1 $0x1;
	p0 =	seq.s32 s7, s2  }
0x1e: {  	s7 =	smul.u32 @!p0 $0xF7A, s2;
	p2 =	seq.s32 @!p0 s5, $0x0  }
0x1f: {  	s9 =	smul.u32 $0xF7A, s1;
	s8 =	simm.s32 @!p0 $0x1BF5;
	p2 =	por !p2, p0  }
0x20: {  	[sflag:s8] =	ssyncset.s32 @!p0 $0xFFFFF086;
	s6 =	sadd.s32 @!p0 s3, s7;
	s7 =	simm.s32 @!p0 $0x108  }
0x21: {  	s3 =	sadd.s32 s3, s9;
	s6 =	sadd.s32 @!p0 $0x88, s6;
	s7 =	simm.s32 @p2 $0x1082  }
0x22: {  	[simem:s7], [sflag:s8] =	dma.local @!p0 [hbm:s6], $0xF7A  }
0x23: {  	s9 =	sor.u32 $0xD0000000, s2;
	s6 =	simm.s32 $0x108;
	_ =	swait.ge @!p0 [sflag:s8], $0x0  }
0x24: {  	s3 =	sadd.s32 $0x88, s3;
	s6 =	simm.s32 @!p1 $0x1082;
	[sflag:s4] =	ssyncset.s32 $0xFFFFF086  }
0x25: {  	[simem:s6], [sflag:s4] =	dma.local [hbm:s3], $0xF7A  }
0x26: {  	[smem:$0x3F95] =	sst s1;
	(tag) =	ssettag s2;
	_ =	strace s9  }
0x27: {  	s1 =	sld [smem:$0x3FA5]  }
0x28: {  	s2 =	sld [smem:$0x3FA6]  }
0x29: {  	s4 =	sld [smem:$0x3FA8]  }
0x2a: {  	p0 =	seq.s32 s5, $0x0;
	s5 =	sld [smem:$0x3FA9]  }
0x2b: {  	s6 =	sld [smem:$0x3FAA]  }
0x2c: {  	s7 =	sld [smem:$0x3FAB]  }
0x2d: {  	s3 =	simm.s32 $0x108;
	s8 =	sld [smem:$0x3FAC]  }
0x2e: {  	s3 =	simm.s32 @!p0 $0x1082;
	s9 =	sld [smem:$0x3FAD]  }
0x2f: {  	lr =	sadd.s32 s0, s3;
	s0 =	sld [smem:$0x3FA4]  }
0x30: {  	s3 =	sld [smem:$0x3FA7]  }
0x31: {  	[smem:$0x3FB0] =	sst s10  }
0x32: {  	s10 =	sld [smem:$0x3FAE];
	_ =	sdelay $0x3  }
0x33: {  	p0 =	seq.s32 s10, $0x1;
	s10 =	sld [smem:$0x3FB0];
	_ =	sdelay $0x3  }
0x34: {  	[smem:$0x3FB0] =	sst s10  }
0x35: {  	s10 =	sld [smem:$0x3FAF];
	_ =	sdelay $0x3  }
0x36: {  	p1 =	seq.s32 s10, $0x1;
	s10 =	sld [smem:$0x3FB0];
	_ =	sdelay $0x3  }
0x37: {  	[smem:$0x3FB0] =	sst s10  }
0x38: {  	s10 =	sld [smem:$0x3FB1]  }
0x39: {  	_ = 	snop;
	(pc) =	sbr.ind lr, $3  }
0x3a: {  	_ = 	snop  }
0x3b: {  	_ = 	snop  }
0x3c: {  	p2 =	seq.s32 s10, $0x1;
	s10 =	sld [smem:$0x3FB0]  }
0x3d: {  	_ =	shalt  }
0x3e: {  	_ =	shalt  }
0x3f: {  	_ =	shalt  }
0x40: {  	_ =	shalt  }
0x41: {  	_ =	shalt  }
0x42: {  	_ =	shalt  }
0x43: {  	_ =	shalt  }
0x44: {  	_ =	shalt  }
0x45: {  	_ =	shalt  }
0x46: {  	_ =	shalt  }
0x47: {  	_ =	shalt  }
0x48: {  	_ =	shalt  }
0x49: {  	_ =	shalt  }
0x4a: {  	_ =	shalt  }
0x4b: {  	_ =	shalt  }
0x4c: {  	_ =	shalt  }
0x4d: {  	_ =	shalt  }
0x4e: {  	_ =	shalt  }
0x4f: {  	_ =	shalt  }
0x50: {  	_ =	shalt  }
0x51: {  	_ =	shalt  }
0x52: {  	_ =	shalt  }
0x53: {  	_ =	shalt  }
0x54: {  	_ =	shalt  }
0x55: {  	_ =	shalt  }
0x56: {  	_ =	shalt  }
0x57: {  	_ =	shalt  }
0x58: {  	_ =	shalt  }
0x59: {  	_ =	shalt  }
0x5a: {  	_ =	shalt  }
0x5b: {  	_ =	shalt  }
0x5c: {  	_ =	shalt  }
0x5d: {  	_ =	shalt  }
0x5e: {  	_ =	shalt  }
0x5f: {  	_ =	shalt  }
0x60: {  	_ =	shalt  }
0x61: {  	_ =	shalt  }
0x62: {  	_ =	shalt  }
0x63: {  	_ =	shalt  }
0x64: {  	_ =	shalt  }
0x65: {  	_ =	shalt  }
0x66: {  	_ =	shalt  }
0x67: {  	_ =	shalt  }
0x68: {  	_ =	shalt  }
0x69: {  	_ =	shalt  }
0x6a: {  	_ =	shalt  }
0x6b: {  	_ =	shalt  }
0x6c: {  	_ =	shalt  }
0x6d: {  	_ =	shalt  }
0x6e: {  	_ =	shalt  }
0x6f: {  	_ =	shalt  }
0x70: {  	_ =	shalt  }
0x71: {  	_ =	shalt  }
0x72: {  	_ =	shalt  }
0x73: {  	_ =	shalt  }
0x74: {  	_ =	shalt  }
0x75: {  	_ =	shalt  }
0x76: {  	_ =	shalt  }
0x77: {  	_ =	shalt  }
0x78: {  	_ =	shalt  }
0x79: {  	_ =	shalt  }
0x7a: {  	_ =	shalt  }
0x7b: {  	_ =	shalt  }
0x7c: {  	_ =	shalt  }
0x7d: {  	_ =	shalt  }
0x7e: {  	_ =	shalt  }
0x7f: {  	_ =	shalt  }
0x80: {  	_ =	shalt  }
0x81: {  	_ =	shalt  }
0x82: {  	_ =	shalt  }
0x83: {  	_ =	shalt  }
0x84: {  	_ =	shalt  }
0x85: {  	_ =	shalt  }
0x86: {  	_ =	shalt  }
0x87: {  	_ =	shalt  }
.Lfunc_end0:
.L_simem_size_0:
called_computation_lowered:
.L_overlay_start_0:
0x88: {  	s2 =	sld [smem:$0x3FD9]  }
0x89: {  	s3 =	sld [smem:$0x3FFE];
	_ =	sdelay $0x1  }
0x8a: {  	s1 =	srdreg.scid  }
0x8b: {  	s0 =	sand.u32 $0x1, s1  }
0x8c: {  	s17 =	sshll.u32 s0, $0xA;
	s2 =	sadd.s32 s3, s2  }
0x8d: {  	s2 =	sadd.s32 s2, s17  }
0x8e: {  	[smem:$0x3FBC] =	sst s2  }
0x8f: {  	_ = 	snop  }
0x90: {  	s2 =	sld [smem:$0x3FD0];
	(tm) =	ssettm $0x1  }
0x91: {  	s18 =	sld [smem:$0x3FFB];
	_ =	sdelay $0x3  }
0x92: {  	_ =	strace s18  }
0x93: {  	s3 =	sld [smem:$0x3FFC];
	_ =	sdelay $0x3  }
0x94: {  	_ =	strace s3  }
0x95: {  	s3 =	sld [smem:$0x3FFD];
	_ =	sdelay $0x3  }
0x96: {  	_ =	strace s3  }
0x97: {  	_ =	strace $0x8FFFFFFF  }
0x98: {  	s19 =	sld [smem:$0x3FDB];
	_ =	sdelay $0x1  }
0x99: {  	s4 =	simm.s32 $_scs_section_size  }
0x9a: {  	s5 =	simm.s32 $_size__tile_overlayer_lowered;
	s6 =	simm.s32 $_tile_overlayer_lowered  }
0x9b: {  	s22 =	simm.s32 $0x1BFF;
	s21 =	sshll.u32 s6, $0x1;
	s3 =	sadd.s32 s4, s19  }
0x9c: {  	s7 =	simm.s32 $0x0;
	s20 =	sshll.u32 s5, $0x1;
	s5 =	sadd.s32 s21, s3  }
0x9d: {  	[timem:s7], [sflag:s22] =	dma.local [hbm:s5], s20  }
0x9e: {  	_ =	swait.ge [sflag:s22], s20  }
0x9f: {  	s4 =	ssub.s32 $0x0, s20;
	[sflag:s22] =	ssyncset.done $0x0  }
0xa0: {  	[sflag:s22] =	ssyncadd.s32 s4;
	_ =	sdelay $0x1  }
0xa1: {  	s23 =	simm.s32 $0x1B8B  }
0xa2: {  	_ =	swait.ge [sflag:s23], $0x1  }
0xa3: {  	[sflag:s23] =	ssyncset.done $0x0  }
0xa4: {  	s25 =	simm.s32 $0x1B8E;
	s24 =	sld [smem:$0x3FFE];
	[sflag:s23] =	ssyncadd.s32 $0xFFFFFFFF  }
0xa5: {  	s26 =	simm.s32 $execute0_lowered;
	[smem:$0x3FD2] =	sst s25  }
0xa6: {  	s5 =	sshll.u32 s26, $0x1;
	_ =	strace $0x80000046;
	[dreg:$0x1] =	wrdreg $0xFFFFFFFF  }
0xa7: {  	s28 =	simm.s32 $_size_execute0_lowered;
	s3 =	sadd.s32 s3, s5;
	[dreg:$0x0] =	wrdreg $0x0  }
0xa8: {  	s5 =	sshll.u32 s28, $0x1;
	[dreg:$0x2] =	wrdreg s3  }
0xa9: {  	[dreg:$0x3] =	wrdreg s5  }
0xaa: {  	[dreg:$0x4] =	wrdreg $0xC0  }
0xab: {  	_ =	task [dreg:s7], $0x5FFFF  }
0xac: {  	[dreg:$0x1] =	wrdreg $0xFFFFFFFF  }
0xad: {  	[dreg:$0x0] =	wrdreg $0x60  }
0xae: {  	[dreg:$0x2] =	wrdreg s2  }
0xaf: {  	[dreg:$0x3] =	wrdreg s24  }
0xb0: {  	[dreg:$0x4] =	wrdreg $0x53200  }
0xb1: {  	[dreg:$0x5] =	wrdreg $0x9  }
0xb2: {  	_ =	task.clear_ibuf [dreg:s7], $0x6FFFF;
	_ =	strace $0x90000046  }
0xb3: {  	s29 =	simm.s32 $0x9;
	_ =	strace $0x80000048  }
0xb4: {  	_ =	swait.ge [sflag:s29], $0x1  }
0xb5: {  	[sflag:s29] =	ssyncadd.s32 $0xFFFFFFFF  }
0xb6: {  	_ =	strace $0x90000048  }
0xb7: {  	_ =	sfence  }
0xb8: {  	s30 =	sld [smem:$0x0];
	_ =	sdelay $0x2  }
0xb9: {  	s31 =	sshll.u32 s1, $0xD;
	s1 =	sshrl.u32 s1, $0x2  }
0xba: {  	s3 =	sand.u32 $0x4000, s31;
	s1 =	sadd.s32 s1, s30  }
0xbb: {  	s0 =	sor.u32 s3, s0;
	s1 =	sshll.u32 s1, $0x11  }
0xbc: {  	s0 =	sor.u32 s1, s0  }
0xbd: {  	s0 =	sadd.s32 $0x8F2B, s0  }
0xbe: {  	[sflag:s0] =	ssyncadd.remote.s32 $0x1  }
0xbf: {  	_ =	sfence.sel $0xFFFF  }
0xc0: {  	[dreg:$0x0] =	wrdreg $0xFFFFFFFF;
	(pc) =	sbr.abs _section_cstart, $3  }
0xc1: {  	[dreg:$0x1] =	wrdreg $0xFFFFFFFF  }
0xc2: {  	_ =	task.clear_ibuf [dreg:s7], $0x2FFFF;
	_ =	strace $0x9FFFFFFF  }
0xc3: {  	(tm) =	ssettm $0x7FFFFFFF  }
tec
execute0_lowered:
.L_overlay_start_1:
0x0: {  	(tag) =	ssettag $0x1  }
0x1: {  	s4 =	rddreg [dreg:$0x0]  }
0x2: {  	s5 =	rddreg [dreg:$0x1]  }
0x3: {  	s2 =	rddreg [dreg:$0x2];
	s3 =	srdreg.scid  }
0x4: {  	s1 =	stileid.u32;
	s0 =	rddreg [dreg:$0x3];
	s11 =	simm.s32 $0x50  }
0x5: {  	s12 =	simm.s32 $0x2710;
	s15 =	simm.s32 $0x0;
	s6 =	sand.u32 $0x1, s3  }
0x6: {  	s7 =	smul.u32 $0x2710, s1;
	s3 =	simm.s32 $0x0;
	s13 =	sshll.u32 s1, $0x6  }
0x7: {  	s8 =	smul.u32 $0x27100, s6;
	s9 =	sshll.u32 s6, $0x4;
	[smem:$0x7FF] =	sst s3  }
0x8: {  	s6 =	ssub.s32 $0x2, s6;
	s13 =	sor.u32 $0x1C02, s13;
	s9 =	sor.u32 s1, s9  }
0x9: {  	s10 =	sshrl.u32 s6, $0x1;
	s8 =	sadd.s32 s7, s8;
	s9 =	smul.u32 $0x4E2, s9  }
0xa: {  	_ =	strace $0x80000047;
	s10 =	ssub.s32 s6, s10;
	s8 =	sshrl.u32 s8, $0x3  }
0xb: {  	s8 =	sadd.s32 s8, s5;
	s4 =	sadd.s32 s4, s9;
	s5 =	sadd.s32 s7, s2  }
0xc: {  	s7 =	smax.u32 s10, $0x1;
	s9 =	simm.s32 $0x2;
	s10 =	simm.s32 $0x1  }
0xd: {  	v0 =	vimm.f32 $1.000000000e+00;
	v1 =	vimm.f32 $0.0e+00;
	s6 =	sadd.s32 $0xC200, s8;
	s8 =	simm.s32 $0x2C10;
	s14 =	sshrl.u32 s5, $0x3  }
.LBB2_1:
0xe: {  	[tilespmem:s3], [sflag:$0x1] =	stream.linear.gather [hbm4b:s4+s3], $0x2710, $0x38;
	[tilespmem:$0x7A30] =	vst v63  }
0xf: {  	s16 =	simm.s32 $0x0  }
.LBB2_2:
0x10: {  	p0 =	sne.s32 s16, $0x13C0  }
.Ltmp0:
0x11: {  	_ = 	snop;
	(pc) =	sbr.rel @p0 .LBB2_2-.Ltmp0, $3  }
0x12: {  	_ =	sdelay $0x1  }
0x13: {  	s17 =	sshra.s32 s16, $0x2  }
0x14: {  	s16 =	sadd.s32 $0x40, s16;
	[tilespmem:s17+$0x2710] =	vst v0  }
0x15: {  	s16 =	simm.s32 $0x40;
	s17 =	simm.s32 $0x0  }
.LBB2_4:
0x16: {  	p0 =	sne.s32 s16, $0x9C00;
	[tilespmem:s17+$0x2C10] =	vst v1;
	s17 =	smov.u32 s16;
	s16 =	sadd.s32 $0x40, s16  }
.Ltmp1:
0x17: {  	(pc) =	sbr.rel @p0 .LBB2_4-.Ltmp1, $2  }
0x18: {  	_ =	sdelay $0x2  }
0x19: {  	s17 =	sshra.s32 s17, $0x2  }
0x1a: {  	[tilespmem:s17+$0x2C10] =	vst v1  }
0x1b: {  	[spmem:s5] =	stream.linear.scatter [tilespmem:s8], [sflag:$0x2], $0x2710, $0x38;
	[tilespmem:$0x7A30] =	vst v63  }
0x1c: {  	_ =	swait.ge [sflag:s9], $0x2710  }
0x1d: {  	[sflag:s9] =	ssyncset.done $0x0  }
0x1e: {  	[sflag:s9] =	ssyncadd.s32 $0xFFFFD8F0  }
0x1f: {  	_ =	swait.ge [sflag:s10], $0x2710  }
0x20: {  	[sflag:s10] =	ssyncset.done $0x0  }
0x21: {  	[sflag:s10] =	ssyncadd.s32 $0xFFFFD8F0  }
0x22: {  	s16 =	simm.s32 $0x0;
	[bflag:$0x0] =	sbarrier.arrive $0xFFFF  }
0x23: {  	[spmem:s2] =	stream.indirect.scatter.add.f32 [tilespmem:s12], [sflag:$0x1], $0x10, s16, s11, $0xb8;
	[tilespmem:$0x7A30] =	vst v63  }
0x24: {  	s28 =	simm.s32 $0x50  }
0x25: {  	[spmem:s2] =	stream.indirect.scatter.add.f32 [tilespmem:s12], [sflag:$0x1], $0x10, s28, s11, $0xb8;
	[tilespmem:$0x7A30] =	vst v63  }
0x26: {  	s29 =	simm.s32 $0xA0  }
0x27: {  	[spmem:s2] =	stream.indirect.scatter.add.f32 [tilespmem:s12], [sflag:$0x1], $0x10, s29, s11, $0xb8;
	[tilespmem:$0x7A30] =	vst v63  }
0x28: {  	s30 =	simm.s32 $0xF0  }
0x29: {  	[spmem:s2] =	stream.indirect.scatter.add.f32 [tilespmem:s12], [sflag:$0x1], $0x10, s30, s11, $0xb8;
	[tilespmem:$0x7A30] =	vst v63  }
0x2a: {  	s31 =	simm.s32 $0x140  }
0x2b: {  	[spmem:s2] =	stream.indirect.scatter.add.f32 [tilespmem:s12], [sflag:$0x1], $0x10, s31, s11, $0xb8;
	[tilespmem:$0x7A30] =	vst v63  }
0x2c: {  	_ =	swait.ge [sflag:s10], $0x500  }
0x2d: {  	[sflag:s10] =	ssyncset.done $0x0  }
0x2e: {  	[sflag:s10] =	ssyncadd.s32 $0xFFFFFB00  }
0x2f: {  	_ =	swait.ge [sflag:s10], $0x500  }
0x30: {  	[sflag:s10] =	ssyncset.done $0x0  }
0x31: {  	[sflag:s10] =	ssyncadd.s32 $0xFFFFFB00  }
0x32: {  	_ =	swait.ge [sflag:s10], $0x500  }
0x33: {  	[sflag:s10] =	ssyncset.done $0x0  }
0x34: {  	[sflag:s10] =	ssyncadd.s32 $0xFFFFFB00  }
0x35: {  	_ =	swait.ge [sflag:s10], $0x500  }
0x36: {  	[sflag:s10] =	ssyncset.done $0x0  }
0x37: {  	[sflag:s10] =	ssyncadd.s32 $0xFFFFFB00  }
0x38: {  	_ =	swait.ge [sflag:s10], $0x500  }
0x39: {  	s17 =	simm.s32 $0xC80;
	s16 =	simm.s32 $0x640;
	[sflag:s10] =	ssyncset.done $0x0  }
.LBB2_6:
0x3a: {  	s18 =	sshra.s32 s16, $0x2  }
0x3b: {  	[sflag:s10] =	ssyncadd.s32 $0xFFFFFB00;
	s16 =	smov.u32 s17;
	s19 =	sadd.s32 $0x640, s17  }
0x3c: {  	[spmem:s2] =	stream.indirect.scatter.add.f32 [tilespmem:s12], [sflag:$0x1], $0x10, s18, s11, $0xb8;
	[tilespmem:$0x7A30] =	vst v63  }
0x3d: {  	p0 =	sne.s32 s17, $0x9600;
	s17 =	sadd.s32 $0x50, s18  }
0x3e: {  	[spmem:s2] =	stream.indirect.scatter.add.f32 [tilespmem:s12], [sflag:$0x1], $0x10, s17, s11, $0xb8;
	[tilespmem:$0x7A30] =	vst v63  }
0x3f: {  	s17 =	sadd.s32 $0xA0, s18  }
0x40: {  	[spmem:s2] =	stream.indirect.scatter.add.f32 [tilespmem:s12], [sflag:$0x1], $0x10, s17, s11, $0xb8;
	[tilespmem:$0x7A30] =	vst v63  }
0x41: {  	s17 =	sadd.s32 $0xF0, s18  }
0x42: {  	[spmem:s2] =	stream.indirect.scatter.add.f32 [tilespmem:s12], [sflag:$0x1], $0x10, s17, s11, $0xb8;
	[tilespmem:$0x7A30] =	vst v63  }
0x43: {  	s17 =	sadd.s32 $0x140, s18  }
0x44: {  	[spmem:s2] =	stream.indirect.scatter.add.f32 [tilespmem:s12], [sflag:$0x1], $0x10, s17, s11, $0xb8;
	[tilespmem:$0x7A30] =	vst v63  }
0x45: {  	_ =	swait.ge [sflag:s10], $0x500  }
0x46: {  	[sflag:s10] =	ssyncset.done $0x0  }
0x47: {  	[sflag:s10] =	ssyncadd.s32 $0xFFFFFB00  }
0x48: {  	_ =	swait.ge [sflag:s10], $0x500  }
0x49: {  	[sflag:s10] =	ssyncset.done $0x0  }
0x4a: {  	[sflag:s10] =	ssyncadd.s32 $0xFFFFFB00  }
0x4b: {  	_ =	swait.ge [sflag:s10], $0x500  }
0x4c: {  	[sflag:s10] =	ssyncset.done $0x0  }
0x4d: {  	[sflag:s10] =	ssyncadd.s32 $0xFFFFFB00  }
.Ltmp2:
0x4e: {  	_ =	swait.ge [sflag:s10], $0x500;
	(pc) =	sbr.rel @p0 .LBB2_6-.Ltmp2, $4  }
0x4f: {  	[sflag:s10] =	ssyncset.done $0x0  }
0x50: {  	[sflag:s10] =	ssyncadd.s32 $0xFFFFFB00  }
0x51: {  	_ =	swait.ge [sflag:s10], $0x500  }
0x52: {  	s17 =	smov.u32 s19;
	[sflag:s10] =	ssyncset.done $0x0  }
0x53: {  	s16 =	sshra.s32 s16, $0x2;
	[sflag:s10] =	ssyncadd.s32 $0xFFFFFB00  }
0x54: {  	[spmem:s2] =	stream.indirect.scatter.add.f32 [tilespmem:s12], [sflag:$0x1], $0x10, s16, s11, $0xb8;
	[tilespmem:$0x7A30] =	vst v63  }
0x55: {  	s17 =	sadd.s32 $0x50, s16  }
0x56: {  	[spmem:s2] =	stream.indirect.scatter.add.f32 [tilespmem:s12], [sflag:$0x1], $0x10, s17, s11, $0xb8;
	[tilespmem:$0x7A30] =	vst v63  }
0x57: {  	s30 =	sadd.s32 $0xA0, s16  }
0x58: {  	[spmem:s2] =	stream.indirect.scatter.add.f32 [tilespmem:s12], [sflag:$0x1], $0x10, s30, s11, $0xb8;
	[tilespmem:$0x7A30] =	vst v63  }
0x59: {  	s31 =	sadd.s32 $0xF0, s16  }
0x5a: {  	[spmem:s2] =	stream.indirect.scatter.add.f32 [tilespmem:s12], [sflag:$0x1], $0x10, s31, s11, $0xb8;
	[tilespmem:$0x7A30] =	vst v63  }
0x5b: {  	s16 =	sadd.s32 $0x140, s16  }
0x5c: {  	[spmem:s2] =	stream.indirect.scatter.add.f32 [tilespmem:s12], [sflag:$0x1], $0x10, s16, s11, $0xb8;
	[tilespmem:$0x7A30] =	vst v63  }
0x5d: {  	_ =	swait.ge [sflag:s10], $0x500  }
0x5e: {  	[sflag:s10] =	ssyncset.done $0x0  }
0x5f: {  	[sflag:s10] =	ssyncadd.s32 $0xFFFFFB00  }
0x60: {  	_ =	swait.ge [sflag:s10], $0x500  }
0x61: {  	[sflag:s10] =	ssyncset.done $0x0  }
0x62: {  	[sflag:s10] =	ssyncadd.s32 $0xFFFFFB00  }
0x63: {  	_ =	swait.ge [sflag:s10], $0x500  }
0x64: {  	[sflag:s10] =	ssyncset.done $0x0  }
0x65: {  	[sflag:s10] =	ssyncadd.s32 $0xFFFFFB00  }
0x66: {  	_ =	swait.ge [sflag:s10], $0x500  }
0x67: {  	[sflag:s10] =	ssyncset.done $0x0  }
0x68: {  	[sflag:s10] =	ssyncadd.s32 $0xFFFFFB00  }
0x69: {  	_ =	swait.ge [sflag:s10], $0x500  }
0x6a: {  	s15 =	sadd.s32 $0x1, s15;
	[sflag:s10] =	ssyncset.done $0x0  }
0x6b: {  	p0 =	sne.s32 s15, s7;
	[sflag:s10] =	ssyncadd.s32 $0xFFFFFB00  }
.Ltmp3:
0x6c: {  	[bflag:$0x0] =	sbarrier.arrive $0xFFFF;
	(pc) =	sbr.rel @p0 .LBB2_1-.Ltmp3, $4  }
0x6d: {  	[hbm:s6], [sflag:s13] =	dma.local [spmem:s14], $0x4E2  }
0x6e: {  	_ =	swait.ge [sflag:s9], $0x4E2  }
0x6f: {  	[sflag:s9] =	ssyncset.done $0x0  }
0x70: {  	[sflag:s9] =	ssyncadd.s32 $0xFFFFFB1E  }
0x71: {  	_ =	sfence.sel $0x180000  }
0x72: {  	[bflag:$0x0] =	sbarrier.arrive $0xFFFF  }
0x73: {  	p0 =	sne.s32 s1, $0x0;
	_ =	strace $0x90000047  }
0x74: {  	s0 =	sadd.s32 @!p0 $0x100000, s0;
	[bflag:$0x2] =	sbarrier.arrive $0xFFFF  }
0x75: {  	[sflag:s0] =	ssyncadd.tile.s32 @!p0 $0x1;
	_ =	shalt  }
.Lfunc_end2:
_tile_overlayer_lowered:
.L_overlay_start_2:
0x76: {  	(tag) =	ssettag $0x2  }
0x77: {  	s0 =	rddreg [dreg:$0x0];
	s2 =	stileid.u32  }
0x78: {  	s1 =	rddreg [dreg:$0x1];
	p0 =	sne.s32 s2, $0x0  }
0x79: {  	s3 =	rddreg [dreg:$0x2];
	[bflag:$0x3] =	sbarrier.arrive $0xFFFF;
	s2 =	simm.s32 @!p0 $0x1C02  }
0x7a: {  	[timem:s3], [sflag:s2] =	dma.local @!p0 [hbm:s0], s1  }
0x7b: {  	s0 =	simm.s32 @!p0 $0x2  }
0x7c: {  	_ =	swait.ge @!p0 [sflag:s0], s1  }
0x7d: {  	s1 =	ssub.s32 @!p0 $0x0, s1;
	[sflag:s0] =	ssyncset.done @!p0 $0x0  }
0x7e: {  	[sflag:s0] =	ssyncadd.s32 @!p0 s1  }
0x7f: {  	[bflag:$0x3] =	sbarrier.arrive $0xFFFF  }
0x80: {  	_ =	shalt  }

</sc_bundles>
